<compile_context>
chip_gen: v7x
topology: tpu7x:2x2x1
jax: 0.10.2.dev20260603
libtpu: 0.0.44.dev20260713+nightly
codegen_flags: <defaults>
</compile_context>

<pallas_src>
import functools

import jax
import jax.numpy as jnp
from jax import lax
from jax.experimental import pallas as pl
from jax.experimental.pallas import tpu as pltpu
from jax.experimental.pallas import tpu_sc as plsc

NN = 10000
EE = 320000
GG = 128
DH = 128
DO = 64

NC, NS = 2, 16
NW = NC * NS
EW = EE // NW
CH = 80
NJ = EW // CH

NP = 10240
NPW = NP // NW
NJB = NPW // CH
RT = NP // NS
GC = 136
UW = GG * NP
UT = UW // NS
UZ = 4096
RNODE = 1024

_mesh = plsc.VectorSubcoreMesh(core_axis_name="c", subcore_axis_name="s")
_sc_params = pltpu.CompilerParams(needs_layout_passes=False, use_tc_tiling_on_sc=False)


@functools.partial(
    pl.kernel,
    out_type=(
        jax.ShapeDtypeStruct((NC, NP), jnp.float32),
        jax.ShapeDtypeStruct((NC, GC), jnp.float32),
    ),
    mesh=_mesh,
    compiler_params=_sc_params,
    scratch_types=[
        pltpu.VMEM((NJ, CH), jnp.int32),
        pltpu.VMEM((NJB, CH), jnp.int32),
        pltpu.VMEM((RT,), jnp.float32),
        pltpu.VMEM((CH,), jnp.float32),
        pltpu.VMEM_SHARED((NP,), jnp.float32),
        pltpu.VMEM_SHARED((GC,), jnp.float32),
    ],
)
def _sc_degree(dst_h, batch_h, deg_out, cnt_out, dstv, bv, zb, onev, deg_s, cnt_s):
    c = lax.axis_index("c")
    s = lax.axis_index("s")
    wid = s * NC + c

    def zstep(i, carry):
        zb[pl.ds(i * 16, 16)] = jnp.zeros((16,), jnp.float32)
        return carry

    lax.fori_loop(0, RT // 16, zstep, 0)
    for k in range(CH // 16):
        onev[pl.ds(k * 16, 16)] = jnp.ones((16,), jnp.float32)

    pltpu.sync_copy(zb, deg_s.at[pl.ds(s * RT, RT)])

    @pl.when(s == 0)
    def _():
        pltpu.sync_copy(zb.at[pl.ds(0, GC)], cnt_s)

    pltpu.sync_copy(dst_h.at[wid], dstv)
    pltpu.sync_copy(batch_h.at[wid], bv)
    plsc.subcore_barrier()

    def estep(j, carry):
        pltpu.sync_copy(onev, deg_s.at[dstv.at[j]], add=True)
        return carry

    lax.fori_loop(0, NJ, estep, 0)

    def bstep(j, carry):
        pltpu.sync_copy(onev, cnt_s.at[bv.at[j]], add=True)
        return carry

    lax.fori_loop(0, NJB, bstep, 0)
    plsc.subcore_barrier()

    pltpu.sync_copy(deg_s.at[pl.ds(s * RT, RT)], deg_out.at[c, pl.ds(s * RT, RT)])

    @pl.when(s == 0)
    def _():
        pltpu.sync_copy(cnt_s, cnt_out.at[c])


@functools.partial(
    pl.kernel,
    out_type=jax.ShapeDtypeStruct((NC, NP, DH), jnp.float32),
    mesh=_mesh,
    compiler_params=_sc_params,
    scratch_types=[
        pltpu.VMEM((NJ, CH), jnp.int32),
        pltpu.VMEM((NJ, CH), jnp.int32),
        pltpu.VMEM((2, CH, DH), jnp.float32),
        pltpu.VMEM((32, DH), jnp.float32),
        pltpu.VMEM_SHARED((NP, DH), jnp.float32),
        pltpu.SemaphoreType.DMA((2,)),
        pltpu.SemaphoreType.DMA((2,)),
    ],
)
def _sc_scatter_rows(y_h, src_h, dst_h, z_out, srcv, dstv, rows, zb, z_s, sems,
                     ssem):
    c = lax.axis_index("c")
    s = lax.axis_index("s")
    wid = s * NC + c

    def zfill(i, carry):
        zb[i // 8, pl.ds((i % 8) * 16, 16)] = jnp.zeros((16,), jnp.float32)
        return carry

    lax.fori_loop(0, 32 * (DH // 16), zfill, 0)
    for t in range(RT // 32):
        pltpu.sync_copy(zb, z_s.at[pl.ds(s * RT + t * 32, 32)])

    pltpu.sync_copy(src_h.at[wid], srcv)
    pltpu.sync_copy(dst_h.at[wid], dstv)
    plsc.subcore_barrier()

    pltpu.async_copy(y_h.at[srcv.at[0]], rows.at[0], sems.at[0])

    def estep(j, carry):
        b = lax.rem(j, 2)
        nb = lax.rem(j + 1, 2)

        @pl.when(j + 1 < NJ)
        def _():
            pltpu.async_copy(y_h.at[srcv.at[j + 1]], rows.at[nb], sems.at[nb])

        pltpu.make_async_copy(y_h.at[srcv.at[j]], rows.at[b], sems.at[b]).wait()
        pltpu.sync_copy(rows.at[b], z_s.at[dstv.at[j]], add=True)
        return carry

    lax.fori_loop(0, NJ, estep, 0)
    plsc.subcore_barrier()

    for t in range(RT // 128):
        pltpu.sync_copy(
            z_s.at[pl.ds(s * RT + t * 128, 128)],
            z_out.at[c, pl.ds(s * RT + t * 128, 128)],
        )


@functools.partial(
    pl.kernel,
    out_type=jax.ShapeDtypeStruct((NC, UW), jnp.float32),
    mesh=_mesh,
    compiler_params=_sc_params,
    scratch_types=[
        pltpu.VMEM((NJ, CH), jnp.int32),
        pltpu.VMEM((NJ, CH), jnp.int32),
        pltpu.VMEM((NP,), jnp.float32),
        pltpu.VMEM((NP,), jnp.int32),
        pltpu.VMEM((2, CH), jnp.int32),
        pltpu.VMEM((2, CH), jnp.float32),
        pltpu.VMEM((UZ,), jnp.float32),
        pltpu.VMEM_SHARED((UW,), jnp.float32),
        pltpu.SemaphoreType.DMA((2,)),
    ],
)
def _sc_scatter_u(dinv_h, b_h, src_h, dst_h, u_out, srcv, dstv, dinvv, bv,
                  idxb, valb, zb, u_s, ssem):
    c = lax.axis_index("c")
    s = lax.axis_index("s")
    wid = s * NC + c

    def zfill(i, carry):
        zb[pl.ds(i * 16, 16)] = jnp.zeros((16,), jnp.float32)
        return carry

    lax.fori_loop(0, UZ // 16, zfill, 0)
    for t in range(UT // UZ):
        pltpu.sync_copy(zb, u_s.at[pl.ds(s * UT + t * UZ, UZ)])

    pltpu.sync_copy(src_h.at[wid], srcv)
    pltpu.sync_copy(dst_h.at[wid], dstv)
    pltpu.sync_copy(dinv_h.at[0], dinvv)
    pltpu.sync_copy(b_h.at[0], bv)
    plsc.subcore_barrier()

    def estep(j, carry):
        b = lax.rem(j, 2)

        @pl.when(j >= 2)
        def _():
            pltpu.make_async_copy(valb.at[b], u_s.at[idxb.at[b]], ssem.at[b]).wait()

        for k in range(CH // 16):
            d16 = dstv[j, pl.ds(k * 16, 16)]
            s16 = srcv[j, pl.ds(k * 16, 16)]
            dv = plsc.load_gather(dinvv, [d16])
            b16 = plsc.load_gather(bv, [d16])
            idxb[b, pl.ds(k * 16, 16)] = b16 * NP + s16
            valb[b, pl.ds(k * 16, 16)] = dv
        pltpu.async_copy(valb.at[b], u_s.at[idxb.at[b]], ssem.at[b], add=True)
        return carry

    lax.fori_loop(0, NJ, estep, 0)
    for b in range(2):
        pltpu.make_async_copy(valb.at[b], u_s.at[idxb.at[b]], ssem.at[b]).wait()
    plsc.subcore_barrier()

    for t in range(UT // UZ):
        pltpu.sync_copy(
            u_s.at[pl.ds(s * UT + t * UZ, UZ)],
            u_out.at[c, pl.ds(s * UT + t * UZ, UZ)],
        )


def _tc1_body(x_ref, w1_ref, deg_ref, y_ref, dinv_ref):
    dsum = deg_ref[0:1, :] + deg_ref[1:2, :]
    dinv = jnp.where(dsum > 0.0, lax.rsqrt(dsum), 0.0)
    xw = jnp.dot(x_ref[...], w1_ref[...], preferred_element_type=jnp.float32)
    y_ref[...] = xw * jnp.reshape(dinv, (RNODE, 1))
    dinv_ref[...] = dinv


def _tc1(x_pad, W1, deg_p):
    return pl.pallas_call(
        _tc1_body,
        grid=(NP // RNODE,),
        in_specs=[
            pl.BlockSpec((RNODE, DH), lambda i: (i, 0)),
            pl.BlockSpec((DH, DH), lambda i: (0, 0)),
            pl.BlockSpec((NC, RNODE), lambda i: (0, i)),
        ],
        out_specs=[
            pl.BlockSpec((RNODE, DH), lambda i: (i, 0)),
            pl.BlockSpec((1, RNODE), lambda i: (0, i)),
        ],
        out_shape=[
            jax.ShapeDtypeStruct((NP, DH), jnp.float32),
            jax.ShapeDtypeStruct((1, NP), jnp.float32),
        ],
    )(x_pad, W1, deg_p)


def _tc2_body(z_ref, dinv_ref, u_ref, ct_ref, w2_ref, wl_ref, b1_ref, b2_ref,
              bl_ref, out_ref, acc):
    i = pl.program_id(0)

    @pl.when(i == 0)
    def _():
        acc[...] = jnp.zeros_like(acc)

    z = z_ref[0] + z_ref[1]
    dinv = jnp.reshape(dinv_ref[...], (RNODE, 1))
    h = jnp.maximum(z * dinv + b1_ref[...], 0.0)
    hp = h * dinv
    u = u_ref[0] + u_ref[1]
    acc[...] += jnp.dot(u, hp, preferred_element_type=jnp.float32)

    @pl.when(i == pl.num_programs(0) - 1)
    def _():
        w2l = jnp.dot(w2_ref[...], wl_ref[...], preferred_element_type=jnp.float32)
        csum = ct_ref[0:1, :GG] + ct_ref[1:2, :GG]
        ct = jnp.maximum(jnp.reshape(csum, (GG, 1)), 1.0)
        t = acc[...] / ct
        out_ref[...] = (
            jnp.dot(t, w2l, preferred_element_type=jnp.float32)
            + jnp.dot(b2_ref[...], wl_ref[...], preferred_element_type=jnp.float32)
            + bl_ref[...]
        )


def _tc2(z_p, dinv_row, u3, cnt_p, W2, Wl, b1r, b2r, blr):
    return pl.pallas_call(
        _tc2_body,
        grid=(NP // RNODE,),
        in_specs=[
            pl.BlockSpec((NC, RNODE, DH), lambda i: (0, i, 0)),
            pl.BlockSpec((1, RNODE), lambda i: (0, i)),
            pl.BlockSpec((NC, GG, RNODE), lambda i: (0, 0, i)),
            pl.BlockSpec((NC, GC), lambda i: (0, 0)),
            pl.BlockSpec((DH, DH), lambda i: (0, 0)),
            pl.BlockSpec((DH, DO), lambda i: (0, 0)),
            pl.BlockSpec((1, DH), lambda i: (0, 0)),
            pl.BlockSpec((1, DH), lambda i: (0, 0)),
            pl.BlockSpec((1, DO), lambda i: (0, 0)),
        ],
        out_specs=pl.BlockSpec((GG, DO), lambda i: (0, 0)),
        out_shape=jax.ShapeDtypeStruct((GG, DO), jnp.float32),
        scratch_shapes=[pltpu.VMEM((GG, DH), jnp.float32)],
    )(z_p, dinv_row, u3, cnt_p, W2, Wl, b1r, b2r, blr)


@jax.jit
def kernel(x, edge_index, edge_attr, batch, W1, b1, W2, b2, Wl, bl):
    del edge_attr
    src3 = edge_index[0].reshape(NW, NJ, CH)
    dst3 = edge_index[1].reshape(NW, NJ, CH)
    batch_p = jnp.concatenate(
        [batch, jnp.full((NP - NN,), GG, dtype=jnp.int32)]
    )
    x_pad = jnp.concatenate(
        [x, jnp.zeros((NP - NN, DH), dtype=jnp.float32)], axis=0
    )

    deg_p, cnt_p = _sc_degree(dst3, batch_p.reshape(NW, NJB, CH))
    y, dinv_row = _tc1(x_pad, W1, deg_p)
    z_p = _sc_scatter_rows(y, src3, dst3)
    u_p = _sc_scatter_u(dinv_row, batch_p.reshape(1, NP), src3, dst3)
    logits = _tc2(
        z_p,
        dinv_row,
        u_p.reshape(NC, GG, NP),
        cnt_p,
        W2,
        Wl,
        b1.reshape(1, DH),
        b2.reshape(1, DH),
        bl.reshape(1, DO),
    )
    return logits

# --- scband reference (transcript-rebuilt; emitter-appended) ---
"""Pipeline reference for scband-my-graph-gcn-25074019074259 (READ-ONLY COPY).

The authoritative reference and input builder live on the scoring server;
editing this copy changes nothing except your own understanding.
"""

import jax, jax.numpy as jnp
import numpy as np

N, E, G = 10000, 320000, 128
D_IN, D_H, D_OUT = 128, 128, 64


def setup_inputs(seed: int = 0) -> dict:
    key = jax.random.key(seed)
    ks = jax.random.split(key, 10)
    x = jax.random.normal(ks[0], (N, D_IN), dtype=jnp.float32)
    edge_index = jax.random.randint(ks[1], (2, E), 0, N, dtype=jnp.int32)
    edge_attr = jax.random.uniform(ks[2], (E,), dtype=jnp.float32)
    batch = jnp.sort(jax.random.randint(ks[3], (N,), 0, G, dtype=jnp.int32))
    W1 = jax.random.normal(ks[4], (D_IN, D_H), dtype=jnp.float32) * 0.05
    b1 = jnp.zeros((D_H,), dtype=jnp.float32)
    W2 = jax.random.normal(ks[5], (D_H, D_H), dtype=jnp.float32) * 0.05
    b2 = jnp.zeros((D_H,), dtype=jnp.float32)
    Wl = jax.random.normal(ks[6], (D_H, D_OUT), dtype=jnp.float32) * 0.05
    bl = jnp.zeros((D_OUT,), dtype=jnp.float32)
    return {"x": x, "edge_index": edge_index, "edge_attr": edge_attr, "batch": batch,
            "W1": W1, "b1": b1, "W2": W2, "b2": b2, "Wl": Wl, "bl": bl}


def gcn_conv(x, W, b, src, dst, n):
    # GCNConv (add_self_loops=False, edge_weight=None):
    # deg from unit edge weights scattered at dst, symmetric normalization,
    # message x_j * norm gathered from src, scatter-added at dst, plus bias.
    xw = x @ W
    deg = jnp.zeros((n,), dtype=x.dtype).at[dst].add(1.0)
    dinv = jnp.where(deg > 0, deg ** -0.5, 0.0)
    norm = dinv[src] * dinv[dst]
    agg = jnp.zeros_like(xw).at[dst].add(xw[src] * norm[:, None])
    return agg + b


def reference(x, edge_index, edge_attr, batch, W1, b1, W2, b2, Wl, bl):
    # is_edge_attr=False -> edge_attr unused; dropout in eval mode (identity)
    src, dst = edge_index[0], edge_index[1]
    h = gcn_conv(x, W1, b1, src, dst, N)
    h = jax.nn.relu(h)
    h = gcn_conv(h, W2, b2, src, dst, N)
    # global_mean_pool over batch segments
    sums = jax.ops.segment_sum(h, batch, num_segments=G)
    counts = jax.ops.segment_sum(jnp.ones((N,), dtype=h.dtype), batch, num_segments=G)
    pooled = sums / jnp.clip(counts, 1.0)[:, None]
    logits = pooled @ Wl + bl
    return logits

if __name__ == "__main__":
    import jax
    _d = setup_inputs()
    print(jax.jit(kernel)(*tuple(_d.values())))

</pallas_src>

<mosaic_0001>
#map = affine_map<(d0, d1) -> (0, 0)>
#map1 = affine_map<(d0, d1) -> (0, 0, 0)>
module attributes {stable_mosaic.version = 14 : i64} {
  func.func @_sc_scatter_rows(%arg0: i32, %arg1: i32, %arg2: memref<10240x128xf32, #tpu.memory_space<hbm>>, %arg3: memref<32x125x80xi32, #tpu.memory_space<hbm>>, %arg4: memref<32x125x80xi32, #tpu.memory_space<hbm>>, %arg5: memref<2x10240x128xf32, #tpu.memory_space<hbm>>, %arg6: memref<125x80xi32, #tpu.memory_space<vmem>>, %arg7: memref<125x80xi32, #tpu.memory_space<vmem>>, %arg8: memref<2x80x128xf32, #tpu.memory_space<vmem>>, %arg9: memref<32x128xf32, #tpu.memory_space<vmem>>, %arg10: memref<10240x128xf32, #tpu.memory_space<vmem_shared>>, %arg11: memref<2x!tpu.dma_semaphore, #tpu.memory_space<semaphore_mem>>, %arg12: memref<2x!tpu.dma_semaphore, #tpu.memory_space<semaphore_mem>>) attributes {dimension_semantics = [#tpu.dimension_semantics<core_parallel>, #tpu.dimension_semantics<subcore_parallel>], iteration_bounds = array<i64: 2, 16>, scalar_prefetch = 0 : i64, scratch_operands = 7 : i64, tpu.core_type = #tpu.core_type<sc_vector_subcore>, window_params = [{transform_indices = #map}, {transform_indices = #map1}, {transform_indices = #map1}, {transform_indices = #map1}]} {
    %mul3A = arith.constant 2 : i32
    %mul3A_0 = arith.muli %arg1, %mul3A : i32
    %add3A = arith.addi %mul3A_0, %arg0 : i32
    %scan3A = arith.constant 0 : i32
    %scan3A_1 = arith.constant 0 : i32
    %scan3A_2 = arith.constant 256 : i32
    %scan3A_3 = arith.addi %scan3A_1, %scan3A_2 : i32
    %scan3A_4 = arith.constant 1 : i32
    scf.for %scan3A_147 = %scan3A_1 to %scan3A_3 step %scan3A_4  : i32 {
      %broadcast_in_dim3A = arith.constant 0.000000e+00 : f32
      %broadcast_in_dim3A_148 = vector.broadcast %broadcast_in_dim3A : f32 to vector<16xf32>
      %jit3A = arith.constant 8 : i32
      %div3A = arith.divsi %scan3A_147, %jit3A : i32
      %sign3A = arith.constant 0 : i32
      %sign3A_149 = arith.cmpi sgt, %scan3A_147, %sign3A : i32
      %sign3A_150 = arith.extui %sign3A_149 : i1 to i32
      %sign3A_151 = arith.constant 0 : i32
      %sign3A_152 = arith.cmpi slt, %scan3A_147, %sign3A_151 : i32
      %sign3A_153 = arith.extui %sign3A_152 : i1 to i32
      %sign3A_154 = arith.subi %sign3A_150, %sign3A_153 : i32
      %sign3A_155 = arith.constant 0 : i32
      %sign3A_156 = arith.cmpi sgt, %jit3A, %sign3A_155 : i32
      %sign3A_157 = arith.extui %sign3A_156 : i1 to i32
      %sign3A_158 = arith.constant 0 : i32
      %sign3A_159 = arith.cmpi slt, %jit3A, %sign3A_158 : i32
      %sign3A_160 = arith.extui %sign3A_159 : i1 to i32
      %sign3A_161 = arith.subi %sign3A_157, %sign3A_160 : i32
      %ne3A = arith.cmpi ne, %sign3A_154, %sign3A_161 : i32
      %rem3A = arith.remsi %scan3A_147, %jit3A : i32
      %ne3A_162 = arith.constant 0 : i32
      %ne3A_163 = arith.cmpi ne, %rem3A, %ne3A_162 : i32
      %and3A = arith.andi %ne3A, %ne3A_163 : i1
      %sub3A = arith.constant 1 : i32
      %sub3A_164 = arith.subi %div3A, %sub3A : i32
      %select_n3A = arith.select %and3A, %sub3A_164, %div3A : i32
      %jit3A_165 = arith.constant 8 : i32
      %eq3A = arith.constant 0 : i32
      %eq3A_166 = arith.cmpi eq, %jit3A_165, %eq3A : i32
      %jit3A_167 = arith.constant 1 : i32
      %select_n3A_168 = arith.select %eq3A_166, %jit3A_167, %jit3A_165 : i32
      %rem3A_169 = arith.remsi %scan3A_147, %select_n3A_168 : i32
      %ne3A_170 = arith.constant 0 : i32
      %ne3A_171 = arith.cmpi ne, %rem3A_169, %ne3A_170 : i32
      %lt3A = arith.constant 0 : i32
      %lt3A_172 = arith.cmpi slt, %rem3A_169, %lt3A : i32
      %lt3A_173 = arith.constant 0 : i32
      %lt3A_174 = arith.cmpi slt, %select_n3A_168, %lt3A_173 : i32
      %ne3A_175 = arith.xori %lt3A_172, %lt3A_174 : i1
      %and3A_176 = arith.andi %ne3A_175, %ne3A_171 : i1
      %add3A_177 = arith.addi %rem3A_169, %select_n3A_168 : i32
      %select_n3A_178 = arith.select %and3A_176, %add3A_177, %rem3A_169 : i32
      %mul3A_179 = arith.constant 16 : i32
      %mul3A_180 = arith.muli %select_n3A_178, %mul3A_179 : i32
      %swap3A = arith.index_cast %select_n3A : i32 to index
      %swap3A_181 = arith.index_cast %mul3A_180 : i32 to index
      %swap3A_182 = tpu.vector_load %arg9[%swap3A, %swap3A_181] {strides = array<i32>} : memref<32x128xf32, #tpu.memory_space<vmem>>, vector<16xf32>,
      tpu.vector_store %arg9[%swap3A, %swap3A_181], %broadcast_in_dim3A_148 {strides = array<i32>} : memref<32x128xf32, #tpu.memory_space<vmem>>, vector<16xf32>,
    }
    %scan3A_5 = arith.constant 256 : i32
    %mul3A_6 = arith.constant 640 : i32
    %mul3A_7 = arith.muli %arg1, %mul3A_6 : i32
    %add3A_8 = arith.constant 0 : i32
    %add3A_9 = arith.addi %mul3A_7, %add3A_8 : i32
    "tpu.region"() ({
      %run_scoped3A = tpu.sem_alloc : memref<!tpu.dma_semaphore, #tpu.memory_space<semaphore_mem>>
      %dma_start3A_147 = arith.constant 0 : i32
      %dma_start3A_148 = tpu.memref_slice %arg10[%add3A_9, %dma_start3A_147] : memref<10240x128xf32, #tpu.memory_space<vmem_shared>> -> memref<32x128xf32, #tpu.memory_space<vmem_shared>>
      %dma_start3A_149 = arith.constant 0 : i32
      %dma_start3A_150 = tpu.memref_slice %arg10[%add3A_9, %dma_start3A_149] : memref<10240x128xf32, #tpu.memory_space<vmem_shared>> -> memref<32x128xf32, #tpu.memory_space<vmem_shared>>
      tpu.enqueue_dma source(%arg9 : memref<32x128xf32, #tpu.memory_space<vmem>>) target(%dma_start3A_150 : memref<32x128xf32, #tpu.memory_space<vmem_shared>>) target_semaphore(%run_scoped3A : memref<!tpu.dma_semaphore, #tpu.memory_space<semaphore_mem>>)
      %dma_wait3A = arith.constant 0 : i32
      %dma_wait3A_151 = tpu.memref_slice %arg10[%add3A_9, %dma_wait3A] : memref<10240x128xf32, #tpu.memory_space<vmem_shared>> -> memref<32x128xf32, #tpu.memory_space<vmem_shared>>
      %dma_wait3A_152 = arith.constant 0 : i32
      %dma_wait3A_153 = tpu.memref_slice %arg10[%add3A_9, %dma_wait3A_152] : memref<10240x128xf32, #tpu.memory_space<vmem_shared>> -> memref<32x128xf32, #tpu.memory_space<vmem_shared>>
      tpu.wait_dma2 semaphore(%run_scoped3A : memref<!tpu.dma_semaphore, #tpu.memory_space<semaphore_mem>>) src(%arg9 : memref<32x128xf32, #tpu.memory_space<vmem>>) dst(%dma_wait3A_153 : memref<32x128xf32, #tpu.memory_space<vmem_shared>>)
      tpu.yield
    }) : () -> ()
    %mul3A_10 = arith.constant 640 : i32
    %mul3A_11 = arith.muli %arg1, %mul3A_10 : i32
    %add3A_12 = arith.constant 32 : i32
    %add3A_13 = arith.addi %mul3A_11, %add3A_12 : i32
    "tpu.region"() ({
      %run_scoped3A = tpu.sem_alloc : memref<!tpu.dma_semaphore, #tpu.memory_space<semaphore_mem>>
      %dma_start3A_147 = arith.constant 0 : i32
      %dma_start3A_148 = tpu.memref_slice %arg10[%add3A_13, %dma_start3A_147] : memref<10240x128xf32, #tpu.memory_space<vmem_shared>> -> memref<32x128xf32, #tpu.memory_space<vmem_shared>>
      %dma_start3A_149 = arith.constant 0 : i32
      %dma_start3A_150 = tpu.memref_slice %arg10[%add3A_13, %dma_start3A_149] : memref<10240x128xf32, #tpu.memory_space<vmem_shared>> -> memref<32x128xf32, #tpu.memory_space<vmem_shared>>
      tpu.enqueue_dma source(%arg9 : memref<32x128xf32, #tpu.memory_space<vmem>>) target(%dma_start3A_150 : memref<32x128xf32, #tpu.memory_space<vmem_shared>>) target_semaphore(%run_scoped3A : memref<!tpu.dma_semaphore, #tpu.memory_space<semaphore_mem>>)
      %dma_wait3A = arith.constant 0 : i32
      %dma_wait3A_151 = tpu.memref_slice %arg10[%add3A_13, %dma_wait3A] : memref<10240x128xf32, #tpu.memory_space<vmem_shared>> -> memref<32x128xf32, #tpu.memory_space<vmem_shared>>
      %dma_wait3A_152 = arith.constant 0 : i32
      %dma_wait3A_153 = tpu.memref_slice %arg10[%add3A_13, %dma_wait3A_152] : memref<10240x128xf32, #tpu.memory_space<vmem_shared>> -> memref<32x128xf32, #tpu.memory_space<vmem_shared>>
      tpu.wait_dma2 semaphore(%run_scoped3A : memref<!tpu.dma_semaphore, #tpu.memory_space<semaphore_mem>>) src(%arg9 : memref<32x128xf32, #tpu.memory_space<vmem>>) dst(%dma_wait3A_153 : memref<32x128xf32, #tpu.memory_space<vmem_shared>>)
      tpu.yield
    }) : () -> ()
    %mul3A_14 = arith.constant 640 : i32
    %mul3A_15 = arith.muli %arg1, %mul3A_14 : i32
    %add3A_16 = arith.constant 64 : i32
    %add3A_17 = arith.addi %mul3A_15, %add3A_16 : i32
    "tpu.region"() ({
      %run_scoped3A = tpu.sem_alloc : memref<!tpu.dma_semaphore, #tpu.memory_space<semaphore_mem>>
      %dma_start3A_147 = arith.constant 0 : i32
      %dma_start3A_148 = tpu.memref_slice %arg10[%add3A_17, %dma_start3A_147] : memref<10240x128xf32, #tpu.memory_space<vmem_shared>> -> memref<32x128xf32, #tpu.memory_space<vmem_shared>>
      %dma_start3A_149 = arith.constant 0 : i32
      %dma_start3A_150 = tpu.memref_slice %arg10[%add3A_17, %dma_start3A_149] : memref<10240x128xf32, #tpu.memory_space<vmem_shared>> -> memref<32x128xf32, #tpu.memory_space<vmem_shared>>
      tpu.enqueue_dma source(%arg9 : memref<32x128xf32, #tpu.memory_space<vmem>>) target(%dma_start3A_150 : memref<32x128xf32, #tpu.memory_space<vmem_shared>>) target_semaphore(%run_scoped3A : memref<!tpu.dma_semaphore, #tpu.memory_space<semaphore_mem>>)
      %dma_wait3A = arith.constant 0 : i32
      %dma_wait3A_151 = tpu.memref_slice %arg10[%add3A_17, %dma_wait3A] : memref<10240x128xf32, #tpu.memory_space<vmem_shared>> -> memref<32x128xf32, #tpu.memory_space<vmem_shared>>
      %dma_wait3A_152 = arith.constant 0 : i32
      %dma_wait3A_153 = tpu.memref_slice %arg10[%add3A_17, %dma_wait3A_152] : memref<10240x128xf32, #tpu.memory_space<vmem_shared>> -> memref<32x128xf32, #tpu.memory_space<vmem_shared>>
      tpu.wait_dma2 semaphore(%run_scoped3A : memref<!tpu.dma_semaphore, #tpu.memory_space<semaphore_mem>>) src(%arg9 : memref<32x128xf32, #tpu.memory_space<vmem>>) dst(%dma_wait3A_153 : memref<32x128xf32, #tpu.memory_space<vmem_shared>>)
      tpu.yield
    }) : () -> ()
    %mul3A_18 = arith.constant 640 : i32
    %mul3A_19 = arith.muli %arg1, %mul3A_18 : i32
    %add3A_20 = arith.constant 96 : i32
    %add3A_21 = arith.addi %mul3A_19, %add3A_20 : i32
    "tpu.region"() ({
      %run_scoped3A = tpu.sem_alloc : memref<!tpu.dma_semaphore, #tpu.memory_space<semaphore_mem>>
      %dma_start3A_147 = arith.constant 0 : i32
      %dma_start3A_148 = tpu.memref_slice %arg10[%add3A_21, %dma_start3A_147] : memref<10240x128xf32, #tpu.memory_space<vmem_shared>> -> memref<32x128xf32, #tpu.memory_space<vmem_shared>>
      %dma_start3A_149 = arith.constant 0 : i32
      %dma_start3A_150 = tpu.memref_slice %arg10[%add3A_21, %dma_start3A_149] : memref<10240x128xf32, #tpu.memory_space<vmem_shared>> -> memref<32x128xf32, #tpu.memory_space<vmem_shared>>
      tpu.enqueue_dma source(%arg9 : memref<32x128xf32, #tpu.memory_space<vmem>>) target(%dma_start3A_150 : memref<32x128xf32, #tpu.memory_space<vmem_shared>>) target_semaphore(%run_scoped3A : memref<!tpu.dma_semaphore, #tpu.memory_space<semaphore_mem>>)
      %dma_wait3A = arith.constant 0 : i32
      %dma_wait3A_151 = tpu.memref_slice %arg10[%add3A_21, %dma_wait3A] : memref<10240x128xf32, #tpu.memory_space<vmem_shared>> -> memref<32x128xf32, #tpu.memory_space<vmem_shared>>
      %dma_wait3A_152 = arith.constant 0 : i32
      %dma_wait3A_153 = tpu.memref_slice %arg10[%add3A_21, %dma_wait3A_152] : memref<10240x128xf32, #tpu.memory_space<vmem_shared>> -> memref<32x128xf32, #tpu.memory_space<vmem_shared>>
      tpu.wait_dma2 semaphore(%run_scoped3A : memref<!tpu.dma_semaphore, #tpu.memory_space<semaphore_mem>>) src(%arg9 : memref<32x128xf32, #tpu.memory_space<vmem>>) dst(%dma_wait3A_153 : memref<32x128xf32, #tpu.memory_space<vmem_shared>>)
      tpu.yield
    }) : () -> ()
    %mul3A_22 = arith.constant 640 : i32
    %mul3A_23 = arith.muli %arg1, %mul3A_22 : i32
    %add3A_24 = arith.constant 128 : i32
    %add3A_25 = arith.addi %mul3A_23, %add3A_24 : i32
    "tpu.region"() ({
      %run_scoped3A = tpu.sem_alloc : memref<!tpu.dma_semaphore, #tpu.memory_space<semaphore_mem>>
      %dma_start3A_147 = arith.constant 0 : i32
      %dma_start3A_148 = tpu.memref_slice %arg10[%add3A_25, %dma_start3A_147] : memref<10240x128xf32, #tpu.memory_space<vmem_shared>> -> memref<32x128xf32, #tpu.memory_space<vmem_shared>>
      %dma_start3A_149 = arith.constant 0 : i32
      %dma_start3A_150 = tpu.memref_slice %arg10[%add3A_25, %dma_start3A_149] : memref<10240x128xf32, #tpu.memory_space<vmem_shared>> -> memref<32x128xf32, #tpu.memory_space<vmem_shared>>
      tpu.enqueue_dma source(%arg9 : memref<32x128xf32, #tpu.memory_space<vmem>>) target(%dma_start3A_150 : memref<32x128xf32, #tpu.memory_space<vmem_shared>>) target_semaphore(%run_scoped3A : memref<!tpu.dma_semaphore, #tpu.memory_space<semaphore_mem>>)
      %dma_wait3A = arith.constant 0 : i32
      %dma_wait3A_151 = tpu.memref_slice %arg10[%add3A_25, %dma_wait3A] : memref<10240x128xf32, #tpu.memory_space<vmem_shared>> -> memref<32x128xf32, #tpu.memory_space<vmem_shared>>
      %dma_wait3A_152 = arith.constant 0 : i32
      %dma_wait3A_153 = tpu.memref_slice %arg10[%add3A_25, %dma_wait3A_152] : memref<10240x128xf32, #tpu.memory_space<vmem_shared>> -> memref<32x128xf32, #tpu.memory_space<vmem_shared>>
      tpu.wait_dma2 semaphore(%run_scoped3A : memref<!tpu.dma_semaphore, #tpu.memory_space<semaphore_mem>>) src(%arg9 : memref<32x128xf32, #tpu.memory_space<vmem>>) dst(%dma_wait3A_153 : memref<32x128xf32, #tpu.memory_space<vmem_shared>>)
      tpu.yield
    }) : () -> ()
    %mul3A_26 = arith.constant 640 : i32
    %mul3A_27 = arith.muli %arg1, %mul3A_26 : i32
    %add3A_28 = arith.constant 160 : i32
    %add3A_29 = arith.addi %mul3A_27, %add3A_28 : i32
    "tpu.region"() ({
      %run_scoped3A = tpu.sem_alloc : memref<!tpu.dma_semaphore, #tpu.memory_space<semaphore_mem>>
      %dma_start3A_147 = arith.constant 0 : i32
      %dma_start3A_148 = tpu.memref_slice %arg10[%add3A_29, %dma_start3A_147] : memref<10240x128xf32, #tpu.memory_space<vmem_shared>> -> memref<32x128xf32, #tpu.memory_space<vmem_shared>>
      %dma_start3A_149 = arith.constant 0 : i32
      %dma_start3A_150 = tpu.memref_slice %arg10[%add3A_29, %dma_start3A_149] : memref<10240x128xf32, #tpu.memory_space<vmem_shared>> -> memref<32x128xf32, #tpu.memory_space<vmem_shared>>
      tpu.enqueue_dma source(%arg9 : memref<32x128xf32, #tpu.memory_space<vmem>>) target(%dma_start3A_150 : memref<32x128xf32, #tpu.memory_space<vmem_shared>>) target_semaphore(%run_scoped3A : memref<!tpu.dma_semaphore, #tpu.memory_space<semaphore_mem>>)
      %dma_wait3A = arith.constant 0 : i32
      %dma_wait3A_151 = tpu.memref_slice %arg10[%add3A_29, %dma_wait3A] : memref<10240x128xf32, #tpu.memory_space<vmem_shared>> -> memref<32x128xf32, #tpu.memory_space<vmem_shared>>
      %dma_wait3A_152 = arith.constant 0 : i32
      %dma_wait3A_153 = tpu.memref_slice %arg10[%add3A_29, %dma_wait3A_152] : memref<10240x128xf32, #tpu.memory_space<vmem_shared>> -> memref<32x128xf32, #tpu.memory_space<vmem_shared>>
      tpu.wait_dma2 semaphore(%run_scoped3A : memref<!tpu.dma_semaphore, #tpu.memory_space<semaphore_mem>>) src(%arg9 : memref<32x128xf32, #tpu.memory_space<vmem>>) dst(%dma_wait3A_153 : memref<32x128xf32, #tpu.memory_space<vmem_shared>>)
      tpu.yield
    }) : () -> ()
    %mul3A_30 = arith.constant 640 : i32
    %mul3A_31 = arith.muli %arg1, %mul3A_30 : i32
    %add3A_32 = arith.constant 192 : i32
    %add3A_33 = arith.addi %mul3A_31, %add3A_32 : i32
    "tpu.region"() ({
      %run_scoped3A = tpu.sem_alloc : memref<!tpu.dma_semaphore, #tpu.memory_space<semaphore_mem>>
      %dma_start3A_147 = arith.constant 0 : i32
      %dma_start3A_148 = tpu.memref_slice %arg10[%add3A_33, %dma_start3A_147] : memref<10240x128xf32, #tpu.memory_space<vmem_shared>> -> memref<32x128xf32, #tpu.memory_space<vmem_shared>>
      %dma_start3A_149 = arith.constant 0 : i32
      %dma_start3A_150 = tpu.memref_slice %arg10[%add3A_33, %dma_start3A_149] : memref<10240x128xf32, #tpu.memory_space<vmem_shared>> -> memref<32x128xf32, #tpu.memory_space<vmem_shared>>
      tpu.enqueue_dma source(%arg9 : memref<32x128xf32, #tpu.memory_space<vmem>>) target(%dma_start3A_150 : memref<32x128xf32, #tpu.memory_space<vmem_shared>>) target_semaphore(%run_scoped3A : memref<!tpu.dma_semaphore, #tpu.memory_space<semaphore_mem>>)
      %dma_wait3A = arith.constant 0 : i32
      %dma_wait3A_151 = tpu.memref_slice %arg10[%add3A_33, %dma_wait3A] : memref<10240x128xf32, #tpu.memory_space<vmem_shared>> -> memref<32x128xf32, #tpu.memory_space<vmem_shared>>
      %dma_wait3A_152 = arith.constant 0 : i32
      %dma_wait3A_153 = tpu.memref_slice %arg10[%add3A_33, %dma_wait3A_152] : memref<10240x128xf32, #tpu.memory_space<vmem_shared>> -> memref<32x128xf32, #tpu.memory_space<vmem_shared>>
      tpu.wait_dma2 semaphore(%run_scoped3A : memref<!tpu.dma_semaphore, #tpu.memory_space<semaphore_mem>>) src(%arg9 : memref<32x128xf32, #tpu.memory_space<vmem>>) dst(%dma_wait3A_153 : memref<32x128xf32, #tpu.memory_space<vmem_shared>>)
      tpu.yield
    }) : () -> ()
    %mul3A_34 = arith.constant 640 : i32
    %mul3A_35 = arith.muli %arg1, %mul3A_34 : i32
    %add3A_36 = arith.constant 224 : i32
    %add3A_37 = arith.addi %mul3A_35, %add3A_36 : i32
    "tpu.region"() ({
      %run_scoped3A = tpu.sem_alloc : memref<!tpu.dma_semaphore, #tpu.memory_space<semaphore_mem>>
      %dma_start3A_147 = arith.constant 0 : i32
      %dma_start3A_148 = tpu.memref_slice %arg10[%add3A_37, %dma_start3A_147] : memref<10240x128xf32, #tpu.memory_space<vmem_shared>> -> memref<32x128xf32, #tpu.memory_space<vmem_shared>>
      %dma_start3A_149 = arith.constant 0 : i32
      %dma_start3A_150 = tpu.memref_slice %arg10[%add3A_37, %dma_start3A_149] : memref<10240x128xf32, #tpu.memory_space<vmem_shared>> -> memref<32x128xf32, #tpu.memory_space<vmem_shared>>
      tpu.enqueue_dma source(%arg9 : memref<32x128xf32, #tpu.memory_space<vmem>>) target(%dma_start3A_150 : memref<32x128xf32, #tpu.memory_space<vmem_shared>>) target_semaphore(%run_scoped3A : memref<!tpu.dma_semaphore, #tpu.memory_space<semaphore_mem>>)
      %dma_wait3A = arith.constant 0 : i32
      %dma_wait3A_151 = tpu.memref_slice %arg10[%add3A_37, %dma_wait3A] : memref<10240x128xf32, #tpu.memory_space<vmem_shared>> -> memref<32x128xf32, #tpu.memory_space<vmem_shared>>
      %dma_wait3A_152 = arith.constant 0 : i32
      %dma_wait3A_153 = tpu.memref_slice %arg10[%add3A_37, %dma_wait3A_152] : memref<10240x128xf32, #tpu.memory_space<vmem_shared>> -> memref<32x128xf32, #tpu.memory_space<vmem_shared>>
      tpu.wait_dma2 semaphore(%run_scoped3A : memref<!tpu.dma_semaphore, #tpu.memory_space<semaphore_mem>>) src(%arg9 : memref<32x128xf32, #tpu.memory_space<vmem>>) dst(%dma_wait3A_153 : memref<32x128xf32, #tpu.memory_space<vmem_shared>>)
      tpu.yield
    }) : () -> ()
    %mul3A_38 = arith.constant 640 : i32
    %mul3A_39 = arith.muli %arg1, %mul3A_38 : i32
    %add3A_40 = arith.constant 256 : i32
    %add3A_41 = arith.addi %mul3A_39, %add3A_40 : i32
    "tpu.region"() ({
      %run_scoped3A = tpu.sem_alloc : memref<!tpu.dma_semaphore, #tpu.memory_space<semaphore_mem>>
      %dma_start3A_147 = arith.constant 0 : i32
      %dma_start3A_148 = tpu.memref_slice %arg10[%add3A_41, %dma_start3A_147] : memref<10240x128xf32, #tpu.memory_space<vmem_shared>> -> memref<32x128xf32, #tpu.memory_space<vmem_shared>>
      %dma_start3A_149 = arith.constant 0 : i32
      %dma_start3A_150 = tpu.memref_slice %arg10[%add3A_41, %dma_start3A_149] : memref<10240x128xf32, #tpu.memory_space<vmem_shared>> -> memref<32x128xf32, #tpu.memory_space<vmem_shared>>
      tpu.enqueue_dma source(%arg9 : memref<32x128xf32, #tpu.memory_space<vmem>>) target(%dma_start3A_150 : memref<32x128xf32, #tpu.memory_space<vmem_shared>>) target_semaphore(%run_scoped3A : memref<!tpu.dma_semaphore, #tpu.memory_space<semaphore_mem>>)
      %dma_wait3A = arith.constant 0 : i32
      %dma_wait3A_151 = tpu.memref_slice %arg10[%add3A_41, %dma_wait3A] : memref<10240x128xf32, #tpu.memory_space<vmem_shared>> -> memref<32x128xf32, #tpu.memory_space<vmem_shared>>
      %dma_wait3A_152 = arith.constant 0 : i32
      %dma_wait3A_153 = tpu.memref_slice %arg10[%add3A_41, %dma_wait3A_152] : memref<10240x128xf32, #tpu.memory_space<vmem_shared>> -> memref<32x128xf32, #tpu.memory_space<vmem_shared>>
      tpu.wait_dma2 semaphore(%run_scoped3A : memref<!tpu.dma_semaphore, #tpu.memory_space<semaphore_mem>>) src(%arg9 : memref<32x128xf32, #tpu.memory_space<vmem>>) dst(%dma_wait3A_153 : memref<32x128xf32, #tpu.memory_space<vmem_shared>>)
      tpu.yield
    }) : () -> ()
    %mul3A_42 = arith.constant 640 : i32
    %mul3A_43 = arith.muli %arg1, %mul3A_42 : i32
    %add3A_44 = arith.constant 288 : i32
    %add3A_45 = arith.addi %mul3A_43, %add3A_44 : i32
    "tpu.region"() ({
      %run_scoped3A = tpu.sem_alloc : memref<!tpu.dma_semaphore, #tpu.memory_space<semaphore_mem>>
      %dma_start3A_147 = arith.constant 0 : i32
      %dma_start3A_148 = tpu.memref_slice %arg10[%add3A_45, %dma_start3A_147] : memref<10240x128xf32, #tpu.memory_space<vmem_shared>> -> memref<32x128xf32, #tpu.memory_space<vmem_shared>>
      %dma_start3A_149 = arith.constant 0 : i32
      %dma_start3A_150 = tpu.memref_slice %arg10[%add3A_45, %dma_start3A_149] : memref<10240x128xf32, #tpu.memory_space<vmem_shared>> -> memref<32x128xf32, #tpu.memory_space<vmem_shared>>
      tpu.enqueue_dma source(%arg9 : memref<32x128xf32, #tpu.memory_space<vmem>>) target(%dma_start3A_150 : memref<32x128xf32, #tpu.memory_space<vmem_shared>>) target_semaphore(%run_scoped3A : memref<!tpu.dma_semaphore, #tpu.memory_space<semaphore_mem>>)
      %dma_wait3A = arith.constant 0 : i32
      %dma_wait3A_151 = tpu.memref_slice %arg10[%add3A_45, %dma_wait3A] : memref<10240x128xf32, #tpu.memory_space<vmem_shared>> -> memref<32x128xf32, #tpu.memory_space<vmem_shared>>
      %dma_wait3A_152 = arith.constant 0 : i32
      %dma_wait3A_153 = tpu.memref_slice %arg10[%add3A_45, %dma_wait3A_152] : memref<10240x128xf32, #tpu.memory_space<vmem_shared>> -> memref<32x128xf32, #tpu.memory_space<vmem_shared>>
      tpu.wait_dma2 semaphore(%run_scoped3A : memref<!tpu.dma_semaphore, #tpu.memory_space<semaphore_mem>>) src(%arg9 : memref<32x128xf32, #tpu.memory_space<vmem>>) dst(%dma_wait3A_153 : memref<32x128xf32, #tpu.memory_space<vmem_shared>>)
      tpu.yield
    }) : () -> ()
    %mul3A_46 = arith.constant 640 : i32
    %mul3A_47 = arith.muli %arg1, %mul3A_46 : i32
    %add3A_48 = arith.constant 320 : i32
    %add3A_49 = arith.addi %mul3A_47, %add3A_48 : i32
    "tpu.region"() ({
      %run_scoped3A = tpu.sem_alloc : memref<!tpu.dma_semaphore, #tpu.memory_space<semaphore_mem>>
      %dma_start3A_147 = arith.constant 0 : i32
      %dma_start3A_148 = tpu.memref_slice %arg10[%add3A_49, %dma_start3A_147] : memref<10240x128xf32, #tpu.memory_space<vmem_shared>> -> memref<32x128xf32, #tpu.memory_space<vmem_shared>>
      %dma_start3A_149 = arith.constant 0 : i32
      %dma_start3A_150 = tpu.memref_slice %arg10[%add3A_49, %dma_start3A_149] : memref<10240x128xf32, #tpu.memory_space<vmem_shared>> -> memref<32x128xf32, #tpu.memory_space<vmem_shared>>
      tpu.enqueue_dma source(%arg9 : memref<32x128xf32, #tpu.memory_space<vmem>>) target(%dma_start3A_150 : memref<32x128xf32, #tpu.memory_space<vmem_shared>>) target_semaphore(%run_scoped3A : memref<!tpu.dma_semaphore, #tpu.memory_space<semaphore_mem>>)
      %dma_wait3A = arith.constant 0 : i32
      %dma_wait3A_151 = tpu.memref_slice %arg10[%add3A_49, %dma_wait3A] : memref<10240x128xf32, #tpu.memory_space<vmem_shared>> -> memref<32x128xf32, #tpu.memory_space<vmem_shared>>
      %dma_wait3A_152 = arith.constant 0 : i32
      %dma_wait3A_153 = tpu.memref_slice %arg10[%add3A_49, %dma_wait3A_152] : memref<10240x128xf32, #tpu.memory_space<vmem_shared>> -> memref<32x128xf32, #tpu.memory_space<vmem_shared>>
      tpu.wait_dma2 semaphore(%run_scoped3A : memref<!tpu.dma_semaphore, #tpu.memory_space<semaphore_mem>>) src(%arg9 : memref<32x128xf32, #tpu.memory_space<vmem>>) dst(%dma_wait3A_153 : memref<32x128xf32, #tpu.memory_space<vmem_shared>>)
      tpu.yield
    }) : () -> ()
    %mul3A_50 = arith.constant 640 : i32
    %mul3A_51 = arith.muli %arg1, %mul3A_50 : i32
    %add3A_52 = arith.constant 352 : i32
    %add3A_53 = arith.addi %mul3A_51, %add3A_52 : i32
    "tpu.region"() ({
      %run_scoped3A = tpu.sem_alloc : memref<!tpu.dma_semaphore, #tpu.memory_space<semaphore_mem>>
      %dma_start3A_147 = arith.constant 0 : i32
      %dma_start3A_148 = tpu.memref_slice %arg10[%add3A_53, %dma_start3A_147] : memref<10240x128xf32, #tpu.memory_space<vmem_shared>> -> memref<32x128xf32, #tpu.memory_space<vmem_shared>>
      %dma_start3A_149 = arith.constant 0 : i32
      %dma_start3A_150 = tpu.memref_slice %arg10[%add3A_53, %dma_start3A_149] : memref<10240x128xf32, #tpu.memory_space<vmem_shared>> -> memref<32x128xf32, #tpu.memory_space<vmem_shared>>
      tpu.enqueue_dma source(%arg9 : memref<32x128xf32, #tpu.memory_space<vmem>>) target(%dma_start3A_150 : memref<32x128xf32, #tpu.memory_space<vmem_shared>>) target_semaphore(%run_scoped3A : memref<!tpu.dma_semaphore, #tpu.memory_space<semaphore_mem>>)
      %dma_wait3A = arith.constant 0 : i32
      %dma_wait3A_151 = tpu.memref_slice %arg10[%add3A_53, %dma_wait3A] : memref<10240x128xf32, #tpu.memory_space<vmem_shared>> -> memref<32x128xf32, #tpu.memory_space<vmem_shared>>
      %dma_wait3A_152 = arith.constant 0 : i32
      %dma_wait3A_153 = tpu.memref_slice %arg10[%add3A_53, %dma_wait3A_152] : memref<10240x128xf32, #tpu.memory_space<vmem_shared>> -> memref<32x128xf32, #tpu.memory_space<vmem_shared>>
      tpu.wait_dma2 semaphore(%run_scoped3A : memref<!tpu.dma_semaphore, #tpu.memory_space<semaphore_mem>>) src(%arg9 : memref<32x128xf32, #tpu.memory_space<vmem>>) dst(%dma_wait3A_153 : memref<32x128xf32, #tpu.memory_space<vmem_shared>>)
      tpu.yield
    }) : () -> ()
    %mul3A_54 = arith.constant 640 : i32
    %mul3A_55 = arith.muli %arg1, %mul3A_54 : i32
    %add3A_56 = arith.constant 384 : i32
    %add3A_57 = arith.addi %mul3A_55, %add3A_56 : i32
    "tpu.region"() ({
      %run_scoped3A = tpu.sem_alloc : memref<!tpu.dma_semaphore, #tpu.memory_space<semaphore_mem>>
      %dma_start3A_147 = arith.constant 0 : i32
      %dma_start3A_148 = tpu.memref_slice %arg10[%add3A_57, %dma_start3A_147] : memref<10240x128xf32, #tpu.memory_space<vmem_shared>> -> memref<32x128xf32, #tpu.memory_space<vmem_shared>>
      %dma_start3A_149 = arith.constant 0 : i32
      %dma_start3A_150 = tpu.memref_slice %arg10[%add3A_57, %dma_start3A_149] : memref<10240x128xf32, #tpu.memory_space<vmem_shared>> -> memref<32x128xf32, #tpu.memory_space<vmem_shared>>
      tpu.enqueue_dma source(%arg9 : memref<32x128xf32, #tpu.memory_space<vmem>>) target(%dma_start3A_150 : memref<32x128xf32, #tpu.memory_space<vmem_shared>>) target_semaphore(%run_scoped3A : memref<!tpu.dma_semaphore, #tpu.memory_space<semaphore_mem>>)
      %dma_wait3A = arith.constant 0 : i32
      %dma_wait3A_151 = tpu.memref_slice %arg10[%add3A_57, %dma_wait3A] : memref<10240x128xf32, #tpu.memory_space<vmem_shared>> -> memref<32x128xf32, #tpu.memory_space<vmem_shared>>
      %dma_wait3A_152 = arith.constant 0 : i32
      %dma_wait3A_153 = tpu.memref_slice %arg10[%add3A_57, %dma_wait3A_152] : memref<10240x128xf32, #tpu.memory_space<vmem_shared>> -> memref<32x128xf32, #tpu.memory_space<vmem_shared>>
      tpu.wait_dma2 semaphore(%run_scoped3A : memref<!tpu.dma_semaphore, #tpu.memory_space<semaphore_mem>>) src(%arg9 : memref<32x128xf32, #tpu.memory_space<vmem>>) dst(%dma_wait3A_153 : memref<32x128xf32, #tpu.memory_space<vmem_shared>>)
      tpu.yield
    }) : () -> ()
    %mul3A_58 = arith.constant 640 : i32
    %mul3A_59 = arith.muli %arg1, %mul3A_58 : i32
    %add3A_60 = arith.constant 416 : i32
    %add3A_61 = arith.addi %mul3A_59, %add3A_60 : i32
    "tpu.region"() ({
      %run_scoped3A = tpu.sem_alloc : memref<!tpu.dma_semaphore, #tpu.memory_space<semaphore_mem>>
      %dma_start3A_147 = arith.constant 0 : i32
      %dma_start3A_148 = tpu.memref_slice %arg10[%add3A_61, %dma_start3A_147] : memref<10240x128xf32, #tpu.memory_space<vmem_shared>> -> memref<32x128xf32, #tpu.memory_space<vmem_shared>>
      %dma_start3A_149 = arith.constant 0 : i32
      %dma_start3A_150 = tpu.memref_slice %arg10[%add3A_61, %dma_start3A_149] : memref<10240x128xf32, #tpu.memory_space<vmem_shared>> -> memref<32x128xf32, #tpu.memory_space<vmem_shared>>
      tpu.enqueue_dma source(%arg9 : memref<32x128xf32, #tpu.memory_space<vmem>>) target(%dma_start3A_150 : memref<32x128xf32, #tpu.memory_space<vmem_shared>>) target_semaphore(%run_scoped3A : memref<!tpu.dma_semaphore, #tpu.memory_space<semaphore_mem>>)
      %dma_wait3A = arith.constant 0 : i32
      %dma_wait3A_151 = tpu.memref_slice %arg10[%add3A_61, %dma_wait3A] : memref<10240x128xf32, #tpu.memory_space<vmem_shared>> -> memref<32x128xf32, #tpu.memory_space<vmem_shared>>
      %dma_wait3A_152 = arith.constant 0 : i32
      %dma_wait3A_153 = tpu.memref_slice %arg10[%add3A_61, %dma_wait3A_152] : memref<10240x128xf32, #tpu.memory_space<vmem_shared>> -> memref<32x128xf32, #tpu.memory_space<vmem_shared>>
      tpu.wait_dma2 semaphore(%run_scoped3A : memref<!tpu.dma_semaphore, #tpu.memory_space<semaphore_mem>>) src(%arg9 : memref<32x128xf32, #tpu.memory_space<vmem>>) dst(%dma_wait3A_153 : memref<32x128xf32, #tpu.memory_space<vmem_shared>>)
      tpu.yield
    }) : () -> ()
    %mul3A_62 = arith.constant 640 : i32
    %mul3A_63 = arith.muli %arg1, %mul3A_62 : i32
    %add3A_64 = arith.constant 448 : i32
    %add3A_65 = arith.addi %mul3A_63, %add3A_64 : i32
    "tpu.region"() ({
      %run_scoped3A = tpu.sem_alloc : memref<!tpu.dma_semaphore, #tpu.memory_space<semaphore_mem>>
      %dma_start3A_147 = arith.constant 0 : i32
      %dma_start3A_148 = tpu.memref_slice %arg10[%add3A_65, %dma_start3A_147] : memref<10240x128xf32, #tpu.memory_space<vmem_shared>> -> memref<32x128xf32, #tpu.memory_space<vmem_shared>>
      %dma_start3A_149 = arith.constant 0 : i32
      %dma_start3A_150 = tpu.memref_slice %arg10[%add3A_65, %dma_start3A_149] : memref<10240x128xf32, #tpu.memory_space<vmem_shared>> -> memref<32x128xf32, #tpu.memory_space<vmem_shared>>
      tpu.enqueue_dma source(%arg9 : memref<32x128xf32, #tpu.memory_space<vmem>>) target(%dma_start3A_150 : memref<32x128xf32, #tpu.memory_space<vmem_shared>>) target_semaphore(%run_scoped3A : memref<!tpu.dma_semaphore, #tpu.memory_space<semaphore_mem>>)
      %dma_wait3A = arith.constant 0 : i32
      %dma_wait3A_151 = tpu.memref_slice %arg10[%add3A_65, %dma_wait3A] : memref<10240x128xf32, #tpu.memory_space<vmem_shared>> -> memref<32x128xf32, #tpu.memory_space<vmem_shared>>
      %dma_wait3A_152 = arith.constant 0 : i32
      %dma_wait3A_153 = tpu.memref_slice %arg10[%add3A_65, %dma_wait3A_152] : memref<10240x128xf32, #tpu.memory_space<vmem_shared>> -> memref<32x128xf32, #tpu.memory_space<vmem_shared>>
      tpu.wait_dma2 semaphore(%run_scoped3A : memref<!tpu.dma_semaphore, #tpu.memory_space<semaphore_mem>>) src(%arg9 : memref<32x128xf32, #tpu.memory_space<vmem>>) dst(%dma_wait3A_153 : memref<32x128xf32, #tpu.memory_space<vmem_shared>>)
      tpu.yield
    }) : () -> ()
    %mul3A_66 = arith.constant 640 : i32
    %mul3A_67 = arith.muli %arg1, %mul3A_66 : i32
    %add3A_68 = arith.constant 480 : i32
    %add3A_69 = arith.addi %mul3A_67, %add3A_68 : i32
    "tpu.region"() ({
      %run_scoped3A = tpu.sem_alloc : memref<!tpu.dma_semaphore, #tpu.memory_space<semaphore_mem>>
      %dma_start3A_147 = arith.constant 0 : i32
      %dma_start3A_148 = tpu.memref_slice %arg10[%add3A_69, %dma_start3A_147] : memref<10240x128xf32, #tpu.memory_space<vmem_shared>> -> memref<32x128xf32, #tpu.memory_space<vmem_shared>>
      %dma_start3A_149 = arith.constant 0 : i32
      %dma_start3A_150 = tpu.memref_slice %arg10[%add3A_69, %dma_start3A_149] : memref<10240x128xf32, #tpu.memory_space<vmem_shared>> -> memref<32x128xf32, #tpu.memory_space<vmem_shared>>
      tpu.enqueue_dma source(%arg9 : memref<32x128xf32, #tpu.memory_space<vmem>>) target(%dma_start3A_150 : memref<32x128xf32, #tpu.memory_space<vmem_shared>>) target_semaphore(%run_scoped3A : memref<!tpu.dma_semaphore, #tpu.memory_space<semaphore_mem>>)
      %dma_wait3A = arith.constant 0 : i32
      %dma_wait3A_151 = tpu.memref_slice %arg10[%add3A_69, %dma_wait3A] : memref<10240x128xf32, #tpu.memory_space<vmem_shared>> -> memref<32x128xf32, #tpu.memory_space<vmem_shared>>
      %dma_wait3A_152 = arith.constant 0 : i32
      %dma_wait3A_153 = tpu.memref_slice %arg10[%add3A_69, %dma_wait3A_152] : memref<10240x128xf32, #tpu.memory_space<vmem_shared>> -> memref<32x128xf32, #tpu.memory_space<vmem_shared>>
      tpu.wait_dma2 semaphore(%run_scoped3A : memref<!tpu.dma_semaphore, #tpu.memory_space<semaphore_mem>>) src(%arg9 : memref<32x128xf32, #tpu.memory_space<vmem>>) dst(%dma_wait3A_153 : memref<32x128xf32, #tpu.memory_space<vmem_shared>>)
      tpu.yield
    }) : () -> ()
    %mul3A_70 = arith.constant 640 : i32
    %mul3A_71 = arith.muli %arg1, %mul3A_70 : i32
    %add3A_72 = arith.constant 512 : i32
    %add3A_73 = arith.addi %mul3A_71, %add3A_72 : i32
    "tpu.region"() ({
      %run_scoped3A = tpu.sem_alloc : memref<!tpu.dma_semaphore, #tpu.memory_space<semaphore_mem>>
      %dma_start3A_147 = arith.constant 0 : i32
      %dma_start3A_148 = tpu.memref_slice %arg10[%add3A_73, %dma_start3A_147] : memref<10240x128xf32, #tpu.memory_space<vmem_shared>> -> memref<32x128xf32, #tpu.memory_space<vmem_shared>>
      %dma_start3A_149 = arith.constant 0 : i32
      %dma_start3A_150 = tpu.memref_slice %arg10[%add3A_73, %dma_start3A_149] : memref<10240x128xf32, #tpu.memory_space<vmem_shared>> -> memref<32x128xf32, #tpu.memory_space<vmem_shared>>
      tpu.enqueue_dma source(%arg9 : memref<32x128xf32, #tpu.memory_space<vmem>>) target(%dma_start3A_150 : memref<32x128xf32, #tpu.memory_space<vmem_shared>>) target_semaphore(%run_scoped3A : memref<!tpu.dma_semaphore, #tpu.memory_space<semaphore_mem>>)
      %dma_wait3A = arith.constant 0 : i32
      %dma_wait3A_151 = tpu.memref_slice %arg10[%add3A_73, %dma_wait3A] : memref<10240x128xf32, #tpu.memory_space<vmem_shared>> -> memref<32x128xf32, #tpu.memory_space<vmem_shared>>
      %dma_wait3A_152 = arith.constant 0 : i32
      %dma_wait3A_153 = tpu.memref_slice %arg10[%add3A_73, %dma_wait3A_152] : memref<10240x128xf32, #tpu.memory_space<vmem_shared>> -> memref<32x128xf32, #tpu.memory_space<vmem_shared>>
      tpu.wait_dma2 semaphore(%run_scoped3A : memref<!tpu.dma_semaphore, #tpu.memory_space<semaphore_mem>>) src(%arg9 : memref<32x128xf32, #tpu.memory_space<vmem>>) dst(%dma_wait3A_153 : memref<32x128xf32, #tpu.memory_space<vmem_shared>>)
      tpu.yield
    }) : () -> ()
    %mul3A_74 = arith.constant 640 : i32
    %mul3A_75 = arith.muli %arg1, %mul3A_74 : i32
    %add3A_76 = arith.constant 544 : i32
    %add3A_77 = arith.addi %mul3A_75, %add3A_76 : i32
    "tpu.region"() ({
      %run_scoped3A = tpu.sem_alloc : memref<!tpu.dma_semaphore, #tpu.memory_space<semaphore_mem>>
      %dma_start3A_147 = arith.constant 0 : i32
      %dma_start3A_148 = tpu.memref_slice %arg10[%add3A_77, %dma_start3A_147] : memref<10240x128xf32, #tpu.memory_space<vmem_shared>> -> memref<32x128xf32, #tpu.memory_space<vmem_shared>>
      %dma_start3A_149 = arith.constant 0 : i32
      %dma_start3A_150 = tpu.memref_slice %arg10[%add3A_77, %dma_start3A_149] : memref<10240x128xf32, #tpu.memory_space<vmem_shared>> -> memref<32x128xf32, #tpu.memory_space<vmem_shared>>
      tpu.enqueue_dma source(%arg9 : memref<32x128xf32, #tpu.memory_space<vmem>>) target(%dma_start3A_150 : memref<32x128xf32, #tpu.memory_space<vmem_shared>>) target_semaphore(%run_scoped3A : memref<!tpu.dma_semaphore, #tpu.memory_space<semaphore_mem>>)
      %dma_wait3A = arith.constant 0 : i32
      %dma_wait3A_151 = tpu.memref_slice %arg10[%add3A_77, %dma_wait3A] : memref<10240x128xf32, #tpu.memory_space<vmem_shared>> -> memref<32x128xf32, #tpu.memory_space<vmem_shared>>
      %dma_wait3A_152 = arith.constant 0 : i32
      %dma_wait3A_153 = tpu.memref_slice %arg10[%add3A_77, %dma_wait3A_152] : memref<10240x128xf32, #tpu.memory_space<vmem_shared>> -> memref<32x128xf32, #tpu.memory_space<vmem_shared>>
      tpu.wait_dma2 semaphore(%run_scoped3A : memref<!tpu.dma_semaphore, #tpu.memory_space<semaphore_mem>>) src(%arg9 : memref<32x128xf32, #tpu.memory_space<vmem>>) dst(%dma_wait3A_153 : memref<32x128xf32, #tpu.memory_space<vmem_shared>>)
      tpu.yield
    }) : () -> ()
    %mul3A_78 = arith.constant 640 : i32
    %mul3A_79 = arith.muli %arg1, %mul3A_78 : i32
    %add3A_80 = arith.constant 576 : i32
    %add3A_81 = arith.addi %mul3A_79, %add3A_80 : i32
    "tpu.region"() ({
      %run_scoped3A = tpu.sem_alloc : memref<!tpu.dma_semaphore, #tpu.memory_space<semaphore_mem>>
      %dma_start3A_147 = arith.constant 0 : i32
      %dma_start3A_148 = tpu.memref_slice %arg10[%add3A_81, %dma_start3A_147] : memref<10240x128xf32, #tpu.memory_space<vmem_shared>> -> memref<32x128xf32, #tpu.memory_space<vmem_shared>>
      %dma_start3A_149 = arith.constant 0 : i32
      %dma_start3A_150 = tpu.memref_slice %arg10[%add3A_81, %dma_start3A_149] : memref<10240x128xf32, #tpu.memory_space<vmem_shared>> -> memref<32x128xf32, #tpu.memory_space<vmem_shared>>
      tpu.enqueue_dma source(%arg9 : memref<32x128xf32, #tpu.memory_space<vmem>>) target(%dma_start3A_150 : memref<32x128xf32, #tpu.memory_space<vmem_shared>>) target_semaphore(%run_scoped3A : memref<!tpu.dma_semaphore, #tpu.memory_space<semaphore_mem>>)
      %dma_wait3A = arith.constant 0 : i32
      %dma_wait3A_151 = tpu.memref_slice %arg10[%add3A_81, %dma_wait3A] : memref<10240x128xf32, #tpu.memory_space<vmem_shared>> -> memref<32x128xf32, #tpu.memory_space<vmem_shared>>
      %dma_wait3A_152 = arith.constant 0 : i32
      %dma_wait3A_153 = tpu.memref_slice %arg10[%add3A_81, %dma_wait3A_152] : memref<10240x128xf32, #tpu.memory_space<vmem_shared>> -> memref<32x128xf32, #tpu.memory_space<vmem_shared>>
      tpu.wait_dma2 semaphore(%run_scoped3A : memref<!tpu.dma_semaphore, #tpu.memory_space<semaphore_mem>>) src(%arg9 : memref<32x128xf32, #tpu.memory_space<vmem>>) dst(%dma_wait3A_153 : memref<32x128xf32, #tpu.memory_space<vmem_shared>>)
      tpu.yield
    }) : () -> ()
    %mul3A_82 = arith.constant 640 : i32
    %mul3A_83 = arith.muli %arg1, %mul3A_82 : i32
    %add3A_84 = arith.constant 608 : i32
    %add3A_85 = arith.addi %mul3A_83, %add3A_84 : i32
    "tpu.region"() ({
      %run_scoped3A = tpu.sem_alloc : memref<!tpu.dma_semaphore, #tpu.memory_space<semaphore_mem>>
      %dma_start3A_147 = arith.constant 0 : i32
      %dma_start3A_148 = tpu.memref_slice %arg10[%add3A_85, %dma_start3A_147] : memref<10240x128xf32, #tpu.memory_space<vmem_shared>> -> memref<32x128xf32, #tpu.memory_space<vmem_shared>>
      %dma_start3A_149 = arith.constant 0 : i32
      %dma_start3A_150 = tpu.memref_slice %arg10[%add3A_85, %dma_start3A_149] : memref<10240x128xf32, #tpu.memory_space<vmem_shared>> -> memref<32x128xf32, #tpu.memory_space<vmem_shared>>
      tpu.enqueue_dma source(%arg9 : memref<32x128xf32, #tpu.memory_space<vmem>>) target(%dma_start3A_150 : memref<32x128xf32, #tpu.memory_space<vmem_shared>>) target_semaphore(%run_scoped3A : memref<!tpu.dma_semaphore, #tpu.memory_space<semaphore_mem>>)
      %dma_wait3A = arith.constant 0 : i32
      %dma_wait3A_151 = tpu.memref_slice %arg10[%add3A_85, %dma_wait3A] : memref<10240x128xf32, #tpu.memory_space<vmem_shared>> -> memref<32x128xf32, #tpu.memory_space<vmem_shared>>
      %dma_wait3A_152 = arith.constant 0 : i32
      %dma_wait3A_153 = tpu.memref_slice %arg10[%add3A_85, %dma_wait3A_152] : memref<10240x128xf32, #tpu.memory_space<vmem_shared>> -> memref<32x128xf32, #tpu.memory_space<vmem_shared>>
      tpu.wait_dma2 semaphore(%run_scoped3A : memref<!tpu.dma_semaphore, #tpu.memory_space<semaphore_mem>>) src(%arg9 : memref<32x128xf32, #tpu.memory_space<vmem>>) dst(%dma_wait3A_153 : memref<32x128xf32, #tpu.memory_space<vmem_shared>>)
      tpu.yield
    }) : () -> ()
    "tpu.region"() ({
      %run_scoped3A = tpu.sem_alloc : memref<!tpu.dma_semaphore, #tpu.memory_space<semaphore_mem>>
      %dma_start3A_147 = arith.constant 0 : i32
      %dma_start3A_148 = arith.constant 0 : i32
      %dma_start3A_149 = tpu.memref_slice %arg3[%add3A, %dma_start3A_147, %dma_start3A_148] : memref<32x125x80xi32, #tpu.memory_space<hbm>> -> memref<1x125x80xi32, #tpu.memory_space<hbm>>
      %dma_start3A_150 = tpu.memref_squeeze %dma_start3A_149 : memref<1x125x80xi32, #tpu.memory_space<hbm>> -> memref<125x80xi32, #tpu.memory_space<hbm>>
      %dma_start3A_151 = arith.constant 0 : i32
      %dma_start3A_152 = arith.constant 0 : i32
      %dma_start3A_153 = tpu.memref_slice %arg3[%add3A, %dma_start3A_151, %dma_start3A_152] : memref<32x125x80xi32, #tpu.memory_space<hbm>> -> memref<1x125x80xi32, #tpu.memory_space<hbm>>
      %dma_start3A_154 = tpu.memref_squeeze %dma_start3A_153 : memref<1x125x80xi32, #tpu.memory_space<hbm>> -> memref<125x80xi32, #tpu.memory_space<hbm>>
      tpu.enqueue_dma source(%dma_start3A_154 : memref<125x80xi32, #tpu.memory_space<hbm>>) target(%arg6 : memref<125x80xi32, #tpu.memory_space<vmem>>) target_semaphore(%run_scoped3A : memref<!tpu.dma_semaphore, #tpu.memory_space<semaphore_mem>>)
      %dma_wait3A = arith.constant 0 : i32
      %dma_wait3A_155 = arith.constant 0 : i32
      %dma_wait3A_156 = tpu.memref_slice %arg3[%add3A, %dma_wait3A, %dma_wait3A_155] : memref<32x125x80xi32, #tpu.memory_space<hbm>> -> memref<1x125x80xi32, #tpu.memory_space<hbm>>
      %dma_wait3A_157 = tpu.memref_squeeze %dma_wait3A_156 : memref<1x125x80xi32, #tpu.memory_space<hbm>> -> memref<125x80xi32, #tpu.memory_space<hbm>>
      %dma_wait3A_158 = arith.constant 0 : i32
      %dma_wait3A_159 = arith.constant 0 : i32
      %dma_wait3A_160 = tpu.memref_slice %arg3[%add3A, %dma_wait3A_158, %dma_wait3A_159] : memref<32x125x80xi32, #tpu.memory_space<hbm>> -> memref<1x125x80xi32, #tpu.memory_space<hbm>>
      %dma_wait3A_161 = tpu.memref_squeeze %dma_wait3A_160 : memref<1x125x80xi32, #tpu.memory_space<hbm>> -> memref<125x80xi32, #tpu.memory_space<hbm>>
      tpu.wait_dma2 semaphore(%run_scoped3A : memref<!tpu.dma_semaphore, #tpu.memory_space<semaphore_mem>>) src(%dma_wait3A_161 : memref<125x80xi32, #tpu.memory_space<hbm>>) dst(%arg6 : memref<125x80xi32, #tpu.memory_space<vmem>>)
      tpu.yield
    }) : () -> ()
    "tpu.region"() ({
      %run_scoped3A = tpu.sem_alloc : memref<!tpu.dma_semaphore, #tpu.memory_space<semaphore_mem>>
      %dma_start3A_147 = arith.constant 0 : i32
      %dma_start3A_148 = arith.constant 0 : i32
      %dma_start3A_149 = tpu.memref_slice %arg4[%add3A, %dma_start3A_147, %dma_start3A_148] : memref<32x125x80xi32, #tpu.memory_space<hbm>> -> memref<1x125x80xi32, #tpu.memory_space<hbm>>
      %dma_start3A_150 = tpu.memref_squeeze %dma_start3A_149 : memref<1x125x80xi32, #tpu.memory_space<hbm>> -> memref<125x80xi32, #tpu.memory_space<hbm>>
      %dma_start3A_151 = arith.constant 0 : i32
      %dma_start3A_152 = arith.constant 0 : i32
      %dma_start3A_153 = tpu.memref_slice %arg4[%add3A, %dma_start3A_151, %dma_start3A_152] : memref<32x125x80xi32, #tpu.memory_space<hbm>> -> memref<1x125x80xi32, #tpu.memory_space<hbm>>
      %dma_start3A_154 = tpu.memref_squeeze %dma_start3A_153 : memref<1x125x80xi32, #tpu.memory_space<hbm>> -> memref<125x80xi32, #tpu.memory_space<hbm>>
      tpu.enqueue_dma source(%dma_start3A_154 : memref<125x80xi32, #tpu.memory_space<hbm>>) target(%arg7 : memref<125x80xi32, #tpu.memory_space<vmem>>) target_semaphore(%run_scoped3A : memref<!tpu.dma_semaphore, #tpu.memory_space<semaphore_mem>>)
      %dma_wait3A = arith.constant 0 : i32
      %dma_wait3A_155 = arith.constant 0 : i32
      %dma_wait3A_156 = tpu.memref_slice %arg4[%add3A, %dma_wait3A, %dma_wait3A_155] : memref<32x125x80xi32, #tpu.memory_space<hbm>> -> memref<1x125x80xi32, #tpu.memory_space<hbm>>
      %dma_wait3A_157 = tpu.memref_squeeze %dma_wait3A_156 : memref<1x125x80xi32, #tpu.memory_space<hbm>> -> memref<125x80xi32, #tpu.memory_space<hbm>>
      %dma_wait3A_158 = arith.constant 0 : i32
      %dma_wait3A_159 = arith.constant 0 : i32
      %dma_wait3A_160 = tpu.memref_slice %arg4[%add3A, %dma_wait3A_158, %dma_wait3A_159] : memref<32x125x80xi32, #tpu.memory_space<hbm>> -> memref<1x125x80xi32, #tpu.memory_space<hbm>>
      %dma_wait3A_161 = tpu.memref_squeeze %dma_wait3A_160 : memref<1x125x80xi32, #tpu.memory_space<hbm>> -> memref<125x80xi32, #tpu.memory_space<hbm>>
      tpu.wait_dma2 semaphore(%run_scoped3A : memref<!tpu.dma_semaphore, #tpu.memory_space<semaphore_mem>>) src(%dma_wait3A_161 : memref<125x80xi32, #tpu.memory_space<hbm>>) dst(%arg7 : memref<125x80xi32, #tpu.memory_space<vmem>>)
      tpu.yield
    }) : () -> ()
    %barrier3A = arith.constant 0 : index
    tpu.barrier barrier_id(%barrier3A)
    %dma_start3A = arith.constant 0 : i32
    %dma_start3A_86 = arith.constant 0 : i32
    %dma_start3A_87 = arith.constant 0 : i32
    %dma_start3A_88 = arith.constant 0 : i32
    %dma_start3A_89 = arith.constant 0 : i32
    %dma_start3A_90 = tpu.memref_slice %arg8[%dma_start3A_86, %dma_start3A_88, %dma_start3A_89] : memref<2x80x128xf32, #tpu.memory_space<vmem>> -> memref<1x80x128xf32, #tpu.memory_space<vmem>>
    %dma_start3A_91 = tpu.memref_squeeze %dma_start3A_90 : memref<1x80x128xf32, #tpu.memory_space<vmem>> -> memref<80x128xf32, #tpu.memory_space<vmem>>
    %dma_start3A_92 = arith.constant 0 : i32
    %dma_start3A_93 = tpu.memref_slice %arg6[%dma_start3A, %dma_start3A_92] : memref<125x80xi32, #tpu.memory_space<vmem>> -> memref<1x80xi32, #tpu.memory_space<vmem>>
    %dma_start3A_94 = tpu.memref_squeeze %dma_start3A_93 : memref<1x80xi32, #tpu.memory_space<vmem>> -> memref<80xi32, #tpu.memory_space<vmem>>
    %dma_start3A_95 = arith.constant 0 : i32
    %dma_start3A_96 = arith.constant 0 : i32
    %dma_start3A_97 = tpu.memref_slice %arg2[%dma_start3A_95, %dma_start3A_96] : memref<10240x128xf32, #tpu.memory_space<hbm>> -> memref<10240x128xf32, #tpu.memory_space<hbm>>
    %dma_start3A_98 = tpu.memref_slice %arg11[%dma_start3A_87] : memref<2x!tpu.dma_semaphore, #tpu.memory_space<semaphore_mem>> -> memref<1x!tpu.dma_semaphore, #tpu.memory_space<semaphore_mem>>
    %dma_start3A_99 = tpu.memref_squeeze %dma_start3A_98 : memref<1x!tpu.dma_semaphore, #tpu.memory_space<semaphore_mem>> -> memref<!tpu.dma_semaphore, #tpu.memory_space<semaphore_mem>>
    tpu.enqueue_indirect_dma source(%dma_start3A_97 : memref<10240x128xf32, #tpu.memory_space<hbm>>) target(%dma_start3A_91 : memref<80x128xf32, #tpu.memory_space<vmem>>) offsets(%dma_start3A_94 : memref<80xi32, #tpu.memory_space<vmem>>) semaphore(%dma_start3A_99 : memref<!tpu.dma_semaphore, #tpu.memory_space<semaphore_mem>>)
    %scan3A_100 = arith.constant 0 : i32
    %scan3A_101 = arith.constant 0 : i32
    %scan3A_102 = arith.constant 125 : i32
    %scan3A_103 = arith.addi %scan3A_101, %scan3A_102 : i32
    %scan3A_104 = arith.constant 1 : i32
    scf.for %scan3A_147 = %scan3A_101 to %scan3A_103 step %scan3A_104  : i32 {
      %rem3A = arith.constant 2 : i32
      %rem3A_148 = arith.remsi %scan3A_147, %rem3A : i32
      %add3A_149 = arith.constant 1 : i32
      %add3A_150 = arith.addi %scan3A_147, %add3A_149 : i32
      %rem3A_151 = arith.constant 2 : i32
      %rem3A_152 = arith.remsi %add3A_150, %rem3A_151 : i32
      %add3A_153 = arith.constant 1 : i32
      %add3A_154 = arith.addi %scan3A_147, %add3A_153 : i32
      %lt3A = arith.constant 125 : i32
      %lt3A_155 = arith.cmpi slt, %add3A_154, %lt3A : i32
      %convert_element_type3A = arith.extui %lt3A_155 : i1 to i32
      %cond3A = arith.constant 0 : i32
      %cond3A_156 = arith.cmpi ne, %convert_element_type3A, %cond3A : i32
      scf.if %cond3A_156 {
        %add3A_168 = arith.constant 1 : i32
        %add3A_169 = arith.addi %scan3A_147, %add3A_168 : i32
        %dma_start3A_170 = arith.constant 0 : i32
        %dma_start3A_171 = arith.constant 0 : i32
        %dma_start3A_172 = tpu.memref_slice %arg8[%rem3A_152, %dma_start3A_170, %dma_start3A_171] : memref<2x80x128xf32, #tpu.memory_space<vmem>> -> memref<1x80x128xf32, #tpu.memory_space<vmem>>
        %dma_start3A_173 = tpu.memref_squeeze %dma_start3A_172 : memref<1x80x128xf32, #tpu.memory_space<vmem>> -> memref<80x128xf32, #tpu.memory_space<vmem>>
        %dma_start3A_174 = arith.constant 0 : i32
        %dma_start3A_175 = tpu.memref_slice %arg6[%add3A_169, %dma_start3A_174] : memref<125x80xi32, #tpu.memory_space<vmem>> -> memref<1x80xi32, #tpu.memory_space<vmem>>
        %dma_start3A_176 = tpu.memref_squeeze %dma_start3A_175 : memref<1x80xi32, #tpu.memory_space<vmem>> -> memref<80xi32, #tpu.memory_space<vmem>>
        %dma_start3A_177 = arith.constant 0 : i32
        %dma_start3A_178 = arith.constant 0 : i32
        %dma_start3A_179 = tpu.memref_slice %arg2[%dma_start3A_177, %dma_start3A_178] : memref<10240x128xf32, #tpu.memory_space<hbm>> -> memref<10240x128xf32, #tpu.memory_space<hbm>>
        %dma_start3A_180 = tpu.memref_slice %arg11[%rem3A_152] : memref<2x!tpu.dma_semaphore, #tpu.memory_space<semaphore_mem>> -> memref<1x!tpu.dma_semaphore, #tpu.memory_space<semaphore_mem>>
        %dma_start3A_181 = tpu.memref_squeeze %dma_start3A_180 : memref<1x!tpu.dma_semaphore, #tpu.memory_space<semaphore_mem>> -> memref<!tpu.dma_semaphore, #tpu.memory_space<semaphore_mem>>
        tpu.enqueue_indirect_dma source(%dma_start3A_179 : memref<10240x128xf32, #tpu.memory_space<hbm>>) target(%dma_start3A_173 : memref<80x128xf32, #tpu.memory_space<vmem>>) offsets(%dma_start3A_176 : memref<80xi32, #tpu.memory_space<vmem>>) semaphore(%dma_start3A_181 : memref<!tpu.dma_semaphore, #tpu.memory_space<semaphore_mem>>)
      } else {
      }
      %dma_wait3A = arith.constant 0 : i32
      %dma_wait3A_157 = arith.constant 0 : i32
      %dma_wait3A_158 = tpu.memref_slice %arg8[%rem3A_148, %dma_wait3A, %dma_wait3A_157] : memref<2x80x128xf32, #tpu.memory_space<vmem>> -> memref<1x80x128xf32, #tpu.memory_space<vmem>>
      %dma_wait3A_159 = tpu.memref_squeeze %dma_wait3A_158 : memref<1x80x128xf32, #tpu.memory_space<vmem>> -> memref<80x128xf32, #tpu.memory_space<vmem>>
      %dma_wait3A_160 = arith.constant 0 : i32
      %dma_wait3A_161 = tpu.memref_slice %arg6[%scan3A_147, %dma_wait3A_160] : memref<125x80xi32, #tpu.memory_space<vmem>> -> memref<1x80xi32, #tpu.memory_space<vmem>>
      %dma_wait3A_162 = tpu.memref_squeeze %dma_wait3A_161 : memref<1x80xi32, #tpu.memory_space<vmem>> -> memref<80xi32, #tpu.memory_space<vmem>>
      %dma_wait3A_163 = arith.constant 0 : i32
      %dma_wait3A_164 = arith.constant 0 : i32
      %dma_wait3A_165 = tpu.memref_slice %arg2[%dma_wait3A_163, %dma_wait3A_164] : memref<10240x128xf32, #tpu.memory_space<hbm>> -> memref<10240x128xf32, #tpu.memory_space<hbm>>
      %dma_wait3A_166 = tpu.memref_slice %arg11[%rem3A_148] : memref<2x!tpu.dma_semaphore, #tpu.memory_space<semaphore_mem>> -> memref<1x!tpu.dma_semaphore, #tpu.memory_space<semaphore_mem>>
      %dma_wait3A_167 = tpu.memref_squeeze %dma_wait3A_166 : memref<1x!tpu.dma_semaphore, #tpu.memory_space<semaphore_mem>> -> memref<!tpu.dma_semaphore, #tpu.memory_space<semaphore_mem>>
      tpu.wait_indirect_dma semaphore(%dma_wait3A_167 : memref<!tpu.dma_semaphore, #tpu.memory_space<semaphore_mem>>) src(%dma_wait3A_165 : memref<10240x128xf32, #tpu.memory_space<hbm>>) dst(%dma_wait3A_159 : memref<80x128xf32, #tpu.memory_space<vmem>>)
      "tpu.region"() ({
        %run_scoped3A = tpu.sem_alloc : memref<!tpu.dma_semaphore, #tpu.memory_space<semaphore_mem>>
        %dma_start3A_168 = arith.constant 0 : i32
        %dma_start3A_169 = arith.constant 0 : i32
        %dma_start3A_170 = tpu.memref_slice %arg8[%rem3A_148, %dma_start3A_168, %dma_start3A_169] : memref<2x80x128xf32, #tpu.memory_space<vmem>> -> memref<1x80x128xf32, #tpu.memory_space<vmem>>
        %dma_start3A_171 = tpu.memref_squeeze %dma_start3A_170 : memref<1x80x128xf32, #tpu.memory_space<vmem>> -> memref<80x128xf32, #tpu.memory_space<vmem>>
        %dma_start3A_172 = arith.constant 0 : i32
        %dma_start3A_173 = tpu.memref_slice %arg7[%scan3A_147, %dma_start3A_172] : memref<125x80xi32, #tpu.memory_space<vmem>> -> memref<1x80xi32, #tpu.memory_space<vmem>>
        %dma_start3A_174 = tpu.memref_squeeze %dma_start3A_173 : memref<1x80xi32, #tpu.memory_space<vmem>> -> memref<80xi32, #tpu.memory_space<vmem>>
        %dma_start3A_175 = arith.constant 0 : i32
        %dma_start3A_176 = arith.constant 0 : i32
        %dma_start3A_177 = tpu.memref_slice %arg10[%dma_start3A_175, %dma_start3A_176] : memref<10240x128xf32, #tpu.memory_space<vmem_shared>> -> memref<10240x128xf32, #tpu.memory_space<vmem_shared>>
        tpu.enqueue_indirect_dma source(%dma_start3A_171 : memref<80x128xf32, #tpu.memory_space<vmem>>) target(%dma_start3A_177 : memref<10240x128xf32, #tpu.memory_space<vmem_shared>>) offsets(%dma_start3A_174 : memref<80xi32, #tpu.memory_space<vmem>>) semaphore(%run_scoped3A : memref<!tpu.dma_semaphore, #tpu.memory_space<semaphore_mem>>) {add = true}
        %dma_wait3A_178 = arith.constant 0 : i32
        %dma_wait3A_179 = arith.constant 0 : i32
        %dma_wait3A_180 = tpu.memref_slice %arg8[%rem3A_148, %dma_wait3A_178, %dma_wait3A_179] : memref<2x80x128xf32, #tpu.memory_space<vmem>> -> memref<1x80x128xf32, #tpu.memory_space<vmem>>
        %dma_wait3A_181 = tpu.memref_squeeze %dma_wait3A_180 : memref<1x80x128xf32, #tpu.memory_space<vmem>> -> memref<80x128xf32, #tpu.memory_space<vmem>>
        %dma_wait3A_182 = arith.constant 0 : i32
        %dma_wait3A_183 = tpu.memref_slice %arg7[%scan3A_147, %dma_wait3A_182] : memref<125x80xi32, #tpu.memory_space<vmem>> -> memref<1x80xi32, #tpu.memory_space<vmem>>
        %dma_wait3A_184 = tpu.memref_squeeze %dma_wait3A_183 : memref<1x80xi32, #tpu.memory_space<vmem>> -> memref<80xi32, #tpu.memory_space<vmem>>
        %dma_wait3A_185 = arith.constant 0 : i32
        %dma_wait3A_186 = arith.constant 0 : i32
        %dma_wait3A_187 = tpu.memref_slice %arg10[%dma_wait3A_185, %dma_wait3A_186] : memref<10240x128xf32, #tpu.memory_space<vmem_shared>> -> memref<10240x128xf32, #tpu.memory_space<vmem_shared>>
        tpu.wait_indirect_dma semaphore(%run_scoped3A : memref<!tpu.dma_semaphore, #tpu.memory_space<semaphore_mem>>) src(%dma_wait3A_181 : memref<80x128xf32, #tpu.memory_space<vmem>>) dst(%dma_wait3A_187 : memref<10240x128xf32, #tpu.memory_space<vmem_shared>>)
        tpu.yield
      }) : () -> ()
    }
    %scan3A_105 = arith.constant 125 : i32
    %barrier3A_106 = arith.constant 0 : index
    tpu.barrier barrier_id(%barrier3A_106)
    %mul3A_107 = arith.constant 640 : i32
    %mul3A_108 = arith.muli %arg1, %mul3A_107 : i32
    %add3A_109 = arith.constant 0 : i32
    %add3A_110 = arith.addi %mul3A_108, %add3A_109 : i32
    %mul3A_111 = arith.constant 640 : i32
    %mul3A_112 = arith.muli %arg1, %mul3A_111 : i32
    %add3A_113 = arith.constant 0 : i32
    %add3A_114 = arith.addi %mul3A_112, %add3A_113 : i32
    "tpu.region"() ({
      %run_scoped3A = tpu.sem_alloc : memref<!tpu.dma_semaphore, #tpu.memory_space<semaphore_mem>>
      %dma_start3A_147 = arith.constant 0 : i32
      %dma_start3A_148 = tpu.memref_slice %arg5[%arg0, %add3A_114, %dma_start3A_147] : memref<2x10240x128xf32, #tpu.memory_space<hbm>> -> memref<1x128x128xf32, #tpu.memory_space<hbm>>
      %dma_start3A_149 = tpu.memref_squeeze %dma_start3A_148 : memref<1x128x128xf32, #tpu.memory_space<hbm>> -> memref<128x128xf32, #tpu.memory_space<hbm>>
      %dma_start3A_150 = arith.constant 0 : i32
      %dma_start3A_151 = tpu.memref_slice %arg10[%add3A_110, %dma_start3A_150] : memref<10240x128xf32, #tpu.memory_space<vmem_shared>> -> memref<128x128xf32, #tpu.memory_space<vmem_shared>>
      tpu.enqueue_dma source(%dma_start3A_151 : memref<128x128xf32, #tpu.memory_space<vmem_shared>>) target(%dma_start3A_149 : memref<128x128xf32, #tpu.memory_space<hbm>>) target_semaphore(%run_scoped3A : memref<!tpu.dma_semaphore, #tpu.memory_space<semaphore_mem>>)
      %dma_wait3A = arith.constant 0 : i32
      %dma_wait3A_152 = tpu.memref_slice %arg5[%arg0, %add3A_114, %dma_wait3A] : memref<2x10240x128xf32, #tpu.memory_space<hbm>> -> memref<1x128x128xf32, #tpu.memory_space<hbm>>
      %dma_wait3A_153 = tpu.memref_squeeze %dma_wait3A_152 : memref<1x128x128xf32, #tpu.memory_space<hbm>> -> memref<128x128xf32, #tpu.memory_space<hbm>>
      %dma_wait3A_154 = arith.constant 0 : i32
      %dma_wait3A_155 = tpu.memref_slice %arg10[%add3A_110, %dma_wait3A_154] : memref<10240x128xf32, #tpu.memory_space<vmem_shared>> -> memref<128x128xf32, #tpu.memory_space<vmem_shared>>
      tpu.wait_dma2 semaphore(%run_scoped3A : memref<!tpu.dma_semaphore, #tpu.memory_space<semaphore_mem>>) src(%dma_wait3A_155 : memref<128x128xf32, #tpu.memory_space<vmem_shared>>) dst(%dma_wait3A_153 : memref<128x128xf32, #tpu.memory_space<hbm>>)
      tpu.yield
    }) : () -> ()
    %mul3A_115 = arith.constant 640 : i32
    %mul3A_116 = arith.muli %arg1, %mul3A_115 : i32
    %add3A_117 = arith.constant 128 : i32
    %add3A_118 = arith.addi %mul3A_116, %add3A_117 : i32
    %mul3A_119 = arith.constant 640 : i32
    %mul3A_120 = arith.muli %arg1, %mul3A_119 : i32
    %add3A_121 = arith.constant 128 : i32
    %add3A_122 = arith.addi %mul3A_120, %add3A_121 : i32
    "tpu.region"() ({
      %run_scoped3A = tpu.sem_alloc : memref<!tpu.dma_semaphore, #tpu.memory_space<semaphore_mem>>
      %dma_start3A_147 = arith.constant 0 : i32
      %dma_start3A_148 = tpu.memref_slice %arg5[%arg0, %add3A_122, %dma_start3A_147] : memref<2x10240x128xf32, #tpu.memory_space<hbm>> -> memref<1x128x128xf32, #tpu.memory_space<hbm>>
      %dma_start3A_149 = tpu.memref_squeeze %dma_start3A_148 : memref<1x128x128xf32, #tpu.memory_space<hbm>> -> memref<128x128xf32, #tpu.memory_space<hbm>>
      %dma_start3A_150 = arith.constant 0 : i32
      %dma_start3A_151 = tpu.memref_slice %arg10[%add3A_118, %dma_start3A_150] : memref<10240x128xf32, #tpu.memory_space<vmem_shared>> -> memref<128x128xf32, #tpu.memory_space<vmem_shared>>
      tpu.enqueue_dma source(%dma_start3A_151 : memref<128x128xf32, #tpu.memory_space<vmem_shared>>) target(%dma_start3A_149 : memref<128x128xf32, #tpu.memory_space<hbm>>) target_semaphore(%run_scoped3A : memref<!tpu.dma_semaphore, #tpu.memory_space<semaphore_mem>>)
      %dma_wait3A = arith.constant 0 : i32
      %dma_wait3A_152 = tpu.memref_slice %arg5[%arg0, %add3A_122, %dma_wait3A] : memref<2x10240x128xf32, #tpu.memory_space<hbm>> -> memref<1x128x128xf32, #tpu.memory_space<hbm>>
      %dma_wait3A_153 = tpu.memref_squeeze %dma_wait3A_152 : memref<1x128x128xf32, #tpu.memory_space<hbm>> -> memref<128x128xf32, #tpu.memory_space<hbm>>
      %dma_wait3A_154 = arith.constant 0 : i32
      %dma_wait3A_155 = tpu.memref_slice %arg10[%add3A_118, %dma_wait3A_154] : memref<10240x128xf32, #tpu.memory_space<vmem_shared>> -> memref<128x128xf32, #tpu.memory_space<vmem_shared>>
      tpu.wait_dma2 semaphore(%run_scoped3A : memref<!tpu.dma_semaphore, #tpu.memory_space<semaphore_mem>>) src(%dma_wait3A_155 : memref<128x128xf32, #tpu.memory_space<vmem_shared>>) dst(%dma_wait3A_153 : memref<128x128xf32, #tpu.memory_space<hbm>>)
      tpu.yield
    }) : () -> ()
    %mul3A_123 = arith.constant 640 : i32
    %mul3A_124 = arith.muli %arg1, %mul3A_123 : i32
    %add3A_125 = arith.constant 256 : i32
    %add3A_126 = arith.addi %mul3A_124, %add3A_125 : i32
    %mul3A_127 = arith.constant 640 : i32
    %mul3A_128 = arith.muli %arg1, %mul3A_127 : i32
    %add3A_129 = arith.constant 256 : i32
    %add3A_130 = arith.addi %mul3A_128, %add3A_129 : i32
    "tpu.region"() ({
      %run_scoped3A = tpu.sem_alloc : memref<!tpu.dma_semaphore, #tpu.memory_space<semaphore_mem>>
      %dma_start3A_147 = arith.constant 0 : i32
      %dma_start3A_148 = tpu.memref_slice %arg5[%arg0, %add3A_130, %dma_start3A_147] : memref<2x10240x128xf32, #tpu.memory_space<hbm>> -> memref<1x128x128xf32, #tpu.memory_space<hbm>>
      %dma_start3A_149 = tpu.memref_squeeze %dma_start3A_148 : memref<1x128x128xf32, #tpu.memory_space<hbm>> -> memref<128x128xf32, #tpu.memory_space<hbm>>
      %dma_start3A_150 = arith.constant 0 : i32
      %dma_start3A_151 = tpu.memref_slice %arg10[%add3A_126, %dma_start3A_150] : memref<10240x128xf32, #tpu.memory_space<vmem_shared>> -> memref<128x128xf32, #tpu.memory_space<vmem_shared>>
      tpu.enqueue_dma source(%dma_start3A_151 : memref<128x128xf32, #tpu.memory_space<vmem_shared>>) target(%dma_start3A_149 : memref<128x128xf32, #tpu.memory_space<hbm>>) target_semaphore(%run_scoped3A : memref<!tpu.dma_semaphore, #tpu.memory_space<semaphore_mem>>)
      %dma_wait3A = arith.constant 0 : i32
      %dma_wait3A_152 = tpu.memref_slice %arg5[%arg0, %add3A_130, %dma_wait3A] : memref<2x10240x128xf32, #tpu.memory_space<hbm>> -> memref<1x128x128xf32, #tpu.memory_space<hbm>>
      %dma_wait3A_153 = tpu.memref_squeeze %dma_wait3A_152 : memref<1x128x128xf32, #tpu.memory_space<hbm>> -> memref<128x128xf32, #tpu.memory_space<hbm>>
      %dma_wait3A_154 = arith.constant 0 : i32
      %dma_wait3A_155 = tpu.memref_slice %arg10[%add3A_126, %dma_wait3A_154] : memref<10240x128xf32, #tpu.memory_space<vmem_shared>> -> memref<128x128xf32, #tpu.memory_space<vmem_shared>>
      tpu.wait_dma2 semaphore(%run_scoped3A : memref<!tpu.dma_semaphore, #tpu.memory_space<semaphore_mem>>) src(%dma_wait3A_155 : memref<128x128xf32, #tpu.memory_space<vmem_shared>>) dst(%dma_wait3A_153 : memref<128x128xf32, #tpu.memory_space<hbm>>)
      tpu.yield
    }) : () -> ()
    %mul3A_131 = arith.constant 640 : i32
    %mul3A_132 = arith.muli %arg1, %mul3A_131 : i32
    %add3A_133 = arith.constant 384 : i32
    %add3A_134 = arith.addi %mul3A_132, %add3A_133 : i32
    %mul3A_135 = arith.constant 640 : i32
    %mul3A_136 = arith.muli %arg1, %mul3A_135 : i32
    %add3A_137 = arith.constant 384 : i32
    %add3A_138 = arith.addi %mul3A_136, %add3A_137 : i32
    "tpu.region"() ({
      %run_scoped3A = tpu.sem_alloc : memref<!tpu.dma_semaphore, #tpu.memory_space<semaphore_mem>>
      %dma_start3A_147 = arith.constant 0 : i32
      %dma_start3A_148 = tpu.memref_slice %arg5[%arg0, %add3A_138, %dma_start3A_147] : memref<2x10240x128xf32, #tpu.memory_space<hbm>> -> memref<1x128x128xf32, #tpu.memory_space<hbm>>
      %dma_start3A_149 = tpu.memref_squeeze %dma_start3A_148 : memref<1x128x128xf32, #tpu.memory_space<hbm>> -> memref<128x128xf32, #tpu.memory_space<hbm>>
      %dma_start3A_150 = arith.constant 0 : i32
      %dma_start3A_151 = tpu.memref_slice %arg10[%add3A_134, %dma_start3A_150] : memref<10240x128xf32, #tpu.memory_space<vmem_shared>> -> memref<128x128xf32, #tpu.memory_space<vmem_shared>>
      tpu.enqueue_dma source(%dma_start3A_151 : memref<128x128xf32, #tpu.memory_space<vmem_shared>>) target(%dma_start3A_149 : memref<128x128xf32, #tpu.memory_space<hbm>>) target_semaphore(%run_scoped3A : memref<!tpu.dma_semaphore, #tpu.memory_space<semaphore_mem>>)
      %dma_wait3A = arith.constant 0 : i32
      %dma_wait3A_152 = tpu.memref_slice %arg5[%arg0, %add3A_138, %dma_wait3A] : memref<2x10240x128xf32, #tpu.memory_space<hbm>> -> memref<1x128x128xf32, #tpu.memory_space<hbm>>
      %dma_wait3A_153 = tpu.memref_squeeze %dma_wait3A_152 : memref<1x128x128xf32, #tpu.memory_space<hbm>> -> memref<128x128xf32, #tpu.memory_space<hbm>>
      %dma_wait3A_154 = arith.constant 0 : i32
      %dma_wait3A_155 = tpu.memref_slice %arg10[%add3A_134, %dma_wait3A_154] : memref<10240x128xf32, #tpu.memory_space<vmem_shared>> -> memref<128x128xf32, #tpu.memory_space<vmem_shared>>
      tpu.wait_dma2 semaphore(%run_scoped3A : memref<!tpu.dma_semaphore, #tpu.memory_space<semaphore_mem>>) src(%dma_wait3A_155 : memref<128x128xf32, #tpu.memory_space<vmem_shared>>) dst(%dma_wait3A_153 : memref<128x128xf32, #tpu.memory_space<hbm>>)
      tpu.yield
    }) : () -> ()
    %mul3A_139 = arith.constant 640 : i32
    %mul3A_140 = arith.muli %arg1, %mul3A_139 : i32
    %add3A_141 = arith.constant 512 : i32
    %add3A_142 = arith.addi %mul3A_140, %add3A_141 : i32
    %mul3A_143 = arith.constant 640 : i32
    %mul3A_144 = arith.muli %arg1, %mul3A_143 : i32
    %add3A_145 = arith.constant 512 : i32
    %add3A_146 = arith.addi %mul3A_144, %add3A_145 : i32
    "tpu.region"() ({
      %run_scoped3A = tpu.sem_alloc : memref<!tpu.dma_semaphore, #tpu.memory_space<semaphore_mem>>
      %dma_start3A_147 = arith.constant 0 : i32
      %dma_start3A_148 = tpu.memref_slice %arg5[%arg0, %add3A_146, %dma_start3A_147] : memref<2x10240x128xf32, #tpu.memory_space<hbm>> -> memref<1x128x128xf32, #tpu.memory_space<hbm>>
      %dma_start3A_149 = tpu.memref_squeeze %dma_start3A_148 : memref<1x128x128xf32, #tpu.memory_space<hbm>> -> memref<128x128xf32, #tpu.memory_space<hbm>>
      %dma_start3A_150 = arith.constant 0 : i32
      %dma_start3A_151 = tpu.memref_slice %arg10[%add3A_142, %dma_start3A_150] : memref<10240x128xf32, #tpu.memory_space<vmem_shared>> -> memref<128x128xf32, #tpu.memory_space<vmem_shared>>
      tpu.enqueue_dma source(%dma_start3A_151 : memref<128x128xf32, #tpu.memory_space<vmem_shared>>) target(%dma_start3A_149 : memref<128x128xf32, #tpu.memory_space<hbm>>) target_semaphore(%run_scoped3A : memref<!tpu.dma_semaphore, #tpu.memory_space<semaphore_mem>>)
      %dma_wait3A = arith.constant 0 : i32
      %dma_wait3A_152 = tpu.memref_slice %arg5[%arg0, %add3A_146, %dma_wait3A] : memref<2x10240x128xf32, #tpu.memory_space<hbm>> -> memref<1x128x128xf32, #tpu.memory_space<hbm>>
      %dma_wait3A_153 = tpu.memref_squeeze %dma_wait3A_152 : memref<1x128x128xf32, #tpu.memory_space<hbm>> -> memref<128x128xf32, #tpu.memory_space<hbm>>
      %dma_wait3A_154 = arith.constant 0 : i32
      %dma_wait3A_155 = tpu.memref_slice %arg10[%add3A_142, %dma_wait3A_154] : memref<10240x128xf32, #tpu.memory_space<vmem_shared>> -> memref<128x128xf32, #tpu.memory_space<vmem_shared>>
      tpu.wait_dma2 semaphore(%run_scoped3A : memref<!tpu.dma_semaphore, #tpu.memory_space<semaphore_mem>>) src(%dma_wait3A_155 : memref<128x128xf32, #tpu.memory_space<vmem_shared>>) dst(%dma_wait3A_153 : memref<128x128xf32, #tpu.memory_space<hbm>>)
      tpu.yield
    }) : () -> ()
    return
  }
}

#map = affine_map<(d0, d1) -> (0, 0)>
#map1 = affine_map<(d0, d1) -> (0, 0, 0)>
module attributes {stable_mosaic.version = 14 : i64} {
  func.func @_sc_scatter_u(%arg0: i32, %arg1: i32, %arg2: memref<1x10240xf32, #tpu.memory_space<hbm>>, %arg3: memref<1x10240xi32, #tpu.memory_space<hbm>>, %arg4: memref<32x125x80xi32, #tpu.memory_space<hbm>>, %arg5: memref<32x125x80xi32, #tpu.memory_space<hbm>>, %arg6: memref<2x1310720xf32, #tpu.memory_space<hbm>>, %arg7: memref<125x80xi32, #tpu.memory_space<vmem>>, %arg8: memref<125x80xi32, #tpu.memory_space<vmem>>, %arg9: memref<10240xf32, #tpu.memory_space<vmem>>, %arg10: memref<10240xi32, #tpu.memory_space<vmem>>, %arg11: memref<2x80xi32, #tpu.memory_space<vmem>>, %arg12: memref<2x80xf32, #tpu.memory_space<vmem>>, %arg13: memref<4096xf32, #tpu.memory_space<vmem>>, %arg14: memref<1310720xf32, #tpu.memory_space<vmem_shared>>, %arg15: memref<2x!tpu.dma_semaphore, #tpu.memory_space<semaphore_mem>>) attributes {dimension_semantics = [#tpu.dimension_semantics<core_parallel>, #tpu.dimension_semantics<subcore_parallel>], iteration_bounds = array<i64: 2, 16>, scalar_prefetch = 0 : i64, scratch_operands = 9 : i64, tpu.core_type = #tpu.core_type<sc_vector_subcore>, window_params = [{transform_indices = #map}, {transform_indices = #map}, {transform_indices = #map1}, {transform_indices = #map1}, {transform_indices = #map}]} {
    %mul3A = arith.constant 2 : i32
    %mul3A_0 = arith.muli %arg1, %mul3A : i32
    %add3A = arith.addi %mul3A_0, %arg0 : i32
    %scan3A = arith.constant 0 : i32
    %scan3A_1 = arith.constant 0 : i32
    %scan3A_2 = arith.constant 256 : i32
    %scan3A_3 = arith.addi %scan3A_1, %scan3A_2 : i32
    %scan3A_4 = arith.constant 1 : i32
    scf.for %scan3A_279 = %scan3A_1 to %scan3A_3 step %scan3A_4  : i32 {
      %broadcast_in_dim3A = arith.constant 0.000000e+00 : f32
      %broadcast_in_dim3A_280 = vector.broadcast %broadcast_in_dim3A : f32 to vector<16xf32>
      %mul3A_281 = arith.constant 16 : i32
      %mul3A_282 = arith.muli %scan3A_279, %mul3A_281 : i32
      %swap3A = arith.index_cast %mul3A_282 : i32 to index
      %swap3A_283 = tpu.vector_load %arg13[%swap3A] {strides = array<i32>} : memref<4096xf32, #tpu.memory_space<vmem>>, vector<16xf32>,
      tpu.vector_store %arg13[%swap3A], %broadcast_in_dim3A_280 {strides = array<i32>} : memref<4096xf32, #tpu.memory_space<vmem>>, vector<16xf32>,
    }
    %scan3A_5 = arith.constant 256 : i32
    %mul3A_6 = arith.constant 81920 : i32
    %mul3A_7 = arith.muli %arg1, %mul3A_6 : i32
    %add3A_8 = arith.constant 0 : i32
    %add3A_9 = arith.addi %mul3A_7, %add3A_8 : i32
    "tpu.region"() ({
      %run_scoped3A_279 = tpu.sem_alloc : memref<!tpu.dma_semaphore, #tpu.memory_space<semaphore_mem>>
      %dma_start3A = tpu.memref_slice %arg14[%add3A_9] : memref<1310720xf32, #tpu.memory_space<vmem_shared>> -> memref<4096xf32, #tpu.memory_space<vmem_shared>>
      %dma_start3A_280 = tpu.memref_slice %arg14[%add3A_9] : memref<1310720xf32, #tpu.memory_space<vmem_shared>> -> memref<4096xf32, #tpu.memory_space<vmem_shared>>
      tpu.enqueue_dma source(%arg13 : memref<4096xf32, #tpu.memory_space<vmem>>) target(%dma_start3A_280 : memref<4096xf32, #tpu.memory_space<vmem_shared>>) target_semaphore(%run_scoped3A_279 : memref<!tpu.dma_semaphore, #tpu.memory_space<semaphore_mem>>)
      %dma_wait3A_281 = tpu.memref_slice %arg14[%add3A_9] : memref<1310720xf32, #tpu.memory_space<vmem_shared>> -> memref<4096xf32, #tpu.memory_space<vmem_shared>>
      %dma_wait3A_282 = tpu.memref_slice %arg14[%add3A_9] : memref<1310720xf32, #tpu.memory_space<vmem_shared>> -> memref<4096xf32, #tpu.memory_space<vmem_shared>>
      tpu.wait_dma2 semaphore(%run_scoped3A_279 : memref<!tpu.dma_semaphore, #tpu.memory_space<semaphore_mem>>) src(%arg13 : memref<4096xf32, #tpu.memory_space<vmem>>) dst(%dma_wait3A_282 : memref<4096xf32, #tpu.memory_space<vmem_shared>>)
      tpu.yield
    }) : () -> ()
    %mul3A_10 = arith.constant 81920 : i32
    %mul3A_11 = arith.muli %arg1, %mul3A_10 : i32
    %add3A_12 = arith.constant 4096 : i32
    %add3A_13 = arith.addi %mul3A_11, %add3A_12 : i32
    "tpu.region"() ({
      %run_scoped3A_279 = tpu.sem_alloc : memref<!tpu.dma_semaphore, #tpu.memory_space<semaphore_mem>>
      %dma_start3A = tpu.memref_slice %arg14[%add3A_13] : memref<1310720xf32, #tpu.memory_space<vmem_shared>> -> memref<4096xf32, #tpu.memory_space<vmem_shared>>
      %dma_start3A_280 = tpu.memref_slice %arg14[%add3A_13] : memref<1310720xf32, #tpu.memory_space<vmem_shared>> -> memref<4096xf32, #tpu.memory_space<vmem_shared>>
      tpu.enqueue_dma source(%arg13 : memref<4096xf32, #tpu.memory_space<vmem>>) target(%dma_start3A_280 : memref<4096xf32, #tpu.memory_space<vmem_shared>>) target_semaphore(%run_scoped3A_279 : memref<!tpu.dma_semaphore, #tpu.memory_space<semaphore_mem>>)
      %dma_wait3A_281 = tpu.memref_slice %arg14[%add3A_13] : memref<1310720xf32, #tpu.memory_space<vmem_shared>> -> memref<4096xf32, #tpu.memory_space<vmem_shared>>
      %dma_wait3A_282 = tpu.memref_slice %arg14[%add3A_13] : memref<1310720xf32, #tpu.memory_space<vmem_shared>> -> memref<4096xf32, #tpu.memory_space<vmem_shared>>
      tpu.wait_dma2 semaphore(%run_scoped3A_279 : memref<!tpu.dma_semaphore, #tpu.memory_space<semaphore_mem>>) src(%arg13 : memref<4096xf32, #tpu.memory_space<vmem>>) dst(%dma_wait3A_282 : memref<4096xf32, #tpu.memory_space<vmem_shared>>)
      tpu.yield
    }) : () -> ()
    %mul3A_14 = arith.constant 81920 : i32
    %mul3A_15 = arith.muli %arg1, %mul3A_14 : i32
    %add3A_16 = arith.constant 8192 : i32
    %add3A_17 = arith.addi %mul3A_15, %add3A_16 : i32
    "tpu.region"() ({
      %run_scoped3A_279 = tpu.sem_alloc : memref<!tpu.dma_semaphore, #tpu.memory_space<semaphore_mem>>
      %dma_start3A = tpu.memref_slice %arg14[%add3A_17] : memref<1310720xf32, #tpu.memory_space<vmem_shared>> -> memref<4096xf32, #tpu.memory_space<vmem_shared>>
      %dma_start3A_280 = tpu.memref_slice %arg14[%add3A_17] : memref<1310720xf32, #tpu.memory_space<vmem_shared>> -> memref<4096xf32, #tpu.memory_space<vmem_shared>>
      tpu.enqueue_dma source(%arg13 : memref<4096xf32, #tpu.memory_space<vmem>>) target(%dma_start3A_280 : memref<4096xf32, #tpu.memory_space<vmem_shared>>) target_semaphore(%run_scoped3A_279 : memref<!tpu.dma_semaphore, #tpu.memory_space<semaphore_mem>>)
      %dma_wait3A_281 = tpu.memref_slice %arg14[%add3A_17] : memref<1310720xf32, #tpu.memory_space<vmem_shared>> -> memref<4096xf32, #tpu.memory_space<vmem_shared>>
      %dma_wait3A_282 = tpu.memref_slice %arg14[%add3A_17] : memref<1310720xf32, #tpu.memory_space<vmem_shared>> -> memref<4096xf32, #tpu.memory_space<vmem_shared>>
      tpu.wait_dma2 semaphore(%run_scoped3A_279 : memref<!tpu.dma_semaphore, #tpu.memory_space<semaphore_mem>>) src(%arg13 : memref<4096xf32, #tpu.memory_space<vmem>>) dst(%dma_wait3A_282 : memref<4096xf32, #tpu.memory_space<vmem_shared>>)
      tpu.yield
    }) : () -> ()
    %mul3A_18 = arith.constant 81920 : i32
    %mul3A_19 = arith.muli %arg1, %mul3A_18 : i32
    %add3A_20 = arith.constant 12288 : i32
    %add3A_21 = arith.addi %mul3A_19, %add3A_20 : i32
    "tpu.region"() ({
      %run_scoped3A_279 = tpu.sem_alloc : memref<!tpu.dma_semaphore, #tpu.memory_space<semaphore_mem>>
      %dma_start3A = tpu.memref_slice %arg14[%add3A_21] : memref<1310720xf32, #tpu.memory_space<vmem_shared>> -> memref<4096xf32, #tpu.memory_space<vmem_shared>>
      %dma_start3A_280 = tpu.memref_slice %arg14[%add3A_21] : memref<1310720xf32, #tpu.memory_space<vmem_shared>> -> memref<4096xf32, #tpu.memory_space<vmem_shared>>
      tpu.enqueue_dma source(%arg13 : memref<4096xf32, #tpu.memory_space<vmem>>) target(%dma_start3A_280 : memref<4096xf32, #tpu.memory_space<vmem_shared>>) target_semaphore(%run_scoped3A_279 : memref<!tpu.dma_semaphore, #tpu.memory_space<semaphore_mem>>)
      %dma_wait3A_281 = tpu.memref_slice %arg14[%add3A_21] : memref<1310720xf32, #tpu.memory_space<vmem_shared>> -> memref<4096xf32, #tpu.memory_space<vmem_shared>>
      %dma_wait3A_282 = tpu.memref_slice %arg14[%add3A_21] : memref<1310720xf32, #tpu.memory_space<vmem_shared>> -> memref<4096xf32, #tpu.memory_space<vmem_shared>>
      tpu.wait_dma2 semaphore(%run_scoped3A_279 : memref<!tpu.dma_semaphore, #tpu.memory_space<semaphore_mem>>) src(%arg13 : memref<4096xf32, #tpu.memory_space<vmem>>) dst(%dma_wait3A_282 : memref<4096xf32, #tpu.memory_space<vmem_shared>>)
      tpu.yield
    }) : () -> ()
    %mul3A_22 = arith.constant 81920 : i32
    %mul3A_23 = arith.muli %arg1, %mul3A_22 : i32
    %add3A_24 = arith.constant 16384 : i32
    %add3A_25 = arith.addi %mul3A_23, %add3A_24 : i32
    "tpu.region"() ({
      %run_scoped3A_279 = tpu.sem_alloc : memref<!tpu.dma_semaphore, #tpu.memory_space<semaphore_mem>>
      %dma_start3A = tpu.memref_slice %arg14[%add3A_25] : memref<1310720xf32, #tpu.memory_space<vmem_shared>> -> memref<4096xf32, #tpu.memory_space<vmem_shared>>
      %dma_start3A_280 = tpu.memref_slice %arg14[%add3A_25] : memref<1310720xf32, #tpu.memory_space<vmem_shared>> -> memref<4096xf32, #tpu.memory_space<vmem_shared>>
      tpu.enqueue_dma source(%arg13 : memref<4096xf32, #tpu.memory_space<vmem>>) target(%dma_start3A_280 : memref<4096xf32, #tpu.memory_space<vmem_shared>>) target_semaphore(%run_scoped3A_279 : memref<!tpu.dma_semaphore, #tpu.memory_space<semaphore_mem>>)
      %dma_wait3A_281 = tpu.memref_slice %arg14[%add3A_25] : memref<1310720xf32, #tpu.memory_space<vmem_shared>> -> memref<4096xf32, #tpu.memory_space<vmem_shared>>
      %dma_wait3A_282 = tpu.memref_slice %arg14[%add3A_25] : memref<1310720xf32, #tpu.memory_space<vmem_shared>> -> memref<4096xf32, #tpu.memory_space<vmem_shared>>
      tpu.wait_dma2 semaphore(%run_scoped3A_279 : memref<!tpu.dma_semaphore, #tpu.memory_space<semaphore_mem>>) src(%arg13 : memref<4096xf32, #tpu.memory_space<vmem>>) dst(%dma_wait3A_282 : memref<4096xf32, #tpu.memory_space<vmem_shared>>)
      tpu.yield
    }) : () -> ()
    %mul3A_26 = arith.constant 81920 : i32
    %mul3A_27 = arith.muli %arg1, %mul3A_26 : i32
    %add3A_28 = arith.constant 20480 : i32
    %add3A_29 = arith.addi %mul3A_27, %add3A_28 : i32
    "tpu.region"() ({
      %run_scoped3A_279 = tpu.sem_alloc : memref<!tpu.dma_semaphore, #tpu.memory_space<semaphore_mem>>
      %dma_start3A = tpu.memref_slice %arg14[%add3A_29] : memref<1310720xf32, #tpu.memory_space<vmem_shared>> -> memref<4096xf32, #tpu.memory_space<vmem_shared>>
      %dma_start3A_280 = tpu.memref_slice %arg14[%add3A_29] : memref<1310720xf32, #tpu.memory_space<vmem_shared>> -> memref<4096xf32, #tpu.memory_space<vmem_shared>>
      tpu.enqueue_dma source(%arg13 : memref<4096xf32, #tpu.memory_space<vmem>>) target(%dma_start3A_280 : memref<4096xf32, #tpu.memory_space<vmem_shared>>) target_semaphore(%run_scoped3A_279 : memref<!tpu.dma_semaphore, #tpu.memory_space<semaphore_mem>>)
      %dma_wait3A_281 = tpu.memref_slice %arg14[%add3A_29] : memref<1310720xf32, #tpu.memory_space<vmem_shared>> -> memref<4096xf32, #tpu.memory_space<vmem_shared>>
      %dma_wait3A_282 = tpu.memref_slice %arg14[%add3A_29] : memref<1310720xf32, #tpu.memory_space<vmem_shared>> -> memref<4096xf32, #tpu.memory_space<vmem_shared>>
      tpu.wait_dma2 semaphore(%run_scoped3A_279 : memref<!tpu.dma_semaphore, #tpu.memory_space<semaphore_mem>>) src(%arg13 : memref<4096xf32, #tpu.memory_space<vmem>>) dst(%dma_wait3A_282 : memref<4096xf32, #tpu.memory_space<vmem_shared>>)
      tpu.yield
    }) : () -> ()
    %mul3A_30 = arith.constant 81920 : i32
    %mul3A_31 = arith.muli %arg1, %mul3A_30 : i32
    %add3A_32 = arith.constant 24576 : i32
    %add3A_33 = arith.addi %mul3A_31, %add3A_32 : i32
    "tpu.region"() ({
      %run_scoped3A_279 = tpu.sem_alloc : memref<!tpu.dma_semaphore, #tpu.memory_space<semaphore_mem>>
      %dma_start3A = tpu.memref_slice %arg14[%add3A_33] : memref<1310720xf32, #tpu.memory_space<vmem_shared>> -> memref<4096xf32, #tpu.memory_space<vmem_shared>>
      %dma_start3A_280 = tpu.memref_slice %arg14[%add3A_33] : memref<1310720xf32, #tpu.memory_space<vmem_shared>> -> memref<4096xf32, #tpu.memory_space<vmem_shared>>
      tpu.enqueue_dma source(%arg13 : memref<4096xf32, #tpu.memory_space<vmem>>) target(%dma_start3A_280 : memref<4096xf32, #tpu.memory_space<vmem_shared>>) target_semaphore(%run_scoped3A_279 : memref<!tpu.dma_semaphore, #tpu.memory_space<semaphore_mem>>)
      %dma_wait3A_281 = tpu.memref_slice %arg14[%add3A_33] : memref<1310720xf32, #tpu.memory_space<vmem_shared>> -> memref<4096xf32, #tpu.memory_space<vmem_shared>>
      %dma_wait3A_282 = tpu.memref_slice %arg14[%add3A_33] : memref<1310720xf32, #tpu.memory_space<vmem_shared>> -> memref<4096xf32, #tpu.memory_space<vmem_shared>>
      tpu.wait_dma2 semaphore(%run_scoped3A_279 : memref<!tpu.dma_semaphore, #tpu.memory_space<semaphore_mem>>) src(%arg13 : memref<4096xf32, #tpu.memory_space<vmem>>) dst(%dma_wait3A_282 : memref<4096xf32, #tpu.memory_space<vmem_shared>>)
      tpu.yield
    }) : () -> ()
    %mul3A_34 = arith.constant 81920 : i32
    %mul3A_35 = arith.muli %arg1, %mul3A_34 : i32
    %add3A_36 = arith.constant 28672 : i32
    %add3A_37 = arith.addi %mul3A_35, %add3A_36 : i32
    "tpu.region"() ({
      %run_scoped3A_279 = tpu.sem_alloc : memref<!tpu.dma_semaphore, #tpu.memory_space<semaphore_mem>>
      %dma_start3A = tpu.memref_slice %arg14[%add3A_37] : memref<1310720xf32, #tpu.memory_space<vmem_shared>> -> memref<4096xf32, #tpu.memory_space<vmem_shared>>
      %dma_start3A_280 = tpu.memref_slice %arg14[%add3A_37] : memref<1310720xf32, #tpu.memory_space<vmem_shared>> -> memref<4096xf32, #tpu.memory_space<vmem_shared>>
      tpu.enqueue_dma source(%arg13 : memref<4096xf32, #tpu.memory_space<vmem>>) target(%dma_start3A_280 : memref<4096xf32, #tpu.memory_space<vmem_shared>>) target_semaphore(%run_scoped3A_279 : memref<!tpu.dma_semaphore, #tpu.memory_space<semaphore_mem>>)
      %dma_wait3A_281 = tpu.memref_slice %arg14[%add3A_37] : memref<1310720xf32, #tpu.memory_space<vmem_shared>> -> memref<4096xf32, #tpu.memory_space<vmem_shared>>
      %dma_wait3A_282 = tpu.memref_slice %arg14[%add3A_37] : memref<1310720xf32, #tpu.memory_space<vmem_shared>> -> memref<4096xf32, #tpu.memory_space<vmem_shared>>
      tpu.wait_dma2 semaphore(%run_scoped3A_279 : memref<!tpu.dma_semaphore, #tpu.memory_space<semaphore_mem>>) src(%arg13 : memref<4096xf32, #tpu.memory_space<vmem>>) dst(%dma_wait3A_282 : memref<4096xf32, #tpu.memory_space<vmem_shared>>)
      tpu.yield
    }) : () -> ()
    %mul3A_38 = arith.constant 81920 : i32
    %mul3A_39 = arith.muli %arg1, %mul3A_38 : i32
    %add3A_40 = arith.constant 32768 : i32
    %add3A_41 = arith.addi %mul3A_39, %add3A_40 : i32
    "tpu.region"() ({
      %run_scoped3A_279 = tpu.sem_alloc : memref<!tpu.dma_semaphore, #tpu.memory_space<semaphore_mem>>
      %dma_start3A = tpu.memref_slice %arg14[%add3A_41] : memref<1310720xf32, #tpu.memory_space<vmem_shared>> -> memref<4096xf32, #tpu.memory_space<vmem_shared>>
      %dma_start3A_280 = tpu.memref_slice %arg14[%add3A_41] : memref<1310720xf32, #tpu.memory_space<vmem_shared>> -> memref<4096xf32, #tpu.memory_space<vmem_shared>>
      tpu.enqueue_dma source(%arg13 : memref<4096xf32, #tpu.memory_space<vmem>>) target(%dma_start3A_280 : memref<4096xf32, #tpu.memory_space<vmem_shared>>) target_semaphore(%run_scoped3A_279 : memref<!tpu.dma_semaphore, #tpu.memory_space<semaphore_mem>>)
      %dma_wait3A_281 = tpu.memref_slice %arg14[%add3A_41] : memref<1310720xf32, #tpu.memory_space<vmem_shared>> -> memref<4096xf32, #tpu.memory_space<vmem_shared>>
      %dma_wait3A_282 = tpu.memref_slice %arg14[%add3A_41] : memref<1310720xf32, #tpu.memory_space<vmem_shared>> -> memref<4096xf32, #tpu.memory_space<vmem_shared>>
      tpu.wait_dma2 semaphore(%run_scoped3A_279 : memref<!tpu.dma_semaphore, #tpu.memory_space<semaphore_mem>>) src(%arg13 : memref<4096xf32, #tpu.memory_space<vmem>>) dst(%dma_wait3A_282 : memref<4096xf32, #tpu.memory_space<vmem_shared>>)
      tpu.yield
    }) : () -> ()
    %mul3A_42 = arith.constant 81920 : i32
    %mul3A_43 = arith.muli %arg1, %mul3A_42 : i32
    %add3A_44 = arith.constant 36864 : i32
    %add3A_45 = arith.addi %mul3A_43, %add3A_44 : i32
    "tpu.region"() ({
      %run_scoped3A_279 = tpu.sem_alloc : memref<!tpu.dma_semaphore, #tpu.memory_space<semaphore_mem>>
      %dma_start3A = tpu.memref_slice %arg14[%add3A_45] : memref<1310720xf32, #tpu.memory_space<vmem_shared>> -> memref<4096xf32, #tpu.memory_space<vmem_shared>>
      %dma_start3A_280 = tpu.memref_slice %arg14[%add3A_45] : memref<1310720xf32, #tpu.memory_space<vmem_shared>> -> memref<4096xf32, #tpu.memory_space<vmem_shared>>
      tpu.enqueue_dma source(%arg13 : memref<4096xf32, #tpu.memory_space<vmem>>) target(%dma_start3A_280 : memref<4096xf32, #tpu.memory_space<vmem_shared>>) target_semaphore(%run_scoped3A_279 : memref<!tpu.dma_semaphore, #tpu.memory_space<semaphore_mem>>)
      %dma_wait3A_281 = tpu.memref_slice %arg14[%add3A_45] : memref<1310720xf32, #tpu.memory_space<vmem_shared>> -> memref<4096xf32, #tpu.memory_space<vmem_shared>>
      %dma_wait3A_282 = tpu.memref_slice %arg14[%add3A_45] : memref<1310720xf32, #tpu.memory_space<vmem_shared>> -> memref<4096xf32, #tpu.memory_space<vmem_shared>>
      tpu.wait_dma2 semaphore(%run_scoped3A_279 : memref<!tpu.dma_semaphore, #tpu.memory_space<semaphore_mem>>) src(%arg13 : memref<4096xf32, #tpu.memory_space<vmem>>) dst(%dma_wait3A_282 : memref<4096xf32, #tpu.memory_space<vmem_shared>>)
      tpu.yield
    }) : () -> ()
    %mul3A_46 = arith.constant 81920 : i32
    %mul3A_47 = arith.muli %arg1, %mul3A_46 : i32
    %add3A_48 = arith.constant 40960 : i32
    %add3A_49 = arith.addi %mul3A_47, %add3A_48 : i32
    "tpu.region"() ({
      %run_scoped3A_279 = tpu.sem_alloc : memref<!tpu.dma_semaphore, #tpu.memory_space<semaphore_mem>>
      %dma_start3A = tpu.memref_slice %arg14[%add3A_49] : memref<1310720xf32, #tpu.memory_space<vmem_shared>> -> memref<4096xf32, #tpu.memory_space<vmem_shared>>
      %dma_start3A_280 = tpu.memref_slice %arg14[%add3A_49] : memref<1310720xf32, #tpu.memory_space<vmem_shared>> -> memref<4096xf32, #tpu.memory_space<vmem_shared>>
      tpu.enqueue_dma source(%arg13 : memref<4096xf32, #tpu.memory_space<vmem>>) target(%dma_start3A_280 : memref<4096xf32, #tpu.memory_space<vmem_shared>>) target_semaphore(%run_scoped3A_279 : memref<!tpu.dma_semaphore, #tpu.memory_space<semaphore_mem>>)
      %dma_wait3A_281 = tpu.memref_slice %arg14[%add3A_49] : memref<1310720xf32, #tpu.memory_space<vmem_shared>> -> memref<4096xf32, #tpu.memory_space<vmem_shared>>
      %dma_wait3A_282 = tpu.memref_slice %arg14[%add3A_49] : memref<1310720xf32, #tpu.memory_space<vmem_shared>> -> memref<4096xf32, #tpu.memory_space<vmem_shared>>
      tpu.wait_dma2 semaphore(%run_scoped3A_279 : memref<!tpu.dma_semaphore, #tpu.memory_space<semaphore_mem>>) src(%arg13 : memref<4096xf32, #tpu.memory_space<vmem>>) dst(%dma_wait3A_282 : memref<4096xf32, #tpu.memory_space<vmem_shared>>)
      tpu.yield
    }) : () -> ()
    %mul3A_50 = arith.constant 81920 : i32
    %mul3A_51 = arith.muli %arg1, %mul3A_50 : i32
    %add3A_52 = arith.constant 45056 : i32
    %add3A_53 = arith.addi %mul3A_51, %add3A_52 : i32
    "tpu.region"() ({
      %run_scoped3A_279 = tpu.sem_alloc : memref<!tpu.dma_semaphore, #tpu.memory_space<semaphore_mem>>
      %dma_start3A = tpu.memref_slice %arg14[%add3A_53] : memref<1310720xf32, #tpu.memory_space<vmem_shared>> -> memref<4096xf32, #tpu.memory_space<vmem_shared>>
      %dma_start3A_280 = tpu.memref_slice %arg14[%add3A_53] : memref<1310720xf32, #tpu.memory_space<vmem_shared>> -> memref<4096xf32, #tpu.memory_space<vmem_shared>>
      tpu.enqueue_dma source(%arg13 : memref<4096xf32, #tpu.memory_space<vmem>>) target(%dma_start3A_280 : memref<4096xf32, #tpu.memory_space<vmem_shared>>) target_semaphore(%run_scoped3A_279 : memref<!tpu.dma_semaphore, #tpu.memory_space<semaphore_mem>>)
      %dma_wait3A_281 = tpu.memref_slice %arg14[%add3A_53] : memref<1310720xf32, #tpu.memory_space<vmem_shared>> -> memref<4096xf32, #tpu.memory_space<vmem_shared>>
      %dma_wait3A_282 = tpu.memref_slice %arg14[%add3A_53] : memref<1310720xf32, #tpu.memory_space<vmem_shared>> -> memref<4096xf32, #tpu.memory_space<vmem_shared>>
      tpu.wait_dma2 semaphore(%run_scoped3A_279 : memref<!tpu.dma_semaphore, #tpu.memory_space<semaphore_mem>>) src(%arg13 : memref<4096xf32, #tpu.memory_space<vmem>>) dst(%dma_wait3A_282 : memref<4096xf32, #tpu.memory_space<vmem_shared>>)
      tpu.yield
    }) : () -> ()
    %mul3A_54 = arith.constant 81920 : i32
    %mul3A_55 = arith.muli %arg1, %mul3A_54 : i32
    %add3A_56 = arith.constant 49152 : i32
    %add3A_57 = arith.addi %mul3A_55, %add3A_56 : i32
    "tpu.region"() ({
      %run_scoped3A_279 = tpu.sem_alloc : memref<!tpu.dma_semaphore, #tpu.memory_space<semaphore_mem>>
      %dma_start3A = tpu.memref_slice %arg14[%add3A_57] : memref<1310720xf32, #tpu.memory_space<vmem_shared>> -> memref<4096xf32, #tpu.memory_space<vmem_shared>>
      %dma_start3A_280 = tpu.memref_slice %arg14[%add3A_57] : memref<1310720xf32, #tpu.memory_space<vmem_shared>> -> memref<4096xf32, #tpu.memory_space<vmem_shared>>
      tpu.enqueue_dma source(%arg13 : memref<4096xf32, #tpu.memory_space<vmem>>) target(%dma_start3A_280 : memref<4096xf32, #tpu.memory_space<vmem_shared>>) target_semaphore(%run_scoped3A_279 : memref<!tpu.dma_semaphore, #tpu.memory_space<semaphore_mem>>)
      %dma_wait3A_281 = tpu.memref_slice %arg14[%add3A_57] : memref<1310720xf32, #tpu.memory_space<vmem_shared>> -> memref<4096xf32, #tpu.memory_space<vmem_shared>>
      %dma_wait3A_282 = tpu.memref_slice %arg14[%add3A_57] : memref<1310720xf32, #tpu.memory_space<vmem_shared>> -> memref<4096xf32, #tpu.memory_space<vmem_shared>>
      tpu.wait_dma2 semaphore(%run_scoped3A_279 : memref<!tpu.dma_semaphore, #tpu.memory_space<semaphore_mem>>) src(%arg13 : memref<4096xf32, #tpu.memory_space<vmem>>) dst(%dma_wait3A_282 : memref<4096xf32, #tpu.memory_space<vmem_shared>>)
      tpu.yield
    }) : () -> ()
    %mul3A_58 = arith.constant 81920 : i32
    %mul3A_59 = arith.muli %arg1, %mul3A_58 : i32
    %add3A_60 = arith.constant 53248 : i32
    %add3A_61 = arith.addi %mul3A_59, %add3A_60 : i32
    "tpu.region"() ({
      %run_scoped3A_279 = tpu.sem_alloc : memref<!tpu.dma_semaphore, #tpu.memory_space<semaphore_mem>>
      %dma_start3A = tpu.memref_slice %arg14[%add3A_61] : memref<1310720xf32, #tpu.memory_space<vmem_shared>> -> memref<4096xf32, #tpu.memory_space<vmem_shared>>
      %dma_start3A_280 = tpu.memref_slice %arg14[%add3A_61] : memref<1310720xf32, #tpu.memory_space<vmem_shared>> -> memref<4096xf32, #tpu.memory_space<vmem_shared>>
      tpu.enqueue_dma source(%arg13 : memref<4096xf32, #tpu.memory_space<vmem>>) target(%dma_start3A_280 : memref<4096xf32, #tpu.memory_space<vmem_shared>>) target_semaphore(%run_scoped3A_279 : memref<!tpu.dma_semaphore, #tpu.memory_space<semaphore_mem>>)
      %dma_wait3A_281 = tpu.memref_slice %arg14[%add3A_61] : memref<1310720xf32, #tpu.memory_space<vmem_shared>> -> memref<4096xf32, #tpu.memory_space<vmem_shared>>
      %dma_wait3A_282 = tpu.memref_slice %arg14[%add3A_61] : memref<1310720xf32, #tpu.memory_space<vmem_shared>> -> memref<4096xf32, #tpu.memory_space<vmem_shared>>
      tpu.wait_dma2 semaphore(%run_scoped3A_279 : memref<!tpu.dma_semaphore, #tpu.memory_space<semaphore_mem>>) src(%arg13 : memref<4096xf32, #tpu.memory_space<vmem>>) dst(%dma_wait3A_282 : memref<4096xf32, #tpu.memory_space<vmem_shared>>)
      tpu.yield
    }) : () -> ()
    %mul3A_62 = arith.constant 81920 : i32
    %mul3A_63 = arith.muli %arg1, %mul3A_62 : i32
    %add3A_64 = arith.constant 57344 : i32
    %add3A_65 = arith.addi %mul3A_63, %add3A_64 : i32
    "tpu.region"() ({
      %run_scoped3A_279 = tpu.sem_alloc : memref<!tpu.dma_semaphore, #tpu.memory_space<semaphore_mem>>
      %dma_start3A = tpu.memref_slice %arg14[%add3A_65] : memref<1310720xf32, #tpu.memory_space<vmem_shared>> -> memref<4096xf32, #tpu.memory_space<vmem_shared>>
      %dma_start3A_280 = tpu.memref_slice %arg14[%add3A_65] : memref<1310720xf32, #tpu.memory_space<vmem_shared>> -> memref<4096xf32, #tpu.memory_space<vmem_shared>>
      tpu.enqueue_dma source(%arg13 : memref<4096xf32, #tpu.memory_space<vmem>>) target(%dma_start3A_280 : memref<4096xf32, #tpu.memory_space<vmem_shared>>) target_semaphore(%run_scoped3A_279 : memref<!tpu.dma_semaphore, #tpu.memory_space<semaphore_mem>>)
      %dma_wait3A_281 = tpu.memref_slice %arg14[%add3A_65] : memref<1310720xf32, #tpu.memory_space<vmem_shared>> -> memref<4096xf32, #tpu.memory_space<vmem_shared>>
      %dma_wait3A_282 = tpu.memref_slice %arg14[%add3A_65] : memref<1310720xf32, #tpu.memory_space<vmem_shared>> -> memref<4096xf32, #tpu.memory_space<vmem_shared>>
      tpu.wait_dma2 semaphore(%run_scoped3A_279 : memref<!tpu.dma_semaphore, #tpu.memory_space<semaphore_mem>>) src(%arg13 : memref<4096xf32, #tpu.memory_space<vmem>>) dst(%dma_wait3A_282 : memref<4096xf32, #tpu.memory_space<vmem_shared>>)
      tpu.yield
    }) : () -> ()
    %mul3A_66 = arith.constant 81920 : i32
    %mul3A_67 = arith.muli %arg1, %mul3A_66 : i32
    %add3A_68 = arith.constant 61440 : i32
    %add3A_69 = arith.addi %mul3A_67, %add3A_68 : i32
    "tpu.region"() ({
      %run_scoped3A_279 = tpu.sem_alloc : memref<!tpu.dma_semaphore, #tpu.memory_space<semaphore_mem>>
      %dma_start3A = tpu.memref_slice %arg14[%add3A_69] : memref<1310720xf32, #tpu.memory_space<vmem_shared>> -> memref<4096xf32, #tpu.memory_space<vmem_shared>>
      %dma_start3A_280 = tpu.memref_slice %arg14[%add3A_69] : memref<1310720xf32, #tpu.memory_space<vmem_shared>> -> memref<4096xf32, #tpu.memory_space<vmem_shared>>
      tpu.enqueue_dma source(%arg13 : memref<4096xf32, #tpu.memory_space<vmem>>) target(%dma_start3A_280 : memref<4096xf32, #tpu.memory_space<vmem_shared>>) target_semaphore(%run_scoped3A_279 : memref<!tpu.dma_semaphore, #tpu.memory_space<semaphore_mem>>)
      %dma_wait3A_281 = tpu.memref_slice %arg14[%add3A_69] : memref<1310720xf32, #tpu.memory_space<vmem_shared>> -> memref<4096xf32, #tpu.memory_space<vmem_shared>>
      %dma_wait3A_282 = tpu.memref_slice %arg14[%add3A_69] : memref<1310720xf32, #tpu.memory_space<vmem_shared>> -> memref<4096xf32, #tpu.memory_space<vmem_shared>>
      tpu.wait_dma2 semaphore(%run_scoped3A_279 : memref<!tpu.dma_semaphore, #tpu.memory_space<semaphore_mem>>) src(%arg13 : memref<4096xf32, #tpu.memory_space<vmem>>) dst(%dma_wait3A_282 : memref<4096xf32, #tpu.memory_space<vmem_shared>>)
      tpu.yield
    }) : () -> ()
    %mul3A_70 = arith.constant 81920 : i32
    %mul3A_71 = arith.muli %arg1, %mul3A_70 : i32
    %add3A_72 = arith.constant 65536 : i32
    %add3A_73 = arith.addi %mul3A_71, %add3A_72 : i32
    "tpu.region"() ({
      %run_scoped3A_279 = tpu.sem_alloc : memref<!tpu.dma_semaphore, #tpu.memory_space<semaphore_mem>>
      %dma_start3A = tpu.memref_slice %arg14[%add3A_73] : memref<1310720xf32, #tpu.memory_space<vmem_shared>> -> memref<4096xf32, #tpu.memory_space<vmem_shared>>
      %dma_start3A_280 = tpu.memref_slice %arg14[%add3A_73] : memref<1310720xf32, #tpu.memory_space<vmem_shared>> -> memref<4096xf32, #tpu.memory_space<vmem_shared>>
      tpu.enqueue_dma source(%arg13 : memref<4096xf32, #tpu.memory_space<vmem>>) target(%dma_start3A_280 : memref<4096xf32, #tpu.memory_space<vmem_shared>>) target_semaphore(%run_scoped3A_279 : memref<!tpu.dma_semaphore, #tpu.memory_space<semaphore_mem>>)
      %dma_wait3A_281 = tpu.memref_slice %arg14[%add3A_73] : memref<1310720xf32, #tpu.memory_space<vmem_shared>> -> memref<4096xf32, #tpu.memory_space<vmem_shared>>
      %dma_wait3A_282 = tpu.memref_slice %arg14[%add3A_73] : memref<1310720xf32, #tpu.memory_space<vmem_shared>> -> memref<4096xf32, #tpu.memory_space<vmem_shared>>
      tpu.wait_dma2 semaphore(%run_scoped3A_279 : memref<!tpu.dma_semaphore, #tpu.memory_space<semaphore_mem>>) src(%arg13 : memref<4096xf32, #tpu.memory_space<vmem>>) dst(%dma_wait3A_282 : memref<4096xf32, #tpu.memory_space<vmem_shared>>)
      tpu.yield
    }) : () -> ()
    %mul3A_74 = arith.constant 81920 : i32
    %mul3A_75 = arith.muli %arg1, %mul3A_74 : i32
    %add3A_76 = arith.constant 69632 : i32
    %add3A_77 = arith.addi %mul3A_75, %add3A_76 : i32
    "tpu.region"() ({
      %run_scoped3A_279 = tpu.sem_alloc : memref<!tpu.dma_semaphore, #tpu.memory_space<semaphore_mem>>
      %dma_start3A = tpu.memref_slice %arg14[%add3A_77] : memref<1310720xf32, #tpu.memory_space<vmem_shared>> -> memref<4096xf32, #tpu.memory_space<vmem_shared>>
      %dma_start3A_280 = tpu.memref_slice %arg14[%add3A_77] : memref<1310720xf32, #tpu.memory_space<vmem_shared>> -> memref<4096xf32, #tpu.memory_space<vmem_shared>>
      tpu.enqueue_dma source(%arg13 : memref<4096xf32, #tpu.memory_space<vmem>>) target(%dma_start3A_280 : memref<4096xf32, #tpu.memory_space<vmem_shared>>) target_semaphore(%run_scoped3A_279 : memref<!tpu.dma_semaphore, #tpu.memory_space<semaphore_mem>>)
      %dma_wait3A_281 = tpu.memref_slice %arg14[%add3A_77] : memref<1310720xf32, #tpu.memory_space<vmem_shared>> -> memref<4096xf32, #tpu.memory_space<vmem_shared>>
      %dma_wait3A_282 = tpu.memref_slice %arg14[%add3A_77] : memref<1310720xf32, #tpu.memory_space<vmem_shared>> -> memref<4096xf32, #tpu.memory_space<vmem_shared>>
      tpu.wait_dma2 semaphore(%run_scoped3A_279 : memref<!tpu.dma_semaphore, #tpu.memory_space<semaphore_mem>>) src(%arg13 : memref<4096xf32, #tpu.memory_space<vmem>>) dst(%dma_wait3A_282 : memref<4096xf32, #tpu.memory_space<vmem_shared>>)
      tpu.yield
    }) : () -> ()
    %mul3A_78 = arith.constant 81920 : i32
    %mul3A_79 = arith.muli %arg1, %mul3A_78 : i32
    %add3A_80 = arith.constant 73728 : i32
    %add3A_81 = arith.addi %mul3A_79, %add3A_80 : i32
    "tpu.region"() ({
      %run_scoped3A_279 = tpu.sem_alloc : memref<!tpu.dma_semaphore, #tpu.memory_space<semaphore_mem>>
      %dma_start3A = tpu.memref_slice %arg14[%add3A_81] : memref<1310720xf32, #tpu.memory_space<vmem_shared>> -> memref<4096xf32, #tpu.memory_space<vmem_shared>>
      %dma_start3A_280 = tpu.memref_slice %arg14[%add3A_81] : memref<1310720xf32, #tpu.memory_space<vmem_shared>> -> memref<4096xf32, #tpu.memory_space<vmem_shared>>
      tpu.enqueue_dma source(%arg13 : memref<4096xf32, #tpu.memory_space<vmem>>) target(%dma_start3A_280 : memref<4096xf32, #tpu.memory_space<vmem_shared>>) target_semaphore(%run_scoped3A_279 : memref<!tpu.dma_semaphore, #tpu.memory_space<semaphore_mem>>)
      %dma_wait3A_281 = tpu.memref_slice %arg14[%add3A_81] : memref<1310720xf32, #tpu.memory_space<vmem_shared>> -> memref<4096xf32, #tpu.memory_space<vmem_shared>>
      %dma_wait3A_282 = tpu.memref_slice %arg14[%add3A_81] : memref<1310720xf32, #tpu.memory_space<vmem_shared>> -> memref<4096xf32, #tpu.memory_space<vmem_shared>>
      tpu.wait_dma2 semaphore(%run_scoped3A_279 : memref<!tpu.dma_semaphore, #tpu.memory_space<semaphore_mem>>) src(%arg13 : memref<4096xf32, #tpu.memory_space<vmem>>) dst(%dma_wait3A_282 : memref<4096xf32, #tpu.memory_space<vmem_shared>>)
      tpu.yield
    }) : () -> ()
    %mul3A_82 = arith.constant 81920 : i32
    %mul3A_83 = arith.muli %arg1, %mul3A_82 : i32
    %add3A_84 = arith.constant 77824 : i32
    %add3A_85 = arith.addi %mul3A_83, %add3A_84 : i32
    "tpu.region"() ({
      %run_scoped3A_279 = tpu.sem_alloc : memref<!tpu.dma_semaphore, #tpu.memory_space<semaphore_mem>>
      %dma_start3A = tpu.memref_slice %arg14[%add3A_85] : memref<1310720xf32, #tpu.memory_space<vmem_shared>> -> memref<4096xf32, #tpu.memory_space<vmem_shared>>
      %dma_start3A_280 = tpu.memref_slice %arg14[%add3A_85] : memref<1310720xf32, #tpu.memory_space<vmem_shared>> -> memref<4096xf32, #tpu.memory_space<vmem_shared>>
      tpu.enqueue_dma source(%arg13 : memref<4096xf32, #tpu.memory_space<vmem>>) target(%dma_start3A_280 : memref<4096xf32, #tpu.memory_space<vmem_shared>>) target_semaphore(%run_scoped3A_279 : memref<!tpu.dma_semaphore, #tpu.memory_space<semaphore_mem>>)
      %dma_wait3A_281 = tpu.memref_slice %arg14[%add3A_85] : memref<1310720xf32, #tpu.memory_space<vmem_shared>> -> memref<4096xf32, #tpu.memory_space<vmem_shared>>
      %dma_wait3A_282 = tpu.memref_slice %arg14[%add3A_85] : memref<1310720xf32, #tpu.memory_space<vmem_shared>> -> memref<4096xf32, #tpu.memory_space<vmem_shared>>
      tpu.wait_dma2 semaphore(%run_scoped3A_279 : memref<!tpu.dma_semaphore, #tpu.memory_space<semaphore_mem>>) src(%arg13 : memref<4096xf32, #tpu.memory_space<vmem>>) dst(%dma_wait3A_282 : memref<4096xf32, #tpu.memory_space<vmem_shared>>)
      tpu.yield
    }) : () -> ()
    "tpu.region"() ({
      %run_scoped3A_279 = tpu.sem_alloc : memref<!tpu.dma_semaphore, #tpu.memory_space<semaphore_mem>>
      %dma_start3A = arith.constant 0 : i32
      %dma_start3A_280 = arith.constant 0 : i32
      %dma_start3A_281 = tpu.memref_slice %arg4[%add3A, %dma_start3A, %dma_start3A_280] : memref<32x125x80xi32, #tpu.memory_space<hbm>> -> memref<1x125x80xi32, #tpu.memory_space<hbm>>
      %dma_start3A_282 = tpu.memref_squeeze %dma_start3A_281 : memref<1x125x80xi32, #tpu.memory_space<hbm>> -> memref<125x80xi32, #tpu.memory_space<hbm>>
      %dma_start3A_283 = arith.constant 0 : i32
      %dma_start3A_284 = arith.constant 0 : i32
      %dma_start3A_285 = tpu.memref_slice %arg4[%add3A, %dma_start3A_283, %dma_start3A_284] : memref<32x125x80xi32, #tpu.memory_space<hbm>> -> memref<1x125x80xi32, #tpu.memory_space<hbm>>
      %dma_start3A_286 = tpu.memref_squeeze %dma_start3A_285 : memref<1x125x80xi32, #tpu.memory_space<hbm>> -> memref<125x80xi32, #tpu.memory_space<hbm>>
      tpu.enqueue_dma source(%dma_start3A_286 : memref<125x80xi32, #tpu.memory_space<hbm>>) target(%arg7 : memref<125x80xi32, #tpu.memory_space<vmem>>) target_semaphore(%run_scoped3A_279 : memref<!tpu.dma_semaphore, #tpu.memory_space<semaphore_mem>>)
      %dma_wait3A_287 = arith.constant 0 : i32
      %dma_wait3A_288 = arith.constant 0 : i32
      %dma_wait3A_289 = tpu.memref_slice %arg4[%add3A, %dma_wait3A_287, %dma_wait3A_288] : memref<32x125x80xi32, #tpu.memory_space<hbm>> -> memref<1x125x80xi32, #tpu.memory_space<hbm>>
      %dma_wait3A_290 = tpu.memref_squeeze %dma_wait3A_289 : memref<1x125x80xi32, #tpu.memory_space<hbm>> -> memref<125x80xi32, #tpu.memory_space<hbm>>
      %dma_wait3A_291 = arith.constant 0 : i32
      %dma_wait3A_292 = arith.constant 0 : i32
      %dma_wait3A_293 = tpu.memref_slice %arg4[%add3A, %dma_wait3A_291, %dma_wait3A_292] : memref<32x125x80xi32, #tpu.memory_space<hbm>> -> memref<1x125x80xi32, #tpu.memory_space<hbm>>
      %dma_wait3A_294 = tpu.memref_squeeze %dma_wait3A_293 : memref<1x125x80xi32, #tpu.memory_space<hbm>> -> memref<125x80xi32, #tpu.memory_space<hbm>>
      tpu.wait_dma2 semaphore(%run_scoped3A_279 : memref<!tpu.dma_semaphore, #tpu.memory_space<semaphore_mem>>) src(%dma_wait3A_294 : memref<125x80xi32, #tpu.memory_space<hbm>>) dst(%arg7 : memref<125x80xi32, #tpu.memory_space<vmem>>)
      tpu.yield
    }) : () -> ()
    "tpu.region"() ({
      %run_scoped3A_279 = tpu.sem_alloc : memref<!tpu.dma_semaphore, #tpu.memory_space<semaphore_mem>>
      %dma_start3A = arith.constant 0 : i32
      %dma_start3A_280 = arith.constant 0 : i32
      %dma_start3A_281 = tpu.memref_slice %arg5[%add3A, %dma_start3A, %dma_start3A_280] : memref<32x125x80xi32, #tpu.memory_space<hbm>> -> memref<1x125x80xi32, #tpu.memory_space<hbm>>
      %dma_start3A_282 = tpu.memref_squeeze %dma_start3A_281 : memref<1x125x80xi32, #tpu.memory_space<hbm>> -> memref<125x80xi32, #tpu.memory_space<hbm>>
      %dma_start3A_283 = arith.constant 0 : i32
      %dma_start3A_284 = arith.constant 0 : i32
      %dma_start3A_285 = tpu.memref_slice %arg5[%add3A, %dma_start3A_283, %dma_start3A_284] : memref<32x125x80xi32, #tpu.memory_space<hbm>> -> memref<1x125x80xi32, #tpu.memory_space<hbm>>
      %dma_start3A_286 = tpu.memref_squeeze %dma_start3A_285 : memref<1x125x80xi32, #tpu.memory_space<hbm>> -> memref<125x80xi32, #tpu.memory_space<hbm>>
      tpu.enqueue_dma source(%dma_start3A_286 : memref<125x80xi32, #tpu.memory_space<hbm>>) target(%arg8 : memref<125x80xi32, #tpu.memory_space<vmem>>) target_semaphore(%run_scoped3A_279 : memref<!tpu.dma_semaphore, #tpu.memory_space<semaphore_mem>>)
      %dma_wait3A_287 = arith.constant 0 : i32
      %dma_wait3A_288 = arith.constant 0 : i32
      %dma_wait3A_289 = tpu.memref_slice %arg5[%add3A, %dma_wait3A_287, %dma_wait3A_288] : memref<32x125x80xi32, #tpu.memory_space<hbm>> -> memref<1x125x80xi32, #tpu.memory_space<hbm>>
      %dma_wait3A_290 = tpu.memref_squeeze %dma_wait3A_289 : memref<1x125x80xi32, #tpu.memory_space<hbm>> -> memref<125x80xi32, #tpu.memory_space<hbm>>
      %dma_wait3A_291 = arith.constant 0 : i32
      %dma_wait3A_292 = arith.constant 0 : i32
      %dma_wait3A_293 = tpu.memref_slice %arg5[%add3A, %dma_wait3A_291, %dma_wait3A_292] : memref<32x125x80xi32, #tpu.memory_space<hbm>> -> memref<1x125x80xi32, #tpu.memory_space<hbm>>
      %dma_wait3A_294 = tpu.memref_squeeze %dma_wait3A_293 : memref<1x125x80xi32, #tpu.memory_space<hbm>> -> memref<125x80xi32, #tpu.memory_space<hbm>>
      tpu.wait_dma2 semaphore(%run_scoped3A_279 : memref<!tpu.dma_semaphore, #tpu.memory_space<semaphore_mem>>) src(%dma_wait3A_294 : memref<125x80xi32, #tpu.memory_space<hbm>>) dst(%arg8 : memref<125x80xi32, #tpu.memory_space<vmem>>)
      tpu.yield
    }) : () -> ()
    %run_scoped3A = arith.constant 0 : i32
    "tpu.region"() ({
      %run_scoped3A_279 = tpu.sem_alloc : memref<!tpu.dma_semaphore, #tpu.memory_space<semaphore_mem>>
      %dma_start3A = arith.constant 0 : i32
      %dma_start3A_280 = tpu.memref_slice %arg2[%run_scoped3A, %dma_start3A] : memref<1x10240xf32, #tpu.memory_space<hbm>> -> memref<1x10240xf32, #tpu.memory_space<hbm>>
      %dma_start3A_281 = tpu.memref_squeeze %dma_start3A_280 : memref<1x10240xf32, #tpu.memory_space<hbm>> -> memref<10240xf32, #tpu.memory_space<hbm>>
      %dma_start3A_282 = arith.constant 0 : i32
      %dma_start3A_283 = tpu.memref_slice %arg2[%run_scoped3A, %dma_start3A_282] : memref<1x10240xf32, #tpu.memory_space<hbm>> -> memref<1x10240xf32, #tpu.memory_space<hbm>>
      %dma_start3A_284 = tpu.memref_squeeze %dma_start3A_283 : memref<1x10240xf32, #tpu.memory_space<hbm>> -> memref<10240xf32, #tpu.memory_space<hbm>>
      tpu.enqueue_dma source(%dma_start3A_284 : memref<10240xf32, #tpu.memory_space<hbm>>) target(%arg9 : memref<10240xf32, #tpu.memory_space<vmem>>) target_semaphore(%run_scoped3A_279 : memref<!tpu.dma_semaphore, #tpu.memory_space<semaphore_mem>>)
      %dma_wait3A_285 = arith.constant 0 : i32
      %dma_wait3A_286 = tpu.memref_slice %arg2[%run_scoped3A, %dma_wait3A_285] : memref<1x10240xf32, #tpu.memory_space<hbm>> -> memref<1x10240xf32, #tpu.memory_space<hbm>>
      %dma_wait3A_287 = tpu.memref_squeeze %dma_wait3A_286 : memref<1x10240xf32, #tpu.memory_space<hbm>> -> memref<10240xf32, #tpu.memory_space<hbm>>
      %dma_wait3A_288 = arith.constant 0 : i32
      %dma_wait3A_289 = tpu.memref_slice %arg2[%run_scoped3A, %dma_wait3A_288] : memref<1x10240xf32, #tpu.memory_space<hbm>> -> memref<1x10240xf32, #tpu.memory_space<hbm>>
      %dma_wait3A_290 = tpu.memref_squeeze %dma_wait3A_289 : memref<1x10240xf32, #tpu.memory_space<hbm>> -> memref<10240xf32, #tpu.memory_space<hbm>>
      tpu.wait_dma2 semaphore(%run_scoped3A_279 : memref<!tpu.dma_semaphore, #tpu.memory_space<semaphore_mem>>) src(%dma_wait3A_290 : memref<10240xf32, #tpu.memory_space<hbm>>) dst(%arg9 : memref<10240xf32, #tpu.memory_space<vmem>>)
      tpu.yield
    }) : () -> ()
    %run_scoped3A_86 = arith.constant 0 : i32
    "tpu.region"() ({
      %run_scoped3A_279 = tpu.sem_alloc : memref<!tpu.dma_semaphore, #tpu.memory_space<semaphore_mem>>
      %dma_start3A = arith.constant 0 : i32
      %dma_start3A_280 = tpu.memref_slice %arg3[%run_scoped3A_86, %dma_start3A] : memref<1x10240xi32, #tpu.memory_space<hbm>> -> memref<1x10240xi32, #tpu.memory_space<hbm>>
      %dma_start3A_281 = tpu.memref_squeeze %dma_start3A_280 : memref<1x10240xi32, #tpu.memory_space<hbm>> -> memref<10240xi32, #tpu.memory_space<hbm>>
      %dma_start3A_282 = arith.constant 0 : i32
      %dma_start3A_283 = tpu.memref_slice %arg3[%run_scoped3A_86, %dma_start3A_282] : memref<1x10240xi32, #tpu.memory_space<hbm>> -> memref<1x10240xi32, #tpu.memory_space<hbm>>
      %dma_start3A_284 = tpu.memref_squeeze %dma_start3A_283 : memref<1x10240xi32, #tpu.memory_space<hbm>> -> memref<10240xi32, #tpu.memory_space<hbm>>
      tpu.enqueue_dma source(%dma_start3A_284 : memref<10240xi32, #tpu.memory_space<hbm>>) target(%arg10 : memref<10240xi32, #tpu.memory_space<vmem>>) target_semaphore(%run_scoped3A_279 : memref<!tpu.dma_semaphore, #tpu.memory_space<semaphore_mem>>)
      %dma_wait3A_285 = arith.constant 0 : i32
      %dma_wait3A_286 = tpu.memref_slice %arg3[%run_scoped3A_86, %dma_wait3A_285] : memref<1x10240xi32, #tpu.memory_space<hbm>> -> memref<1x10240xi32, #tpu.memory_space<hbm>>
      %dma_wait3A_287 = tpu.memref_squeeze %dma_wait3A_286 : memref<1x10240xi32, #tpu.memory_space<hbm>> -> memref<10240xi32, #tpu.memory_space<hbm>>
      %dma_wait3A_288 = arith.constant 0 : i32
      %dma_wait3A_289 = tpu.memref_slice %arg3[%run_scoped3A_86, %dma_wait3A_288] : memref<1x10240xi32, #tpu.memory_space<hbm>> -> memref<1x10240xi32, #tpu.memory_space<hbm>>
      %dma_wait3A_290 = tpu.memref_squeeze %dma_wait3A_289 : memref<1x10240xi32, #tpu.memory_space<hbm>> -> memref<10240xi32, #tpu.memory_space<hbm>>
      tpu.wait_dma2 semaphore(%run_scoped3A_279 : memref<!tpu.dma_semaphore, #tpu.memory_space<semaphore_mem>>) src(%dma_wait3A_290 : memref<10240xi32, #tpu.memory_space<hbm>>) dst(%arg10 : memref<10240xi32, #tpu.memory_space<vmem>>)
      tpu.yield
    }) : () -> ()
    %barrier3A = arith.constant 0 : index
    tpu.barrier barrier_id(%barrier3A)
    %scan3A_87 = arith.constant 0 : i32
    %scan3A_88 = arith.constant 0 : i32
    %scan3A_89 = arith.constant 125 : i32
    %scan3A_90 = arith.addi %scan3A_88, %scan3A_89 : i32
    %scan3A_91 = arith.constant 1 : i32
    scf.for %scan3A_279 = %scan3A_88 to %scan3A_90 step %scan3A_91  : i32 {
      %rem3A = arith.constant 2 : i32
      %rem3A_280 = arith.remsi %scan3A_279, %rem3A : i32
      %ge3A = arith.constant 2 : i32
      %ge3A_281 = arith.cmpi sge, %scan3A_279, %ge3A : i32
      %convert_element_type3A = arith.extui %ge3A_281 : i1 to i32
      %cond3A = arith.constant 0 : i32
      %cond3A_282 = arith.cmpi ne, %convert_element_type3A, %cond3A : i32
      scf.if %cond3A_282 {
        %dma_wait3A_379 = arith.constant 0 : i32
        %dma_wait3A_380 = tpu.memref_slice %arg12[%rem3A_280, %dma_wait3A_379] : memref<2x80xf32, #tpu.memory_space<vmem>> -> memref<1x80xf32, #tpu.memory_space<vmem>>
        %dma_wait3A_381 = tpu.memref_squeeze %dma_wait3A_380 : memref<1x80xf32, #tpu.memory_space<vmem>> -> memref<80xf32, #tpu.memory_space<vmem>>
        %dma_wait3A_382 = arith.constant 0 : i32
        %dma_wait3A_383 = tpu.memref_slice %arg11[%rem3A_280, %dma_wait3A_382] : memref<2x80xi32, #tpu.memory_space<vmem>> -> memref<1x80xi32, #tpu.memory_space<vmem>>
        %dma_wait3A_384 = tpu.memref_squeeze %dma_wait3A_383 : memref<1x80xi32, #tpu.memory_space<vmem>> -> memref<80xi32, #tpu.memory_space<vmem>>
        %dma_wait3A_385 = arith.constant 0 : i32
        %dma_wait3A_386 = tpu.memref_slice %arg14[%dma_wait3A_385] : memref<1310720xf32, #tpu.memory_space<vmem_shared>> -> memref<1310720xf32, #tpu.memory_space<vmem_shared>>
        %dma_wait3A_387 = tpu.memref_slice %arg15[%rem3A_280] : memref<2x!tpu.dma_semaphore, #tpu.memory_space<semaphore_mem>> -> memref<1x!tpu.dma_semaphore, #tpu.memory_space<semaphore_mem>>
        %dma_wait3A_388 = tpu.memref_squeeze %dma_wait3A_387 : memref<1x!tpu.dma_semaphore, #tpu.memory_space<semaphore_mem>> -> memref<!tpu.dma_semaphore, #tpu.memory_space<semaphore_mem>>
        tpu.wait_indirect_dma semaphore(%dma_wait3A_388 : memref<!tpu.dma_semaphore, #tpu.memory_space<semaphore_mem>>) src(%dma_wait3A_381 : memref<80xf32, #tpu.memory_space<vmem>>) dst(%dma_wait3A_386 : memref<1310720xf32, #tpu.memory_space<vmem_shared>>)
      } else {
      }
      %get3A = arith.index_cast %scan3A_279 : i32 to index
      %get3A_283 = arith.constant 0 : index
      %get3A_284 = tpu.vector_load %arg8[%get3A, %get3A_283] {strides = array<i32>} : memref<125x80xi32, #tpu.memory_space<vmem>>, vector<16xi32>,
      %get3A_285 = arith.index_cast %scan3A_279 : i32 to index
      %get3A_286 = arith.constant 0 : index
      %get3A_287 = tpu.vector_load %arg7[%get3A_285, %get3A_286] {strides = array<i32>} : memref<125x80xi32, #tpu.memory_space<vmem>>, vector<16xi32>,
      %gather3A = tpu.vector_load_idx %arg9[%get3A_284] : memref<10240xf32, #tpu.memory_space<vmem>>[vector<16xi32>], vector<16xf32>,
      %gather3A_288 = tpu.vector_load_idx %arg10[%get3A_284] : memref<10240xi32, #tpu.memory_space<vmem>>[vector<16xi32>], vector<16xi32>,
      %mul3A_289 = arith.constant 10240 : i32
      %mul3A_290 = vector.broadcast %mul3A_289 : i32 to vector<16xi32>
      %mul3A_291 = arith.muli %gather3A_288, %mul3A_290 : vector<16xi32>
      %add3A_292 = arith.addi %mul3A_291, %get3A_287 : vector<16xi32>
      %swap3A = arith.index_cast %rem3A_280 : i32 to index
      %swap3A_293 = arith.constant 0 : index
      %swap3A_294 = tpu.vector_load %arg11[%swap3A, %swap3A_293] {strides = array<i32>} : memref<2x80xi32, #tpu.memory_space<vmem>>, vector<16xi32>,
      tpu.vector_store %arg11[%swap3A, %swap3A_293], %add3A_292 {strides = array<i32>} : memref<2x80xi32, #tpu.memory_space<vmem>>, vector<16xi32>,
      %swap3A_295 = arith.index_cast %rem3A_280 : i32 to index
      %swap3A_296 = arith.constant 0 : index
      %swap3A_297 = tpu.vector_load %arg12[%swap3A_295, %swap3A_296] {strides = array<i32>} : memref<2x80xf32, #tpu.memory_space<vmem>>, vector<16xf32>,
      tpu.vector_store %arg12[%swap3A_295, %swap3A_296], %gather3A {strides = array<i32>} : memref<2x80xf32, #tpu.memory_space<vmem>>, vector<16xf32>,
      %get3A_298 = arith.index_cast %scan3A_279 : i32 to index
      %get3A_299 = arith.constant 16 : index
      %get3A_300 = tpu.vector_load %arg8[%get3A_298, %get3A_299] {strides = array<i32>} : memref<125x80xi32, #tpu.memory_space<vmem>>, vector<16xi32>,
      %get3A_301 = arith.index_cast %scan3A_279 : i32 to index
      %get3A_302 = arith.constant 16 : index
      %get3A_303 = tpu.vector_load %arg7[%get3A_301, %get3A_302] {strides = array<i32>} : memref<125x80xi32, #tpu.memory_space<vmem>>, vector<16xi32>,
      %gather3A_304 = tpu.vector_load_idx %arg9[%get3A_300] : memref<10240xf32, #tpu.memory_space<vmem>>[vector<16xi32>], vector<16xf32>,
      %gather3A_305 = tpu.vector_load_idx %arg10[%get3A_300] : memref<10240xi32, #tpu.memory_space<vmem>>[vector<16xi32>], vector<16xi32>,
      %mul3A_306 = arith.constant 10240 : i32
      %mul3A_307 = vector.broadcast %mul3A_306 : i32 to vector<16xi32>
      %mul3A_308 = arith.muli %gather3A_305, %mul3A_307 : vector<16xi32>
      %add3A_309 = arith.addi %mul3A_308, %get3A_303 : vector<16xi32>
      %swap3A_310 = arith.index_cast %rem3A_280 : i32 to index
      %swap3A_311 = arith.constant 16 : index
      %swap3A_312 = tpu.vector_load %arg11[%swap3A_310, %swap3A_311] {strides = array<i32>} : memref<2x80xi32, #tpu.memory_space<vmem>>, vector<16xi32>,
      tpu.vector_store %arg11[%swap3A_310, %swap3A_311], %add3A_309 {strides = array<i32>} : memref<2x80xi32, #tpu.memory_space<vmem>>, vector<16xi32>,
      %swap3A_313 = arith.index_cast %rem3A_280 : i32 to index
      %swap3A_314 = arith.constant 16 : index
      %swap3A_315 = tpu.vector_load %arg12[%swap3A_313, %swap3A_314] {strides = array<i32>} : memref<2x80xf32, #tpu.memory_space<vmem>>, vector<16xf32>,
      tpu.vector_store %arg12[%swap3A_313, %swap3A_314], %gather3A_304 {strides = array<i32>} : memref<2x80xf32, #tpu.memory_space<vmem>>, vector<16xf32>,
      %get3A_316 = arith.index_cast %scan3A_279 : i32 to index
      %get3A_317 = arith.constant 32 : index
      %get3A_318 = tpu.vector_load %arg8[%get3A_316, %get3A_317] {strides = array<i32>} : memref<125x80xi32, #tpu.memory_space<vmem>>, vector<16xi32>,
      %get3A_319 = arith.index_cast %scan3A_279 : i32 to index
      %get3A_320 = arith.constant 32 : index
      %get3A_321 = tpu.vector_load %arg7[%get3A_319, %get3A_320] {strides = array<i32>} : memref<125x80xi32, #tpu.memory_space<vmem>>, vector<16xi32>,
      %gather3A_322 = tpu.vector_load_idx %arg9[%get3A_318] : memref<10240xf32, #tpu.memory_space<vmem>>[vector<16xi32>], vector<16xf32>,
      %gather3A_323 = tpu.vector_load_idx %arg10[%get3A_318] : memref<10240xi32, #tpu.memory_space<vmem>>[vector<16xi32>], vector<16xi32>,
      %mul3A_324 = arith.constant 10240 : i32
      %mul3A_325 = vector.broadcast %mul3A_324 : i32 to vector<16xi32>
      %mul3A_326 = arith.muli %gather3A_323, %mul3A_325 : vector<16xi32>
      %add3A_327 = arith.addi %mul3A_326, %get3A_321 : vector<16xi32>
      %swap3A_328 = arith.index_cast %rem3A_280 : i32 to index
      %swap3A_329 = arith.constant 32 : index
      %swap3A_330 = tpu.vector_load %arg11[%swap3A_328, %swap3A_329] {strides = array<i32>} : memref<2x80xi32, #tpu.memory_space<vmem>>, vector<16xi32>,
      tpu.vector_store %arg11[%swap3A_328, %swap3A_329], %add3A_327 {strides = array<i32>} : memref<2x80xi32, #tpu.memory_space<vmem>>, vector<16xi32>,
      %swap3A_331 = arith.index_cast %rem3A_280 : i32 to index
      %swap3A_332 = arith.constant 32 : index
      %swap3A_333 = tpu.vector_load %arg12[%swap3A_331, %swap3A_332] {strides = array<i32>} : memref<2x80xf32, #tpu.memory_space<vmem>>, vector<16xf32>,
      tpu.vector_store %arg12[%swap3A_331, %swap3A_332], %gather3A_322 {strides = array<i32>} : memref<2x80xf32, #tpu.memory_space<vmem>>, vector<16xf32>,
      %get3A_334 = arith.index_cast %scan3A_279 : i32 to index
      %get3A_335 = arith.constant 48 : index
      %get3A_336 = tpu.vector_load %arg8[%get3A_334, %get3A_335] {strides = array<i32>} : memref<125x80xi32, #tpu.memory_space<vmem>>, vector<16xi32>,
      %get3A_337 = arith.index_cast %scan3A_279 : i32 to index
      %get3A_338 = arith.constant 48 : index
      %get3A_339 = tpu.vector_load %arg7[%get3A_337, %get3A_338] {strides = array<i32>} : memref<125x80xi32, #tpu.memory_space<vmem>>, vector<16xi32>,
      %gather3A_340 = tpu.vector_load_idx %arg9[%get3A_336] : memref<10240xf32, #tpu.memory_space<vmem>>[vector<16xi32>], vector<16xf32>,
      %gather3A_341 = tpu.vector_load_idx %arg10[%get3A_336] : memref<10240xi32, #tpu.memory_space<vmem>>[vector<16xi32>], vector<16xi32>,
      %mul3A_342 = arith.constant 10240 : i32
      %mul3A_343 = vector.broadcast %mul3A_342 : i32 to vector<16xi32>
      %mul3A_344 = arith.muli %gather3A_341, %mul3A_343 : vector<16xi32>
      %add3A_345 = arith.addi %mul3A_344, %get3A_339 : vector<16xi32>
      %swap3A_346 = arith.index_cast %rem3A_280 : i32 to index
      %swap3A_347 = arith.constant 48 : index
      %swap3A_348 = tpu.vector_load %arg11[%swap3A_346, %swap3A_347] {strides = array<i32>} : memref<2x80xi32, #tpu.memory_space<vmem>>, vector<16xi32>,
      tpu.vector_store %arg11[%swap3A_346, %swap3A_347], %add3A_345 {strides = array<i32>} : memref<2x80xi32, #tpu.memory_space<vmem>>, vector<16xi32>,
      %swap3A_349 = arith.index_cast %rem3A_280 : i32 to index
      %swap3A_350 = arith.constant 48 : index
      %swap3A_351 = tpu.vector_load %arg12[%swap3A_349, %swap3A_350] {strides = array<i32>} : memref<2x80xf32, #tpu.memory_space<vmem>>, vector<16xf32>,
      tpu.vector_store %arg12[%swap3A_349, %swap3A_350], %gather3A_340 {strides = array<i32>} : memref<2x80xf32, #tpu.memory_space<vmem>>, vector<16xf32>,
      %get3A_352 = arith.index_cast %scan3A_279 : i32 to index
      %get3A_353 = arith.constant 64 : index
      %get3A_354 = tpu.vector_load %arg8[%get3A_352, %get3A_353] {strides = array<i32>} : memref<125x80xi32, #tpu.memory_space<vmem>>, vector<16xi32>,
      %get3A_355 = arith.index_cast %scan3A_279 : i32 to index
      %get3A_356 = arith.constant 64 : index
      %get3A_357 = tpu.vector_load %arg7[%get3A_355, %get3A_356] {strides = array<i32>} : memref<125x80xi32, #tpu.memory_space<vmem>>, vector<16xi32>,
      %gather3A_358 = tpu.vector_load_idx %arg9[%get3A_354] : memref<10240xf32, #tpu.memory_space<vmem>>[vector<16xi32>], vector<16xf32>,
      %gather3A_359 = tpu.vector_load_idx %arg10[%get3A_354] : memref<10240xi32, #tpu.memory_space<vmem>>[vector<16xi32>], vector<16xi32>,
      %mul3A_360 = arith.constant 10240 : i32
      %mul3A_361 = vector.broadcast %mul3A_360 : i32 to vector<16xi32>
      %mul3A_362 = arith.muli %gather3A_359, %mul3A_361 : vector<16xi32>
      %add3A_363 = arith.addi %mul3A_362, %get3A_357 : vector<16xi32>
      %swap3A_364 = arith.index_cast %rem3A_280 : i32 to index
      %swap3A_365 = arith.constant 64 : index
      %swap3A_366 = tpu.vector_load %arg11[%swap3A_364, %swap3A_365] {strides = array<i32>} : memref<2x80xi32, #tpu.memory_space<vmem>>, vector<16xi32>,
      tpu.vector_store %arg11[%swap3A_364, %swap3A_365], %add3A_363 {strides = array<i32>} : memref<2x80xi32, #tpu.memory_space<vmem>>, vector<16xi32>,
      %swap3A_367 = arith.index_cast %rem3A_280 : i32 to index
      %swap3A_368 = arith.constant 64 : index
      %swap3A_369 = tpu.vector_load %arg12[%swap3A_367, %swap3A_368] {strides = array<i32>} : memref<2x80xf32, #tpu.memory_space<vmem>>, vector<16xf32>,
      tpu.vector_store %arg12[%swap3A_367, %swap3A_368], %gather3A_358 {strides = array<i32>} : memref<2x80xf32, #tpu.memory_space<vmem>>, vector<16xf32>,
      %dma_start3A = arith.constant 0 : i32
      %dma_start3A_370 = tpu.memref_slice %arg12[%rem3A_280, %dma_start3A] : memref<2x80xf32, #tpu.memory_space<vmem>> -> memref<1x80xf32, #tpu.memory_space<vmem>>
      %dma_start3A_371 = tpu.memref_squeeze %dma_start3A_370 : memref<1x80xf32, #tpu.memory_space<vmem>> -> memref<80xf32, #tpu.memory_space<vmem>>
      %dma_start3A_372 = arith.constant 0 : i32
      %dma_start3A_373 = tpu.memref_slice %arg11[%rem3A_280, %dma_start3A_372] : memref<2x80xi32, #tpu.memory_space<vmem>> -> memref<1x80xi32, #tpu.memory_space<vmem>>
      %dma_start3A_374 = tpu.memref_squeeze %dma_start3A_373 : memref<1x80xi32, #tpu.memory_space<vmem>> -> memref<80xi32, #tpu.memory_space<vmem>>
      %dma_start3A_375 = arith.constant 0 : i32
      %dma_start3A_376 = tpu.memref_slice %arg14[%dma_start3A_375] : memref<1310720xf32, #tpu.memory_space<vmem_shared>> -> memref<1310720xf32, #tpu.memory_space<vmem_shared>>
      %dma_start3A_377 = tpu.memref_slice %arg15[%rem3A_280] : memref<2x!tpu.dma_semaphore, #tpu.memory_space<semaphore_mem>> -> memref<1x!tpu.dma_semaphore, #tpu.memory_space<semaphore_mem>>
      %dma_start3A_378 = tpu.memref_squeeze %dma_start3A_377 : memref<1x!tpu.dma_semaphore, #tpu.memory_space<semaphore_mem>> -> memref<!tpu.dma_semaphore, #tpu.memory_space<semaphore_mem>>
      tpu.enqueue_indirect_dma source(%dma_start3A_371 : memref<80xf32, #tpu.memory_space<vmem>>) target(%dma_start3A_376 : memref<1310720xf32, #tpu.memory_space<vmem_shared>>) offsets(%dma_start3A_374 : memref<80xi32, #tpu.memory_space<vmem>>) semaphore(%dma_start3A_378 : memref<!tpu.dma_semaphore, #tpu.memory_space<semaphore_mem>>) {add = true}
    }
    %scan3A_92 = arith.constant 125 : i32
    %dma_wait3A = arith.constant 0 : i32
    %dma_wait3A_93 = arith.constant 0 : i32
    %dma_wait3A_94 = arith.constant 0 : i32
    %dma_wait3A_95 = arith.constant 0 : i32
    %dma_wait3A_96 = tpu.memref_slice %arg12[%dma_wait3A, %dma_wait3A_95] : memref<2x80xf32, #tpu.memory_space<vmem>> -> memref<1x80xf32, #tpu.memory_space<vmem>>
    %dma_wait3A_97 = tpu.memref_squeeze %dma_wait3A_96 : memref<1x80xf32, #tpu.memory_space<vmem>> -> memref<80xf32, #tpu.memory_space<vmem>>
    %dma_wait3A_98 = arith.constant 0 : i32
    %dma_wait3A_99 = tpu.memref_slice %arg11[%dma_wait3A_93, %dma_wait3A_98] : memref<2x80xi32, #tpu.memory_space<vmem>> -> memref<1x80xi32, #tpu.memory_space<vmem>>
    %dma_wait3A_100 = tpu.memref_squeeze %dma_wait3A_99 : memref<1x80xi32, #tpu.memory_space<vmem>> -> memref<80xi32, #tpu.memory_space<vmem>>
    %dma_wait3A_101 = arith.constant 0 : i32
    %dma_wait3A_102 = tpu.memref_slice %arg14[%dma_wait3A_101] : memref<1310720xf32, #tpu.memory_space<vmem_shared>> -> memref<1310720xf32, #tpu.memory_space<vmem_shared>>
    %dma_wait3A_103 = tpu.memref_slice %arg15[%dma_wait3A_94] : memref<2x!tpu.dma_semaphore, #tpu.memory_space<semaphore_mem>> -> memref<1x!tpu.dma_semaphore, #tpu.memory_space<semaphore_mem>>
    %dma_wait3A_104 = tpu.memref_squeeze %dma_wait3A_103 : memref<1x!tpu.dma_semaphore, #tpu.memory_space<semaphore_mem>> -> memref<!tpu.dma_semaphore, #tpu.memory_space<semaphore_mem>>
    tpu.wait_indirect_dma semaphore(%dma_wait3A_104 : memref<!tpu.dma_semaphore, #tpu.memory_space<semaphore_mem>>) src(%dma_wait3A_97 : memref<80xf32, #tpu.memory_space<vmem>>) dst(%dma_wait3A_102 : memref<1310720xf32, #tpu.memory_space<vmem_shared>>)
    %dma_wait3A_105 = arith.constant 1 : i32
    %dma_wait3A_106 = arith.constant 1 : i32
    %dma_wait3A_107 = arith.constant 1 : i32
    %dma_wait3A_108 = arith.constant 0 : i32
    %dma_wait3A_109 = tpu.memref_slice %arg12[%dma_wait3A_105, %dma_wait3A_108] : memref<2x80xf32, #tpu.memory_space<vmem>> -> memref<1x80xf32, #tpu.memory_space<vmem>>
    %dma_wait3A_110 = tpu.memref_squeeze %dma_wait3A_109 : memref<1x80xf32, #tpu.memory_space<vmem>> -> memref<80xf32, #tpu.memory_space<vmem>>
    %dma_wait3A_111 = arith.constant 0 : i32
    %dma_wait3A_112 = tpu.memref_slice %arg11[%dma_wait3A_106, %dma_wait3A_111] : memref<2x80xi32, #tpu.memory_space<vmem>> -> memref<1x80xi32, #tpu.memory_space<vmem>>
    %dma_wait3A_113 = tpu.memref_squeeze %dma_wait3A_112 : memref<1x80xi32, #tpu.memory_space<vmem>> -> memref<80xi32, #tpu.memory_space<vmem>>
    %dma_wait3A_114 = arith.constant 0 : i32
    %dma_wait3A_115 = tpu.memref_slice %arg14[%dma_wait3A_114] : memref<1310720xf32, #tpu.memory_space<vmem_shared>> -> memref<1310720xf32, #tpu.memory_space<vmem_shared>>
    %dma_wait3A_116 = tpu.memref_slice %arg15[%dma_wait3A_107] : memref<2x!tpu.dma_semaphore, #tpu.memory_space<semaphore_mem>> -> memref<1x!tpu.dma_semaphore, #tpu.memory_space<semaphore_mem>>
    %dma_wait3A_117 = tpu.memref_squeeze %dma_wait3A_116 : memref<1x!tpu.dma_semaphore, #tpu.memory_space<semaphore_mem>> -> memref<!tpu.dma_semaphore, #tpu.memory_space<semaphore_mem>>
    tpu.wait_indirect_dma semaphore(%dma_wait3A_117 : memref<!tpu.dma_semaphore, #tpu.memory_space<semaphore_mem>>) src(%dma_wait3A_110 : memref<80xf32, #tpu.memory_space<vmem>>) dst(%dma_wait3A_115 : memref<1310720xf32, #tpu.memory_space<vmem_shared>>)
    %barrier3A_118 = arith.constant 0 : index
    tpu.barrier barrier_id(%barrier3A_118)
    %mul3A_119 = arith.constant 81920 : i32
    %mul3A_120 = arith.muli %arg1, %mul3A_119 : i32
    %add3A_121 = arith.constant 0 : i32
    %add3A_122 = arith.addi %mul3A_120, %add3A_121 : i32
    %mul3A_123 = arith.constant 81920 : i32
    %mul3A_124 = arith.muli %arg1, %mul3A_123 : i32
    %add3A_125 = arith.constant 0 : i32
    %add3A_126 = arith.addi %mul3A_124, %add3A_125 : i32
    "tpu.region"() ({
      %run_scoped3A_279 = tpu.sem_alloc : memref<!tpu.dma_semaphore, #tpu.memory_space<semaphore_mem>>
      %dma_start3A = tpu.memref_slice %arg6[%arg0, %add3A_126] : memref<2x1310720xf32, #tpu.memory_space<hbm>> -> memref<1x4096xf32, #tpu.memory_space<hbm>>
      %dma_start3A_280 = tpu.memref_squeeze %dma_start3A : memref<1x4096xf32, #tpu.memory_space<hbm>> -> memref<4096xf32, #tpu.memory_space<hbm>>
      %dma_start3A_281 = tpu.memref_slice %arg14[%add3A_122] : memref<1310720xf32, #tpu.memory_space<vmem_shared>> -> memref<4096xf32, #tpu.memory_space<vmem_shared>>
      tpu.enqueue_dma source(%dma_start3A_281 : memref<4096xf32, #tpu.memory_space<vmem_shared>>) target(%dma_start3A_280 : memref<4096xf32, #tpu.memory_space<hbm>>) target_semaphore(%run_scoped3A_279 : memref<!tpu.dma_semaphore, #tpu.memory_space<semaphore_mem>>)
      %dma_wait3A_282 = tpu.memref_slice %arg6[%arg0, %add3A_126] : memref<2x1310720xf32, #tpu.memory_space<hbm>> -> memref<1x4096xf32, #tpu.memory_space<hbm>>
      %dma_wait3A_283 = tpu.memref_squeeze %dma_wait3A_282 : memref<1x4096xf32, #tpu.memory_space<hbm>> -> memref<4096xf32, #tpu.memory_space<hbm>>
      %dma_wait3A_284 = tpu.memref_slice %arg14[%add3A_122] : memref<1310720xf32, #tpu.memory_space<vmem_shared>> -> memref<4096xf32, #tpu.memory_space<vmem_shared>>
      tpu.wait_dma2 semaphore(%run_scoped3A_279 : memref<!tpu.dma_semaphore, #tpu.memory_space<semaphore_mem>>) src(%dma_wait3A_284 : memref<4096xf32, #tpu.memory_space<vmem_shared>>) dst(%dma_wait3A_283 : memref<4096xf32, #tpu.memory_space<hbm>>)
      tpu.yield
    }) : () -> ()
    %mul3A_127 = arith.constant 81920 : i32
    %mul3A_128 = arith.muli %arg1, %mul3A_127 : i32
    %add3A_129 = arith.constant 4096 : i32
    %add3A_130 = arith.addi %mul3A_128, %add3A_129 : i32
    %mul3A_131 = arith.constant 81920 : i32
    %mul3A_132 = arith.muli %arg1, %mul3A_131 : i32
    %add3A_133 = arith.constant 4096 : i32
    %add3A_134 = arith.addi %mul3A_132, %add3A_133 : i32
    "tpu.region"() ({
      %run_scoped3A_279 = tpu.sem_alloc : memref<!tpu.dma_semaphore, #tpu.memory_space<semaphore_mem>>
      %dma_start3A = tpu.memref_slice %arg6[%arg0, %add3A_134] : memref<2x1310720xf32, #tpu.memory_space<hbm>> -> memref<1x4096xf32, #tpu.memory_space<hbm>>
      %dma_start3A_280 = tpu.memref_squeeze %dma_start3A : memref<1x4096xf32, #tpu.memory_space<hbm>> -> memref<4096xf32, #tpu.memory_space<hbm>>
      %dma_start3A_281 = tpu.memref_slice %arg14[%add3A_130] : memref<1310720xf32, #tpu.memory_space<vmem_shared>> -> memref<4096xf32, #tpu.memory_space<vmem_shared>>
      tpu.enqueue_dma source(%dma_start3A_281 : memref<4096xf32, #tpu.memory_space<vmem_shared>>) target(%dma_start3A_280 : memref<4096xf32, #tpu.memory_space<hbm>>) target_semaphore(%run_scoped3A_279 : memref<!tpu.dma_semaphore, #tpu.memory_space<semaphore_mem>>)
      %dma_wait3A_282 = tpu.memref_slice %arg6[%arg0, %add3A_134] : memref<2x1310720xf32, #tpu.memory_space<hbm>> -> memref<1x4096xf32, #tpu.memory_space<hbm>>
      %dma_wait3A_283 = tpu.memref_squeeze %dma_wait3A_282 : memref<1x4096xf32, #tpu.memory_space<hbm>> -> memref<4096xf32, #tpu.memory_space<hbm>>
      %dma_wait3A_284 = tpu.memref_slice %arg14[%add3A_130] : memref<1310720xf32, #tpu.memory_space<vmem_shared>> -> memref<4096xf32, #tpu.memory_space<vmem_shared>>
      tpu.wait_dma2 semaphore(%run_scoped3A_279 : memref<!tpu.dma_semaphore, #tpu.memory_space<semaphore_mem>>) src(%dma_wait3A_284 : memref<4096xf32, #tpu.memory_space<vmem_shared>>) dst(%dma_wait3A_283 : memref<4096xf32, #tpu.memory_space<hbm>>)
      tpu.yield
    }) : () -> ()
    %mul3A_135 = arith.constant 81920 : i32
    %mul3A_136 = arith.muli %arg1, %mul3A_135 : i32
    %add3A_137 = arith.constant 8192 : i32
    %add3A_138 = arith.addi %mul3A_136, %add3A_137 : i32
    %mul3A_139 = arith.constant 81920 : i32
    %mul3A_140 = arith.muli %arg1, %mul3A_139 : i32
    %add3A_141 = arith.constant 8192 : i32
    %add3A_142 = arith.addi %mul3A_140, %add3A_141 : i32
    "tpu.region"() ({
      %run_scoped3A_279 = tpu.sem_alloc : memref<!tpu.dma_semaphore, #tpu.memory_space<semaphore_mem>>
      %dma_start3A = tpu.memref_slice %arg6[%arg0, %add3A_142] : memref<2x1310720xf32, #tpu.memory_space<hbm>> -> memref<1x4096xf32, #tpu.memory_space<hbm>>
      %dma_start3A_280 = tpu.memref_squeeze %dma_start3A : memref<1x4096xf32, #tpu.memory_space<hbm>> -> memref<4096xf32, #tpu.memory_space<hbm>>
      %dma_start3A_281 = tpu.memref_slice %arg14[%add3A_138] : memref<1310720xf32, #tpu.memory_space<vmem_shared>> -> memref<4096xf32, #tpu.memory_space<vmem_shared>>
      tpu.enqueue_dma source(%dma_start3A_281 : memref<4096xf32, #tpu.memory_space<vmem_shared>>) target(%dma_start3A_280 : memref<4096xf32, #tpu.memory_space<hbm>>) target_semaphore(%run_scoped3A_279 : memref<!tpu.dma_semaphore, #tpu.memory_space<semaphore_mem>>)
      %dma_wait3A_282 = tpu.memref_slice %arg6[%arg0, %add3A_142] : memref<2x1310720xf32, #tpu.memory_space<hbm>> -> memref<1x4096xf32, #tpu.memory_space<hbm>>
      %dma_wait3A_283 = tpu.memref_squeeze %dma_wait3A_282 : memref<1x4096xf32, #tpu.memory_space<hbm>> -> memref<4096xf32, #tpu.memory_space<hbm>>
      %dma_wait3A_284 = tpu.memref_slice %arg14[%add3A_138] : memref<1310720xf32, #tpu.memory_space<vmem_shared>> -> memref<4096xf32, #tpu.memory_space<vmem_shared>>
      tpu.wait_dma2 semaphore(%run_scoped3A_279 : memref<!tpu.dma_semaphore, #tpu.memory_space<semaphore_mem>>) src(%dma_wait3A_284 : memref<4096xf32, #tpu.memory_space<vmem_shared>>) dst(%dma_wait3A_283 : memref<4096xf32, #tpu.memory_space<hbm>>)
      tpu.yield
    }) : () -> ()
    %mul3A_143 = arith.constant 81920 : i32
    %mul3A_144 = arith.muli %arg1, %mul3A_143 : i32
    %add3A_145 = arith.constant 12288 : i32
    %add3A_146 = arith.addi %mul3A_144, %add3A_145 : i32
    %mul3A_147 = arith.constant 81920 : i32
    %mul3A_148 = arith.muli %arg1, %mul3A_147 : i32
    %add3A_149 = arith.constant 12288 : i32
    %add3A_150 = arith.addi %mul3A_148, %add3A_149 : i32
    "tpu.region"() ({
      %run_scoped3A_279 = tpu.sem_alloc : memref<!tpu.dma_semaphore, #tpu.memory_space<semaphore_mem>>
      %dma_start3A = tpu.memref_slice %arg6[%arg0, %add3A_150] : memref<2x1310720xf32, #tpu.memory_space<hbm>> -> memref<1x4096xf32, #tpu.memory_space<hbm>>
      %dma_start3A_280 = tpu.memref_squeeze %dma_start3A : memref<1x4096xf32, #tpu.memory_space<hbm>> -> memref<4096xf32, #tpu.memory_space<hbm>>
      %dma_start3A_281 = tpu.memref_slice %arg14[%add3A_146] : memref<1310720xf32, #tpu.memory_space<vmem_shared>> -> memref<4096xf32, #tpu.memory_space<vmem_shared>>
      tpu.enqueue_dma source(%dma_start3A_281 : memref<4096xf32, #tpu.memory_space<vmem_shared>>) target(%dma_start3A_280 : memref<4096xf32, #tpu.memory_space<hbm>>) target_semaphore(%run_scoped3A_279 : memref<!tpu.dma_semaphore, #tpu.memory_space<semaphore_mem>>)
      %dma_wait3A_282 = tpu.memref_slice %arg6[%arg0, %add3A_150] : memref<2x1310720xf32, #tpu.memory_space<hbm>> -> memref<1x4096xf32, #tpu.memory_space<hbm>>
      %dma_wait3A_283 = tpu.memref_squeeze %dma_wait3A_282 : memref<1x4096xf32, #tpu.memory_space<hbm>> -> memref<4096xf32, #tpu.memory_space<hbm>>
      %dma_wait3A_284 = tpu.memref_slice %arg14[%add3A_146] : memref<1310720xf32, #tpu.memory_space<vmem_shared>> -> memref<4096xf32, #tpu.memory_space<vmem_shared>>
      tpu.wait_dma2 semaphore(%run_scoped3A_279 : memref<!tpu.dma_semaphore, #tpu.memory_space<semaphore_mem>>) src(%dma_wait3A_284 : memref<4096xf32, #tpu.memory_space<vmem_shared>>) dst(%dma_wait3A_283 : memref<4096xf32, #tpu.memory_space<hbm>>)
      tpu.yield
    }) : () -> ()
    %mul3A_151 = arith.constant 81920 : i32
    %mul3A_152 = arith.muli %arg1, %mul3A_151 : i32
    %add3A_153 = arith.constant 16384 : i32
    %add3A_154 = arith.addi %mul3A_152, %add3A_153 : i32
    %mul3A_155 = arith.constant 81920 : i32
    %mul3A_156 = arith.muli %arg1, %mul3A_155 : i32
    %add3A_157 = arith.constant 16384 : i32
    %add3A_158 = arith.addi %mul3A_156, %add3A_157 : i32
    "tpu.region"() ({
      %run_scoped3A_279 = tpu.sem_alloc : memref<!tpu.dma_semaphore, #tpu.memory_space<semaphore_mem>>
      %dma_start3A = tpu.memref_slice %arg6[%arg0, %add3A_158] : memref<2x1310720xf32, #tpu.memory_space<hbm>> -> memref<1x4096xf32, #tpu.memory_space<hbm>>
      %dma_start3A_280 = tpu.memref_squeeze %dma_start3A : memref<1x4096xf32, #tpu.memory_space<hbm>> -> memref<4096xf32, #tpu.memory_space<hbm>>
      %dma_start3A_281 = tpu.memref_slice %arg14[%add3A_154] : memref<1310720xf32, #tpu.memory_space<vmem_shared>> -> memref<4096xf32, #tpu.memory_space<vmem_shared>>
      tpu.enqueue_dma source(%dma_start3A_281 : memref<4096xf32, #tpu.memory_space<vmem_shared>>) target(%dma_start3A_280 : memref<4096xf32, #tpu.memory_space<hbm>>) target_semaphore(%run_scoped3A_279 : memref<!tpu.dma_semaphore, #tpu.memory_space<semaphore_mem>>)
      %dma_wait3A_282 = tpu.memref_slice %arg6[%arg0, %add3A_158] : memref<2x1310720xf32, #tpu.memory_space<hbm>> -> memref<1x4096xf32, #tpu.memory_space<hbm>>
      %dma_wait3A_283 = tpu.memref_squeeze %dma_wait3A_282 : memref<1x4096xf32, #tpu.memory_space<hbm>> -> memref<4096xf32, #tpu.memory_space<hbm>>
      %dma_wait3A_284 = tpu.memref_slice %arg14[%add3A_154] : memref<1310720xf32, #tpu.memory_space<vmem_shared>> -> memref<4096xf32, #tpu.memory_space<vmem_shared>>
      tpu.wait_dma2 semaphore(%run_scoped3A_279 : memref<!tpu.dma_semaphore, #tpu.memory_space<semaphore_mem>>) src(%dma_wait3A_284 : memref<4096xf32, #tpu.memory_space<vmem_shared>>) dst(%dma_wait3A_283 : memref<4096xf32, #tpu.memory_space<hbm>>)
      tpu.yield
    }) : () -> ()
    %mul3A_159 = arith.constant 81920 : i32
    %mul3A_160 = arith.muli %arg1, %mul3A_159 : i32
    %add3A_161 = arith.constant 20480 : i32
    %add3A_162 = arith.addi %mul3A_160, %add3A_161 : i32
    %mul3A_163 = arith.constant 81920 : i32
    %mul3A_164 = arith.muli %arg1, %mul3A_163 : i32
    %add3A_165 = arith.constant 20480 : i32
    %add3A_166 = arith.addi %mul3A_164, %add3A_165 : i32
    "tpu.region"() ({
      %run_scoped3A_279 = tpu.sem_alloc : memref<!tpu.dma_semaphore, #tpu.memory_space<semaphore_mem>>
      %dma_start3A = tpu.memref_slice %arg6[%arg0, %add3A_166] : memref<2x1310720xf32, #tpu.memory_space<hbm>> -> memref<1x4096xf32, #tpu.memory_space<hbm>>
      %dma_start3A_280 = tpu.memref_squeeze %dma_start3A : memref<1x4096xf32, #tpu.memory_space<hbm>> -> memref<4096xf32, #tpu.memory_space<hbm>>
      %dma_start3A_281 = tpu.memref_slice %arg14[%add3A_162] : memref<1310720xf32, #tpu.memory_space<vmem_shared>> -> memref<4096xf32, #tpu.memory_space<vmem_shared>>
      tpu.enqueue_dma source(%dma_start3A_281 : memref<4096xf32, #tpu.memory_space<vmem_shared>>) target(%dma_start3A_280 : memref<4096xf32, #tpu.memory_space<hbm>>) target_semaphore(%run_scoped3A_279 : memref<!tpu.dma_semaphore, #tpu.memory_space<semaphore_mem>>)
      %dma_wait3A_282 = tpu.memref_slice %arg6[%arg0, %add3A_166] : memref<2x1310720xf32, #tpu.memory_space<hbm>> -> memref<1x4096xf32, #tpu.memory_space<hbm>>
      %dma_wait3A_283 = tpu.memref_squeeze %dma_wait3A_282 : memref<1x4096xf32, #tpu.memory_space<hbm>> -> memref<4096xf32, #tpu.memory_space<hbm>>
      %dma_wait3A_284 = tpu.memref_slice %arg14[%add3A_162] : memref<1310720xf32, #tpu.memory_space<vmem_shared>> -> memref<4096xf32, #tpu.memory_space<vmem_shared>>
      tpu.wait_dma2 semaphore(%run_scoped3A_279 : memref<!tpu.dma_semaphore, #tpu.memory_space<semaphore_mem>>) src(%dma_wait3A_284 : memref<4096xf32, #tpu.memory_space<vmem_shared>>) dst(%dma_wait3A_283 : memref<4096xf32, #tpu.memory_space<hbm>>)
      tpu.yield
    }) : () -> ()
    %mul3A_167 = arith.constant 81920 : i32
    %mul3A_168 = arith.muli %arg1, %mul3A_167 : i32
    %add3A_169 = arith.constant 24576 : i32
    %add3A_170 = arith.addi %mul3A_168, %add3A_169 : i32
    %mul3A_171 = arith.constant 81920 : i32
    %mul3A_172 = arith.muli %arg1, %mul3A_171 : i32
    %add3A_173 = arith.constant 24576 : i32
    %add3A_174 = arith.addi %mul3A_172, %add3A_173 : i32
    "tpu.region"() ({
      %run_scoped3A_279 = tpu.sem_alloc : memref<!tpu.dma_semaphore, #tpu.memory_space<semaphore_mem>>
      %dma_start3A = tpu.memref_slice %arg6[%arg0, %add3A_174] : memref<2x1310720xf32, #tpu.memory_space<hbm>> -> memref<1x4096xf32, #tpu.memory_space<hbm>>
      %dma_start3A_280 = tpu.memref_squeeze %dma_start3A : memref<1x4096xf32, #tpu.memory_space<hbm>> -> memref<4096xf32, #tpu.memory_space<hbm>>
      %dma_start3A_281 = tpu.memref_slice %arg14[%add3A_170] : memref<1310720xf32, #tpu.memory_space<vmem_shared>> -> memref<4096xf32, #tpu.memory_space<vmem_shared>>
      tpu.enqueue_dma source(%dma_start3A_281 : memref<4096xf32, #tpu.memory_space<vmem_shared>>) target(%dma_start3A_280 : memref<4096xf32, #tpu.memory_space<hbm>>) target_semaphore(%run_scoped3A_279 : memref<!tpu.dma_semaphore, #tpu.memory_space<semaphore_mem>>)
      %dma_wait3A_282 = tpu.memref_slice %arg6[%arg0, %add3A_174] : memref<2x1310720xf32, #tpu.memory_space<hbm>> -> memref<1x4096xf32, #tpu.memory_space<hbm>>
      %dma_wait3A_283 = tpu.memref_squeeze %dma_wait3A_282 : memref<1x4096xf32, #tpu.memory_space<hbm>> -> memref<4096xf32, #tpu.memory_space<hbm>>
      %dma_wait3A_284 = tpu.memref_slice %arg14[%add3A_170] : memref<1310720xf32, #tpu.memory_space<vmem_shared>> -> memref<4096xf32, #tpu.memory_space<vmem_shared>>
      tpu.wait_dma2 semaphore(%run_scoped3A_279 : memref<!tpu.dma_semaphore, #tpu.memory_space<semaphore_mem>>) src(%dma_wait3A_284 : memref<4096xf32, #tpu.memory_space<vmem_shared>>) dst(%dma_wait3A_283 : memref<4096xf32, #tpu.memory_space<hbm>>)
      tpu.yield
    }) : () -> ()
    %mul3A_175 = arith.constant 81920 : i32
    %mul3A_176 = arith.muli %arg1, %mul3A_175 : i32
    %add3A_177 = arith.constant 28672 : i32
    %add3A_178 = arith.addi %mul3A_176, %add3A_177 : i32
    %mul3A_179 = arith.constant 81920 : i32
    %mul3A_180 = arith.muli %arg1, %mul3A_179 : i32
    %add3A_181 = arith.constant 28672 : i32
    %add3A_182 = arith.addi %mul3A_180, %add3A_181 : i32
    "tpu.region"() ({
      %run_scoped3A_279 = tpu.sem_alloc : memref<!tpu.dma_semaphore, #tpu.memory_space<semaphore_mem>>
      %dma_start3A = tpu.memref_slice %arg6[%arg0, %add3A_182] : memref<2x1310720xf32, #tpu.memory_space<hbm>> -> memref<1x4096xf32, #tpu.memory_space<hbm>>
      %dma_start3A_280 = tpu.memref_squeeze %dma_start3A : memref<1x4096xf32, #tpu.memory_space<hbm>> -> memref<4096xf32, #tpu.memory_space<hbm>>
      %dma_start3A_281 = tpu.memref_slice %arg14[%add3A_178] : memref<1310720xf32, #tpu.memory_space<vmem_shared>> -> memref<4096xf32, #tpu.memory_space<vmem_shared>>
      tpu.enqueue_dma source(%dma_start3A_281 : memref<4096xf32, #tpu.memory_space<vmem_shared>>) target(%dma_start3A_280 : memref<4096xf32, #tpu.memory_space<hbm>>) target_semaphore(%run_scoped3A_279 : memref<!tpu.dma_semaphore, #tpu.memory_space<semaphore_mem>>)
      %dma_wait3A_282 = tpu.memref_slice %arg6[%arg0, %add3A_182] : memref<2x1310720xf32, #tpu.memory_space<hbm>> -> memref<1x4096xf32, #tpu.memory_space<hbm>>
      %dma_wait3A_283 = tpu.memref_squeeze %dma_wait3A_282 : memref<1x4096xf32, #tpu.memory_space<hbm>> -> memref<4096xf32, #tpu.memory_space<hbm>>
      %dma_wait3A_284 = tpu.memref_slice %arg14[%add3A_178] : memref<1310720xf32, #tpu.memory_space<vmem_shared>> -> memref<4096xf32, #tpu.memory_space<vmem_shared>>
      tpu.wait_dma2 semaphore(%run_scoped3A_279 : memref<!tpu.dma_semaphore, #tpu.memory_space<semaphore_mem>>) src(%dma_wait3A_284 : memref<4096xf32, #tpu.memory_space<vmem_shared>>) dst(%dma_wait3A_283 : memref<4096xf32, #tpu.memory_space<hbm>>)
      tpu.yield
    }) : () -> ()
    %mul3A_183 = arith.constant 81920 : i32
    %mul3A_184 = arith.muli %arg1, %mul3A_183 : i32
    %add3A_185 = arith.constant 32768 : i32
    %add3A_186 = arith.addi %mul3A_184, %add3A_185 : i32
    %mul3A_187 = arith.constant 81920 : i32
    %mul3A_188 = arith.muli %arg1, %mul3A_187 : i32
    %add3A_189 = arith.constant 32768 : i32
    %add3A_190 = arith.addi %mul3A_188, %add3A_189 : i32
    "tpu.region"() ({
      %run_scoped3A_279 = tpu.sem_alloc : memref<!tpu.dma_semaphore, #tpu.memory_space<semaphore_mem>>
      %dma_start3A = tpu.memref_slice %arg6[%arg0, %add3A_190] : memref<2x1310720xf32, #tpu.memory_space<hbm>> -> memref<1x4096xf32, #tpu.memory_space<hbm>>
      %dma_start3A_280 = tpu.memref_squeeze %dma_start3A : memref<1x4096xf32, #tpu.memory_space<hbm>> -> memref<4096xf32, #tpu.memory_space<hbm>>
      %dma_start3A_281 = tpu.memref_slice %arg14[%add3A_186] : memref<1310720xf32, #tpu.memory_space<vmem_shared>> -> memref<4096xf32, #tpu.memory_space<vmem_shared>>
      tpu.enqueue_dma source(%dma_start3A_281 : memref<4096xf32, #tpu.memory_space<vmem_shared>>) target(%dma_start3A_280 : memref<4096xf32, #tpu.memory_space<hbm>>) target_semaphore(%run_scoped3A_279 : memref<!tpu.dma_semaphore, #tpu.memory_space<semaphore_mem>>)
      %dma_wait3A_282 = tpu.memref_slice %arg6[%arg0, %add3A_190] : memref<2x1310720xf32, #tpu.memory_space<hbm>> -> memref<1x4096xf32, #tpu.memory_space<hbm>>
      %dma_wait3A_283 = tpu.memref_squeeze %dma_wait3A_282 : memref<1x4096xf32, #tpu.memory_space<hbm>> -> memref<4096xf32, #tpu.memory_space<hbm>>
      %dma_wait3A_284 = tpu.memref_slice %arg14[%add3A_186] : memref<1310720xf32, #tpu.memory_space<vmem_shared>> -> memref<4096xf32, #tpu.memory_space<vmem_shared>>
      tpu.wait_dma2 semaphore(%run_scoped3A_279 : memref<!tpu.dma_semaphore, #tpu.memory_space<semaphore_mem>>) src(%dma_wait3A_284 : memref<4096xf32, #tpu.memory_space<vmem_shared>>) dst(%dma_wait3A_283 : memref<4096xf32, #tpu.memory_space<hbm>>)
      tpu.yield
    }) : () -> ()
    %mul3A_191 = arith.constant 81920 : i32
    %mul3A_192 = arith.muli %arg1, %mul3A_191 : i32
    %add3A_193 = arith.constant 36864 : i32
    %add3A_194 = arith.addi %mul3A_192, %add3A_193 : i32
    %mul3A_195 = arith.constant 81920 : i32
    %mul3A_196 = arith.muli %arg1, %mul3A_195 : i32
    %add3A_197 = arith.constant 36864 : i32
    %add3A_198 = arith.addi %mul3A_196, %add3A_197 : i32
    "tpu.region"() ({
      %run_scoped3A_279 = tpu.sem_alloc : memref<!tpu.dma_semaphore, #tpu.memory_space<semaphore_mem>>
      %dma_start3A = tpu.memref_slice %arg6[%arg0, %add3A_198] : memref<2x1310720xf32, #tpu.memory_space<hbm>> -> memref<1x4096xf32, #tpu.memory_space<hbm>>
      %dma_start3A_280 = tpu.memref_squeeze %dma_start3A : memref<1x4096xf32, #tpu.memory_space<hbm>> -> memref<4096xf32, #tpu.memory_space<hbm>>
      %dma_start3A_281 = tpu.memref_slice %arg14[%add3A_194] : memref<1310720xf32, #tpu.memory_space<vmem_shared>> -> memref<4096xf32, #tpu.memory_space<vmem_shared>>
      tpu.enqueue_dma source(%dma_start3A_281 : memref<4096xf32, #tpu.memory_space<vmem_shared>>) target(%dma_start3A_280 : memref<4096xf32, #tpu.memory_space<hbm>>) target_semaphore(%run_scoped3A_279 : memref<!tpu.dma_semaphore, #tpu.memory_space<semaphore_mem>>)
      %dma_wait3A_282 = tpu.memref_slice %arg6[%arg0, %add3A_198] : memref<2x1310720xf32, #tpu.memory_space<hbm>> -> memref<1x4096xf32, #tpu.memory_space<hbm>>
      %dma_wait3A_283 = tpu.memref_squeeze %dma_wait3A_282 : memref<1x4096xf32, #tpu.memory_space<hbm>> -> memref<4096xf32, #tpu.memory_space<hbm>>
      %dma_wait3A_284 = tpu.memref_slice %arg14[%add3A_194] : memref<1310720xf32, #tpu.memory_space<vmem_shared>> -> memref<4096xf32, #tpu.memory_space<vmem_shared>>
      tpu.wait_dma2 semaphore(%run_scoped3A_279 : memref<!tpu.dma_semaphore, #tpu.memory_space<semaphore_mem>>) src(%dma_wait3A_284 : memref<4096xf32, #tpu.memory_space<vmem_shared>>) dst(%dma_wait3A_283 : memref<4096xf32, #tpu.memory_space<hbm>>)
      tpu.yield
    }) : () -> ()
    %mul3A_199 = arith.constant 81920 : i32
    %mul3A_200 = arith.muli %arg1, %mul3A_199 : i32
    %add3A_201 = arith.constant 40960 : i32
    %add3A_202 = arith.addi %mul3A_200, %add3A_201 : i32
    %mul3A_203 = arith.constant 81920 : i32
    %mul3A_204 = arith.muli %arg1, %mul3A_203 : i32
    %add3A_205 = arith.constant 40960 : i32
    %add3A_206 = arith.addi %mul3A_204, %add3A_205 : i32
    "tpu.region"() ({
      %run_scoped3A_279 = tpu.sem_alloc : memref<!tpu.dma_semaphore, #tpu.memory_space<semaphore_mem>>
      %dma_start3A = tpu.memref_slice %arg6[%arg0, %add3A_206] : memref<2x1310720xf32, #tpu.memory_space<hbm>> -> memref<1x4096xf32, #tpu.memory_space<hbm>>
      %dma_start3A_280 = tpu.memref_squeeze %dma_start3A : memref<1x4096xf32, #tpu.memory_space<hbm>> -> memref<4096xf32, #tpu.memory_space<hbm>>
      %dma_start3A_281 = tpu.memref_slice %arg14[%add3A_202] : memref<1310720xf32, #tpu.memory_space<vmem_shared>> -> memref<4096xf32, #tpu.memory_space<vmem_shared>>
      tpu.enqueue_dma source(%dma_start3A_281 : memref<4096xf32, #tpu.memory_space<vmem_shared>>) target(%dma_start3A_280 : memref<4096xf32, #tpu.memory_space<hbm>>) target_semaphore(%run_scoped3A_279 : memref<!tpu.dma_semaphore, #tpu.memory_space<semaphore_mem>>)
      %dma_wait3A_282 = tpu.memref_slice %arg6[%arg0, %add3A_206] : memref<2x1310720xf32, #tpu.memory_space<hbm>> -> memref<1x4096xf32, #tpu.memory_space<hbm>>
      %dma_wait3A_283 = tpu.memref_squeeze %dma_wait3A_282 : memref<1x4096xf32, #tpu.memory_space<hbm>> -> memref<4096xf32, #tpu.memory_space<hbm>>
      %dma_wait3A_284 = tpu.memref_slice %arg14[%add3A_202] : memref<1310720xf32, #tpu.memory_space<vmem_shared>> -> memref<4096xf32, #tpu.memory_space<vmem_shared>>
      tpu.wait_dma2 semaphore(%run_scoped3A_279 : memref<!tpu.dma_semaphore, #tpu.memory_space<semaphore_mem>>) src(%dma_wait3A_284 : memref<4096xf32, #tpu.memory_space<vmem_shared>>) dst(%dma_wait3A_283 : memref<4096xf32, #tpu.memory_space<hbm>>)
      tpu.yield
    }) : () -> ()
    %mul3A_207 = arith.constant 81920 : i32
    %mul3A_208 = arith.muli %arg1, %mul3A_207 : i32
    %add3A_209 = arith.constant 45056 : i32
    %add3A_210 = arith.addi %mul3A_208, %add3A_209 : i32
    %mul3A_211 = arith.constant 81920 : i32
    %mul3A_212 = arith.muli %arg1, %mul3A_211 : i32
    %add3A_213 = arith.constant 45056 : i32
    %add3A_214 = arith.addi %mul3A_212, %add3A_213 : i32
    "tpu.region"() ({
      %run_scoped3A_279 = tpu.sem_alloc : memref<!tpu.dma_semaphore, #tpu.memory_space<semaphore_mem>>
      %dma_start3A = tpu.memref_slice %arg6[%arg0, %add3A_214] : memref<2x1310720xf32, #tpu.memory_space<hbm>> -> memref<1x4096xf32, #tpu.memory_space<hbm>>
      %dma_start3A_280 = tpu.memref_squeeze %dma_start3A : memref<1x4096xf32, #tpu.memory_space<hbm>> -> memref<4096xf32, #tpu.memory_space<hbm>>
      %dma_start3A_281 = tpu.memref_slice %arg14[%add3A_210] : memref<1310720xf32, #tpu.memory_space<vmem_shared>> -> memref<4096xf32, #tpu.memory_space<vmem_shared>>
      tpu.enqueue_dma source(%dma_start3A_281 : memref<4096xf32, #tpu.memory_space<vmem_shared>>) target(%dma_start3A_280 : memref<4096xf32, #tpu.memory_space<hbm>>) target_semaphore(%run_scoped3A_279 : memref<!tpu.dma_semaphore, #tpu.memory_space<semaphore_mem>>)
      %dma_wait3A_282 = tpu.memref_slice %arg6[%arg0, %add3A_214] : memref<2x1310720xf32, #tpu.memory_space<hbm>> -> memref<1x4096xf32, #tpu.memory_space<hbm>>
      %dma_wait3A_283 = tpu.memref_squeeze %dma_wait3A_282 : memref<1x4096xf32, #tpu.memory_space<hbm>> -> memref<4096xf32, #tpu.memory_space<hbm>>
      %dma_wait3A_284 = tpu.memref_slice %arg14[%add3A_210] : memref<1310720xf32, #tpu.memory_space<vmem_shared>> -> memref<4096xf32, #tpu.memory_space<vmem_shared>>
      tpu.wait_dma2 semaphore(%run_scoped3A_279 : memref<!tpu.dma_semaphore, #tpu.memory_space<semaphore_mem>>) src(%dma_wait3A_284 : memref<4096xf32, #tpu.memory_space<vmem_shared>>) dst(%dma_wait3A_283 : memref<4096xf32, #tpu.memory_space<hbm>>)
      tpu.yield
    }) : () -> ()
    %mul3A_215 = arith.constant 81920 : i32
    %mul3A_216 = arith.muli %arg1, %mul3A_215 : i32
    %add3A_217 = arith.constant 49152 : i32
    %add3A_218 = arith.addi %mul3A_216, %add3A_217 : i32
    %mul3A_219 = arith.constant 81920 : i32
    %mul3A_220 = arith.muli %arg1, %mul3A_219 : i32
    %add3A_221 = arith.constant 49152 : i32
    %add3A_222 = arith.addi %mul3A_220, %add3A_221 : i32
    "tpu.region"() ({
      %run_scoped3A_279 = tpu.sem_alloc : memref<!tpu.dma_semaphore, #tpu.memory_space<semaphore_mem>>
      %dma_start3A = tpu.memref_slice %arg6[%arg0, %add3A_222] : memref<2x1310720xf32, #tpu.memory_space<hbm>> -> memref<1x4096xf32, #tpu.memory_space<hbm>>
      %dma_start3A_280 = tpu.memref_squeeze %dma_start3A : memref<1x4096xf32, #tpu.memory_space<hbm>> -> memref<4096xf32, #tpu.memory_space<hbm>>
      %dma_start3A_281 = tpu.memref_slice %arg14[%add3A_218] : memref<1310720xf32, #tpu.memory_space<vmem_shared>> -> memref<4096xf32, #tpu.memory_space<vmem_shared>>
      tpu.enqueue_dma source(%dma_start3A_281 : memref<4096xf32, #tpu.memory_space<vmem_shared>>) target(%dma_start3A_280 : memref<4096xf32, #tpu.memory_space<hbm>>) target_semaphore(%run_scoped3A_279 : memref<!tpu.dma_semaphore, #tpu.memory_space<semaphore_mem>>)
      %dma_wait3A_282 = tpu.memref_slice %arg6[%arg0, %add3A_222] : memref<2x1310720xf32, #tpu.memory_space<hbm>> -> memref<1x4096xf32, #tpu.memory_space<hbm>>
      %dma_wait3A_283 = tpu.memref_squeeze %dma_wait3A_282 : memref<1x4096xf32, #tpu.memory_space<hbm>> -> memref<4096xf32, #tpu.memory_space<hbm>>
      %dma_wait3A_284 = tpu.memref_slice %arg14[%add3A_218] : memref<1310720xf32, #tpu.memory_space<vmem_shared>> -> memref<4096xf32, #tpu.memory_space<vmem_shared>>
      tpu.wait_dma2 semaphore(%run_scoped3A_279 : memref<!tpu.dma_semaphore, #tpu.memory_space<semaphore_mem>>) src(%dma_wait3A_284 : memref<4096xf32, #tpu.memory_space<vmem_shared>>) dst(%dma_wait3A_283 : memref<4096xf32, #tpu.memory_space<hbm>>)
      tpu.yield
    }) : () -> ()
    %mul3A_223 = arith.constant 81920 : i32
    %mul3A_224 = arith.muli %arg1, %mul3A_223 : i32
    %add3A_225 = arith.constant 53248 : i32
    %add3A_226 = arith.addi %mul3A_224, %add3A_225 : i32
    %mul3A_227 = arith.constant 81920 : i32
    %mul3A_228 = arith.muli %arg1, %mul3A_227 : i32
    %add3A_229 = arith.constant 53248 : i32
    %add3A_230 = arith.addi %mul3A_228, %add3A_229 : i32
    "tpu.region"() ({
      %run_scoped3A_279 = tpu.sem_alloc : memref<!tpu.dma_semaphore, #tpu.memory_space<semaphore_mem>>
      %dma_start3A = tpu.memref_slice %arg6[%arg0, %add3A_230] : memref<2x1310720xf32, #tpu.memory_space<hbm>> -> memref<1x4096xf32, #tpu.memory_space<hbm>>
      %dma_start3A_280 = tpu.memref_squeeze %dma_start3A : memref<1x4096xf32, #tpu.memory_space<hbm>> -> memref<4096xf32, #tpu.memory_space<hbm>>
      %dma_start3A_281 = tpu.memref_slice %arg14[%add3A_226] : memref<1310720xf32, #tpu.memory_space<vmem_shared>> -> memref<4096xf32, #tpu.memory_space<vmem_shared>>
      tpu.enqueue_dma source(%dma_start3A_281 : memref<4096xf32, #tpu.memory_space<vmem_shared>>) target(%dma_start3A_280 : memref<4096xf32, #tpu.memory_space<hbm>>) target_semaphore(%run_scoped3A_279 : memref<!tpu.dma_semaphore, #tpu.memory_space<semaphore_mem>>)
      %dma_wait3A_282 = tpu.memref_slice %arg6[%arg0, %add3A_230] : memref<2x1310720xf32, #tpu.memory_space<hbm>> -> memref<1x4096xf32, #tpu.memory_space<hbm>>
      %dma_wait3A_283 = tpu.memref_squeeze %dma_wait3A_282 : memref<1x4096xf32, #tpu.memory_space<hbm>> -> memref<4096xf32, #tpu.memory_space<hbm>>
      %dma_wait3A_284 = tpu.memref_slice %arg14[%add3A_226] : memref<1310720xf32, #tpu.memory_space<vmem_shared>> -> memref<4096xf32, #tpu.memory_space<vmem_shared>>
      tpu.wait_dma2 semaphore(%run_scoped3A_279 : memref<!tpu.dma_semaphore, #tpu.memory_space<semaphore_mem>>) src(%dma_wait3A_284 : memref<4096xf32, #tpu.memory_space<vmem_shared>>) dst(%dma_wait3A_283 : memref<4096xf32, #tpu.memory_space<hbm>>)
      tpu.yield
    }) : () -> ()
    %mul3A_231 = arith.constant 81920 : i32
    %mul3A_232 = arith.muli %arg1, %mul3A_231 : i32
    %add3A_233 = arith.constant 57344 : i32
    %add3A_234 = arith.addi %mul3A_232, %add3A_233 : i32
    %mul3A_235 = arith.constant 81920 : i32
    %mul3A_236 = arith.muli %arg1, %mul3A_235 : i32
    %add3A_237 = arith.constant 57344 : i32
    %add3A_238 = arith.addi %mul3A_236, %add3A_237 : i32
    "tpu.region"() ({
      %run_scoped3A_279 = tpu.sem_alloc : memref<!tpu.dma_semaphore, #tpu.memory_space<semaphore_mem>>
      %dma_start3A = tpu.memref_slice %arg6[%arg0, %add3A_238] : memref<2x1310720xf32, #tpu.memory_space<hbm>> -> memref<1x4096xf32, #tpu.memory_space<hbm>>
      %dma_start3A_280 = tpu.memref_squeeze %dma_start3A : memref<1x4096xf32, #tpu.memory_space<hbm>> -> memref<4096xf32, #tpu.memory_space<hbm>>
      %dma_start3A_281 = tpu.memref_slice %arg14[%add3A_234] : memref<1310720xf32, #tpu.memory_space<vmem_shared>> -> memref<4096xf32, #tpu.memory_space<vmem_shared>>
      tpu.enqueue_dma source(%dma_start3A_281 : memref<4096xf32, #tpu.memory_space<vmem_shared>>) target(%dma_start3A_280 : memref<4096xf32, #tpu.memory_space<hbm>>) target_semaphore(%run_scoped3A_279 : memref<!tpu.dma_semaphore, #tpu.memory_space<semaphore_mem>>)
      %dma_wait3A_282 = tpu.memref_slice %arg6[%arg0, %add3A_238] : memref<2x1310720xf32, #tpu.memory_space<hbm>> -> memref<1x4096xf32, #tpu.memory_space<hbm>>
      %dma_wait3A_283 = tpu.memref_squeeze %dma_wait3A_282 : memref<1x4096xf32, #tpu.memory_space<hbm>> -> memref<4096xf32, #tpu.memory_space<hbm>>
      %dma_wait3A_284 = tpu.memref_slice %arg14[%add3A_234] : memref<1310720xf32, #tpu.memory_space<vmem_shared>> -> memref<4096xf32, #tpu.memory_space<vmem_shared>>
      tpu.wait_dma2 semaphore(%run_scoped3A_279 : memref<!tpu.dma_semaphore, #tpu.memory_space<semaphore_mem>>) src(%dma_wait3A_284 : memref<4096xf32, #tpu.memory_space<vmem_shared>>) dst(%dma_wait3A_283 : memref<4096xf32, #tpu.memory_space<hbm>>)
      tpu.yield
    }) : () -> ()
    %mul3A_239 = arith.constant 81920 : i32
    %mul3A_240 = arith.muli %arg1, %mul3A_239 : i32
    %add3A_241 = arith.constant 61440 : i32
    %add3A_242 = arith.addi %mul3A_240, %add3A_241 : i32
    %mul3A_243 = arith.constant 81920 : i32
    %mul3A_244 = arith.muli %arg1, %mul3A_243 : i32
    %add3A_245 = arith.constant 61440 : i32
    %add3A_246 = arith.addi %mul3A_244, %add3A_245 : i32
    "tpu.region"() ({
      %run_scoped3A_279 = tpu.sem_alloc : memref<!tpu.dma_semaphore, #tpu.memory_space<semaphore_mem>>
      %dma_start3A = tpu.memref_slice %arg6[%arg0, %add3A_246] : memref<2x1310720xf32, #tpu.memory_space<hbm>> -> memref<1x4096xf32, #tpu.memory_space<hbm>>
      %dma_start3A_280 = tpu.memref_squeeze %dma_start3A : memref<1x4096xf32, #tpu.memory_space<hbm>> -> memref<4096xf32, #tpu.memory_space<hbm>>
      %dma_start3A_281 = tpu.memref_slice %arg14[%add3A_242] : memref<1310720xf32, #tpu.memory_space<vmem_shared>> -> memref<4096xf32, #tpu.memory_space<vmem_shared>>
      tpu.enqueue_dma source(%dma_start3A_281 : memref<4096xf32, #tpu.memory_space<vmem_shared>>) target(%dma_start3A_280 : memref<4096xf32, #tpu.memory_space<hbm>>) target_semaphore(%run_scoped3A_279 : memref<!tpu.dma_semaphore, #tpu.memory_space<semaphore_mem>>)
      %dma_wait3A_282 = tpu.memref_slice %arg6[%arg0, %add3A_246] : memref<2x1310720xf32, #tpu.memory_space<hbm>> -> memref<1x4096xf32, #tpu.memory_space<hbm>>
      %dma_wait3A_283 = tpu.memref_squeeze %dma_wait3A_282 : memref<1x4096xf32, #tpu.memory_space<hbm>> -> memref<4096xf32, #tpu.memory_space<hbm>>
      %dma_wait3A_284 = tpu.memref_slice %arg14[%add3A_242] : memref<1310720xf32, #tpu.memory_space<vmem_shared>> -> memref<4096xf32, #tpu.memory_space<vmem_shared>>
      tpu.wait_dma2 semaphore(%run_scoped3A_279 : memref<!tpu.dma_semaphore, #tpu.memory_space<semaphore_mem>>) src(%dma_wait3A_284 : memref<4096xf32, #tpu.memory_space<vmem_shared>>) dst(%dma_wait3A_283 : memref<4096xf32, #tpu.memory_space<hbm>>)
      tpu.yield
    }) : () -> ()
    %mul3A_247 = arith.constant 81920 : i32
    %mul3A_248 = arith.muli %arg1, %mul3A_247 : i32
    %add3A_249 = arith.constant 65536 : i32
    %add3A_250 = arith.addi %mul3A_248, %add3A_249 : i32
    %mul3A_251 = arith.constant 81920 : i32
    %mul3A_252 = arith.muli %arg1, %mul3A_251 : i32
    %add3A_253 = arith.constant 65536 : i32
    %add3A_254 = arith.addi %mul3A_252, %add3A_253 : i32
    "tpu.region"() ({
      %run_scoped3A_279 = tpu.sem_alloc : memref<!tpu.dma_semaphore, #tpu.memory_space<semaphore_mem>>
      %dma_start3A = tpu.memref_slice %arg6[%arg0, %add3A_254] : memref<2x1310720xf32, #tpu.memory_space<hbm>> -> memref<1x4096xf32, #tpu.memory_space<hbm>>
      %dma_start3A_280 = tpu.memref_squeeze %dma_start3A : memref<1x4096xf32, #tpu.memory_space<hbm>> -> memref<4096xf32, #tpu.memory_space<hbm>>
      %dma_start3A_281 = tpu.memref_slice %arg14[%add3A_250] : memref<1310720xf32, #tpu.memory_space<vmem_shared>> -> memref<4096xf32, #tpu.memory_space<vmem_shared>>
      tpu.enqueue_dma source(%dma_start3A_281 : memref<4096xf32, #tpu.memory_space<vmem_shared>>) target(%dma_start3A_280 : memref<4096xf32, #tpu.memory_space<hbm>>) target_semaphore(%run_scoped3A_279 : memref<!tpu.dma_semaphore, #tpu.memory_space<semaphore_mem>>)
      %dma_wait3A_282 = tpu.memref_slice %arg6[%arg0, %add3A_254] : memref<2x1310720xf32, #tpu.memory_space<hbm>> -> memref<1x4096xf32, #tpu.memory_space<hbm>>
      %dma_wait3A_283 = tpu.memref_squeeze %dma_wait3A_282 : memref<1x4096xf32, #tpu.memory_space<hbm>> -> memref<4096xf32, #tpu.memory_space<hbm>>
      %dma_wait3A_284 = tpu.memref_slice %arg14[%add3A_250] : memref<1310720xf32, #tpu.memory_space<vmem_shared>> -> memref<4096xf32, #tpu.memory_space<vmem_shared>>
      tpu.wait_dma2 semaphore(%run_scoped3A_279 : memref<!tpu.dma_semaphore, #tpu.memory_space<semaphore_mem>>) src(%dma_wait3A_284 : memref<4096xf32, #tpu.memory_space<vmem_shared>>) dst(%dma_wait3A_283 : memref<4096xf32, #tpu.memory_space<hbm>>)
      tpu.yield
    }) : () -> ()
    %mul3A_255 = arith.constant 81920 : i32
    %mul3A_256 = arith.muli %arg1, %mul3A_255 : i32
    %add3A_257 = arith.constant 69632 : i32
    %add3A_258 = arith.addi %mul3A_256, %add3A_257 : i32
    %mul3A_259 = arith.constant 81920 : i32
    %mul3A_260 = arith.muli %arg1, %mul3A_259 : i32
    %add3A_261 = arith.constant 69632 : i32
    %add3A_262 = arith.addi %mul3A_260, %add3A_261 : i32
    "tpu.region"() ({
      %run_scoped3A_279 = tpu.sem_alloc : memref<!tpu.dma_semaphore, #tpu.memory_space<semaphore_mem>>
      %dma_start3A = tpu.memref_slice %arg6[%arg0, %add3A_262] : memref<2x1310720xf32, #tpu.memory_space<hbm>> -> memref<1x4096xf32, #tpu.memory_space<hbm>>
      %dma_start3A_280 = tpu.memref_squeeze %dma_start3A : memref<1x4096xf32, #tpu.memory_space<hbm>> -> memref<4096xf32, #tpu.memory_space<hbm>>
      %dma_start3A_281 = tpu.memref_slice %arg14[%add3A_258] : memref<1310720xf32, #tpu.memory_space<vmem_shared>> -> memref<4096xf32, #tpu.memory_space<vmem_shared>>
      tpu.enqueue_dma source(%dma_start3A_281 : memref<4096xf32, #tpu.memory_space<vmem_shared>>) target(%dma_start3A_280 : memref<4096xf32, #tpu.memory_space<hbm>>) target_semaphore(%run_scoped3A_279 : memref<!tpu.dma_semaphore, #tpu.memory_space<semaphore_mem>>)
      %dma_wait3A_282 = tpu.memref_slice %arg6[%arg0, %add3A_262] : memref<2x1310720xf32, #tpu.memory_space<hbm>> -> memref<1x4096xf32, #tpu.memory_space<hbm>>
      %dma_wait3A_283 = tpu.memref_squeeze %dma_wait3A_282 : memref<1x4096xf32, #tpu.memory_space<hbm>> -> memref<4096xf32, #tpu.memory_space<hbm>>
      %dma_wait3A_284 = tpu.memref_slice %arg14[%add3A_258] : memref<1310720xf32, #tpu.memory_space<vmem_shared>> -> memref<4096xf32, #tpu.memory_space<vmem_shared>>
      tpu.wait_dma2 semaphore(%run_scoped3A_279 : memref<!tpu.dma_semaphore, #tpu.memory_space<semaphore_mem>>) src(%dma_wait3A_284 : memref<4096xf32, #tpu.memory_space<vmem_shared>>) dst(%dma_wait3A_283 : memref<4096xf32, #tpu.memory_space<hbm>>)
      tpu.yield
    }) : () -> ()
    %mul3A_263 = arith.constant 81920 : i32
    %mul3A_264 = arith.muli %arg1, %mul3A_263 : i32
    %add3A_265 = arith.constant 73728 : i32
    %add3A_266 = arith.addi %mul3A_264, %add3A_265 : i32
    %mul3A_267 = arith.constant 81920 : i32
    %mul3A_268 = arith.muli %arg1, %mul3A_267 : i32
    %add3A_269 = arith.constant 73728 : i32
    %add3A_270 = arith.addi %mul3A_268, %add3A_269 : i32
    "tpu.region"() ({
      %run_scoped3A_279 = tpu.sem_alloc : memref<!tpu.dma_semaphore, #tpu.memory_space<semaphore_mem>>
      %dma_start3A = tpu.memref_slice %arg6[%arg0, %add3A_270] : memref<2x1310720xf32, #tpu.memory_space<hbm>> -> memref<1x4096xf32, #tpu.memory_space<hbm>>
      %dma_start3A_280 = tpu.memref_squeeze %dma_start3A : memref<1x4096xf32, #tpu.memory_space<hbm>> -> memref<4096xf32, #tpu.memory_space<hbm>>
      %dma_start3A_281 = tpu.memref_slice %arg14[%add3A_266] : memref<1310720xf32, #tpu.memory_space<vmem_shared>> -> memref<4096xf32, #tpu.memory_space<vmem_shared>>
      tpu.enqueue_dma source(%dma_start3A_281 : memref<4096xf32, #tpu.memory_space<vmem_shared>>) target(%dma_start3A_280 : memref<4096xf32, #tpu.memory_space<hbm>>) target_semaphore(%run_scoped3A_279 : memref<!tpu.dma_semaphore, #tpu.memory_space<semaphore_mem>>)
      %dma_wait3A_282 = tpu.memref_slice %arg6[%arg0, %add3A_270] : memref<2x1310720xf32, #tpu.memory_space<hbm>> -> memref<1x4096xf32, #tpu.memory_space<hbm>>
      %dma_wait3A_283 = tpu.memref_squeeze %dma_wait3A_282 : memref<1x4096xf32, #tpu.memory_space<hbm>> -> memref<4096xf32, #tpu.memory_space<hbm>>
      %dma_wait3A_284 = tpu.memref_slice %arg14[%add3A_266] : memref<1310720xf32, #tpu.memory_space<vmem_shared>> -> memref<4096xf32, #tpu.memory_space<vmem_shared>>
      tpu.wait_dma2 semaphore(%run_scoped3A_279 : memref<!tpu.dma_semaphore, #tpu.memory_space<semaphore_mem>>) src(%dma_wait3A_284 : memref<4096xf32, #tpu.memory_space<vmem_shared>>) dst(%dma_wait3A_283 : memref<4096xf32, #tpu.memory_space<hbm>>)
      tpu.yield
    }) : () -> ()
    %mul3A_271 = arith.constant 81920 : i32
    %mul3A_272 = arith.muli %arg1, %mul3A_271 : i32
    %add3A_273 = arith.constant 77824 : i32
    %add3A_274 = arith.addi %mul3A_272, %add3A_273 : i32
    %mul3A_275 = arith.constant 81920 : i32
    %mul3A_276 = arith.muli %arg1, %mul3A_275 : i32
    %add3A_277 = arith.constant 77824 : i32
    %add3A_278 = arith.addi %mul3A_276, %add3A_277 : i32
    "tpu.region"() ({
      %run_scoped3A_279 = tpu.sem_alloc : memref<!tpu.dma_semaphore, #tpu.memory_space<semaphore_mem>>
      %dma_start3A = tpu.memref_slice %arg6[%arg0, %add3A_278] : memref<2x1310720xf32, #tpu.memory_space<hbm>> -> memref<1x4096xf32, #tpu.memory_space<hbm>>
      %dma_start3A_280 = tpu.memref_squeeze %dma_start3A : memref<1x4096xf32, #tpu.memory_space<hbm>> -> memref<4096xf32, #tpu.memory_space<hbm>>
      %dma_start3A_281 = tpu.memref_slice %arg14[%add3A_274] : memref<1310720xf32, #tpu.memory_space<vmem_shared>> -> memref<4096xf32, #tpu.memory_space<vmem_shared>>
      tpu.enqueue_dma source(%dma_start3A_281 : memref<4096xf32, #tpu.memory_space<vmem_shared>>) target(%dma_start3A_280 : memref<4096xf32, #tpu.memory_space<hbm>>) target_semaphore(%run_scoped3A_279 : memref<!tpu.dma_semaphore, #tpu.memory_space<semaphore_mem>>)
      %dma_wait3A_282 = tpu.memref_slice %arg6[%arg0, %add3A_278] : memref<2x1310720xf32, #tpu.memory_space<hbm>> -> memref<1x4096xf32, #tpu.memory_space<hbm>>
      %dma_wait3A_283 = tpu.memref_squeeze %dma_wait3A_282 : memref<1x4096xf32, #tpu.memory_space<hbm>> -> memref<4096xf32, #tpu.memory_space<hbm>>
      %dma_wait3A_284 = tpu.memref_slice %arg14[%add3A_274] : memref<1310720xf32, #tpu.memory_space<vmem_shared>> -> memref<4096xf32, #tpu.memory_space<vmem_shared>>
      tpu.wait_dma2 semaphore(%run_scoped3A_279 : memref<!tpu.dma_semaphore, #tpu.memory_space<semaphore_mem>>) src(%dma_wait3A_284 : memref<4096xf32, #tpu.memory_space<vmem_shared>>) dst(%dma_wait3A_283 : memref<4096xf32, #tpu.memory_space<hbm>>)
      tpu.yield
    }) : () -> ()
    return
  }
}

#map = affine_map<(d0, d1) -> (0, 0, 0)>
#map1 = affine_map<(d0, d1) -> (0, 0)>
module attributes {stable_mosaic.version = 14 : i64} {
  func.func @_sc_degree(%arg0: i32, %arg1: i32, %arg2: memref<32x125x80xi32, #tpu.memory_space<hbm>>, %arg3: memref<32x4x80xi32, #tpu.memory_space<hbm>>, %arg4: memref<2x10240xf32, #tpu.memory_space<hbm>>, %arg5: memref<2x136xf32, #tpu.memory_space<hbm>>, %arg6: memref<125x80xi32, #tpu.memory_space<vmem>>, %arg7: memref<4x80xi32, #tpu.memory_space<vmem>>, %arg8: memref<640xf32, #tpu.memory_space<vmem>>, %arg9: memref<80xf32, #tpu.memory_space<vmem>>, %arg10: memref<10240xf32, #tpu.memory_space<vmem_shared>>, %arg11: memref<136xf32, #tpu.memory_space<vmem_shared>>) attributes {dimension_semantics = [#tpu.dimension_semantics<core_parallel>, #tpu.dimension_semantics<subcore_parallel>], iteration_bounds = array<i64: 2, 16>, scalar_prefetch = 0 : i64, scratch_operands = 6 : i64, tpu.core_type = #tpu.core_type<sc_vector_subcore>, window_params = [{transform_indices = #map}, {transform_indices = #map}, {transform_indices = #map1}, {transform_indices = #map1}]} {
    %mul3A = arith.constant 2 : i32
    %mul3A_0 = arith.muli %arg1, %mul3A : i32
    %add3A = arith.addi %mul3A_0, %arg0 : i32
    %scan3A = arith.constant 0 : i32
    %scan3A_1 = arith.constant 0 : i32
    %scan3A_2 = arith.constant 40 : i32
    %scan3A_3 = arith.addi %scan3A_1, %scan3A_2 : i32
    %scan3A_4 = arith.constant 1 : i32
    scf.for %scan3A_50 = %scan3A_1 to %scan3A_3 step %scan3A_4  : i32 {
      %broadcast_in_dim3A_51 = arith.constant 0.000000e+00 : f32
      %broadcast_in_dim3A_52 = vector.broadcast %broadcast_in_dim3A_51 : f32 to vector<16xf32>
      %mul3A_53 = arith.constant 16 : i32
      %mul3A_54 = arith.muli %scan3A_50, %mul3A_53 : i32
      %swap3A_55 = arith.index_cast %mul3A_54 : i32 to index
      %swap3A_56 = tpu.vector_load %arg8[%swap3A_55] {strides = array<i32>} : memref<640xf32, #tpu.memory_space<vmem>>, vector<16xf32>,
      tpu.vector_store %arg8[%swap3A_55], %broadcast_in_dim3A_52 {strides = array<i32>} : memref<640xf32, #tpu.memory_space<vmem>>, vector<16xf32>,
    }
    %scan3A_5 = arith.constant 40 : i32
    %broadcast_in_dim3A = arith.constant 1.000000e+00 : f32
    %broadcast_in_dim3A_6 = vector.broadcast %broadcast_in_dim3A : f32 to vector<16xf32>
    %swap3A = arith.constant 0 : index
    %swap3A_7 = tpu.vector_load %arg9[%swap3A] {strides = array<i32>} : memref<80xf32, #tpu.memory_space<vmem>>, vector<16xf32>,
    tpu.vector_store %arg9[%swap3A], %broadcast_in_dim3A_6 {strides = array<i32>} : memref<80xf32, #tpu.memory_space<vmem>>, vector<16xf32>,
    %broadcast_in_dim3A_8 = arith.constant 1.000000e+00 : f32
    %broadcast_in_dim3A_9 = vector.broadcast %broadcast_in_dim3A_8 : f32 to vector<16xf32>
    %swap3A_10 = arith.constant 16 : index
    %swap3A_11 = tpu.vector_load %arg9[%swap3A_10] {strides = array<i32>} : memref<80xf32, #tpu.memory_space<vmem>>, vector<16xf32>,
    tpu.vector_store %arg9[%swap3A_10], %broadcast_in_dim3A_9 {strides = array<i32>} : memref<80xf32, #tpu.memory_space<vmem>>, vector<16xf32>,
    %broadcast_in_dim3A_12 = arith.constant 1.000000e+00 : f32
    %broadcast_in_dim3A_13 = vector.broadcast %broadcast_in_dim3A_12 : f32 to vector<16xf32>
    %swap3A_14 = arith.constant 32 : index
    %swap3A_15 = tpu.vector_load %arg9[%swap3A_14] {strides = array<i32>} : memref<80xf32, #tpu.memory_space<vmem>>, vector<16xf32>,
    tpu.vector_store %arg9[%swap3A_14], %broadcast_in_dim3A_13 {strides = array<i32>} : memref<80xf32, #tpu.memory_space<vmem>>, vector<16xf32>,
    %broadcast_in_dim3A_16 = arith.constant 1.000000e+00 : f32
    %broadcast_in_dim3A_17 = vector.broadcast %broadcast_in_dim3A_16 : f32 to vector<16xf32>
    %swap3A_18 = arith.constant 48 : index
    %swap3A_19 = tpu.vector_load %arg9[%swap3A_18] {strides = array<i32>} : memref<80xf32, #tpu.memory_space<vmem>>, vector<16xf32>,
    tpu.vector_store %arg9[%swap3A_18], %broadcast_in_dim3A_17 {strides = array<i32>} : memref<80xf32, #tpu.memory_space<vmem>>, vector<16xf32>,
    %broadcast_in_dim3A_20 = arith.constant 1.000000e+00 : f32
    %broadcast_in_dim3A_21 = vector.broadcast %broadcast_in_dim3A_20 : f32 to vector<16xf32>
    %swap3A_22 = arith.constant 64 : index
    %swap3A_23 = tpu.vector_load %arg9[%swap3A_22] {strides = array<i32>} : memref<80xf32, #tpu.memory_space<vmem>>, vector<16xf32>,
    tpu.vector_store %arg9[%swap3A_22], %broadcast_in_dim3A_21 {strides = array<i32>} : memref<80xf32, #tpu.memory_space<vmem>>, vector<16xf32>,
    %mul3A_24 = arith.constant 640 : i32
    %mul3A_25 = arith.muli %arg1, %mul3A_24 : i32
    "tpu.region"() ({
      %run_scoped3A = tpu.sem_alloc : memref<!tpu.dma_semaphore, #tpu.memory_space<semaphore_mem>>
      %dma_start3A = tpu.memref_slice %arg10[%mul3A_25] : memref<10240xf32, #tpu.memory_space<vmem_shared>> -> memref<640xf32, #tpu.memory_space<vmem_shared>>
      %dma_start3A_50 = tpu.memref_slice %arg10[%mul3A_25] : memref<10240xf32, #tpu.memory_space<vmem_shared>> -> memref<640xf32, #tpu.memory_space<vmem_shared>>
      tpu.enqueue_dma source(%arg8 : memref<640xf32, #tpu.memory_space<vmem>>) target(%dma_start3A_50 : memref<640xf32, #tpu.memory_space<vmem_shared>>) target_semaphore(%run_scoped3A : memref<!tpu.dma_semaphore, #tpu.memory_space<semaphore_mem>>)
      %dma_wait3A = tpu.memref_slice %arg10[%mul3A_25] : memref<10240xf32, #tpu.memory_space<vmem_shared>> -> memref<640xf32, #tpu.memory_space<vmem_shared>>
      %dma_wait3A_51 = tpu.memref_slice %arg10[%mul3A_25] : memref<10240xf32, #tpu.memory_space<vmem_shared>> -> memref<640xf32, #tpu.memory_space<vmem_shared>>
      tpu.wait_dma2 semaphore(%run_scoped3A : memref<!tpu.dma_semaphore, #tpu.memory_space<semaphore_mem>>) src(%arg8 : memref<640xf32, #tpu.memory_space<vmem>>) dst(%dma_wait3A_51 : memref<640xf32, #tpu.memory_space<vmem_shared>>)
      tpu.yield
    }) : () -> ()
    %eq3A = arith.constant 0 : i32
    %eq3A_26 = arith.cmpi eq, %arg1, %eq3A : i32
    %convert_element_type3A = arith.extui %eq3A_26 : i1 to i32
    %cond3A = arith.constant 0 : i32
    %cond3A_27 = arith.cmpi ne, %convert_element_type3A, %cond3A : i32
    scf.if %cond3A_27 {
      "tpu.region"() ({
        %run_scoped3A = tpu.sem_alloc : memref<!tpu.dma_semaphore, #tpu.memory_space<semaphore_mem>>
        %dma_start3A = arith.constant 0 : i32
        %dma_start3A_50 = tpu.memref_slice %arg8[%dma_start3A] : memref<640xf32, #tpu.memory_space<vmem>> -> memref<136xf32, #tpu.memory_space<vmem>>
        %dma_start3A_51 = arith.constant 0 : i32
        %dma_start3A_52 = tpu.memref_slice %arg8[%dma_start3A_51] : memref<640xf32, #tpu.memory_space<vmem>> -> memref<136xf32, #tpu.memory_space<vmem>>
        tpu.enqueue_dma source(%dma_start3A_52 : memref<136xf32, #tpu.memory_space<vmem>>) target(%arg11 : memref<136xf32, #tpu.memory_space<vmem_shared>>) target_semaphore(%run_scoped3A : memref<!tpu.dma_semaphore, #tpu.memory_space<semaphore_mem>>)
        %dma_wait3A = arith.constant 0 : i32
        %dma_wait3A_53 = tpu.memref_slice %arg8[%dma_wait3A] : memref<640xf32, #tpu.memory_space<vmem>> -> memref<136xf32, #tpu.memory_space<vmem>>
        %dma_wait3A_54 = arith.constant 0 : i32
        %dma_wait3A_55 = tpu.memref_slice %arg8[%dma_wait3A_54] : memref<640xf32, #tpu.memory_space<vmem>> -> memref<136xf32, #tpu.memory_space<vmem>>
        tpu.wait_dma2 semaphore(%run_scoped3A : memref<!tpu.dma_semaphore, #tpu.memory_space<semaphore_mem>>) src(%dma_wait3A_55 : memref<136xf32, #tpu.memory_space<vmem>>) dst(%arg11 : memref<136xf32, #tpu.memory_space<vmem_shared>>)
        tpu.yield
      }) : () -> ()
    } else {
    }
    "tpu.region"() ({
      %run_scoped3A = tpu.sem_alloc : memref<!tpu.dma_semaphore, #tpu.memory_space<semaphore_mem>>
      %dma_start3A = arith.constant 0 : i32
      %dma_start3A_50 = arith.constant 0 : i32
      %dma_start3A_51 = tpu.memref_slice %arg2[%add3A, %dma_start3A, %dma_start3A_50] : memref<32x125x80xi32, #tpu.memory_space<hbm>> -> memref<1x125x80xi32, #tpu.memory_space<hbm>>
      %dma_start3A_52 = tpu.memref_squeeze %dma_start3A_51 : memref<1x125x80xi32, #tpu.memory_space<hbm>> -> memref<125x80xi32, #tpu.memory_space<hbm>>
      %dma_start3A_53 = arith.constant 0 : i32
      %dma_start3A_54 = arith.constant 0 : i32
      %dma_start3A_55 = tpu.memref_slice %arg2[%add3A, %dma_start3A_53, %dma_start3A_54] : memref<32x125x80xi32, #tpu.memory_space<hbm>> -> memref<1x125x80xi32, #tpu.memory_space<hbm>>
      %dma_start3A_56 = tpu.memref_squeeze %dma_start3A_55 : memref<1x125x80xi32, #tpu.memory_space<hbm>> -> memref<125x80xi32, #tpu.memory_space<hbm>>
      tpu.enqueue_dma source(%dma_start3A_56 : memref<125x80xi32, #tpu.memory_space<hbm>>) target(%arg6 : memref<125x80xi32, #tpu.memory_space<vmem>>) target_semaphore(%run_scoped3A : memref<!tpu.dma_semaphore, #tpu.memory_space<semaphore_mem>>)
      %dma_wait3A = arith.constant 0 : i32
      %dma_wait3A_57 = arith.constant 0 : i32
      %dma_wait3A_58 = tpu.memref_slice %arg2[%add3A, %dma_wait3A, %dma_wait3A_57] : memref<32x125x80xi32, #tpu.memory_space<hbm>> -> memref<1x125x80xi32, #tpu.memory_space<hbm>>
      %dma_wait3A_59 = tpu.memref_squeeze %dma_wait3A_58 : memref<1x125x80xi32, #tpu.memory_space<hbm>> -> memref<125x80xi32, #tpu.memory_space<hbm>>
      %dma_wait3A_60 = arith.constant 0 : i32
      %dma_wait3A_61 = arith.constant 0 : i32
      %dma_wait3A_62 = tpu.memref_slice %arg2[%add3A, %dma_wait3A_60, %dma_wait3A_61] : memref<32x125x80xi32, #tpu.memory_space<hbm>> -> memref<1x125x80xi32, #tpu.memory_space<hbm>>
      %dma_wait3A_63 = tpu.memref_squeeze %dma_wait3A_62 : memref<1x125x80xi32, #tpu.memory_space<hbm>> -> memref<125x80xi32, #tpu.memory_space<hbm>>
      tpu.wait_dma2 semaphore(%run_scoped3A : memref<!tpu.dma_semaphore, #tpu.memory_space<semaphore_mem>>) src(%dma_wait3A_63 : memref<125x80xi32, #tpu.memory_space<hbm>>) dst(%arg6 : memref<125x80xi32, #tpu.memory_space<vmem>>)
      tpu.yield
    }) : () -> ()
    "tpu.region"() ({
      %run_scoped3A = tpu.sem_alloc : memref<!tpu.dma_semaphore, #tpu.memory_space<semaphore_mem>>
      %dma_start3A = arith.constant 0 : i32
      %dma_start3A_50 = arith.constant 0 : i32
      %dma_start3A_51 = tpu.memref_slice %arg3[%add3A, %dma_start3A, %dma_start3A_50] : memref<32x4x80xi32, #tpu.memory_space<hbm>> -> memref<1x4x80xi32, #tpu.memory_space<hbm>>
      %dma_start3A_52 = tpu.memref_squeeze %dma_start3A_51 : memref<1x4x80xi32, #tpu.memory_space<hbm>> -> memref<4x80xi32, #tpu.memory_space<hbm>>
      %dma_start3A_53 = arith.constant 0 : i32
      %dma_start3A_54 = arith.constant 0 : i32
      %dma_start3A_55 = tpu.memref_slice %arg3[%add3A, %dma_start3A_53, %dma_start3A_54] : memref<32x4x80xi32, #tpu.memory_space<hbm>> -> memref<1x4x80xi32, #tpu.memory_space<hbm>>
      %dma_start3A_56 = tpu.memref_squeeze %dma_start3A_55 : memref<1x4x80xi32, #tpu.memory_space<hbm>> -> memref<4x80xi32, #tpu.memory_space<hbm>>
      tpu.enqueue_dma source(%dma_start3A_56 : memref<4x80xi32, #tpu.memory_space<hbm>>) target(%arg7 : memref<4x80xi32, #tpu.memory_space<vmem>>) target_semaphore(%run_scoped3A : memref<!tpu.dma_semaphore, #tpu.memory_space<semaphore_mem>>)
      %dma_wait3A = arith.constant 0 : i32
      %dma_wait3A_57 = arith.constant 0 : i32
      %dma_wait3A_58 = tpu.memref_slice %arg3[%add3A, %dma_wait3A, %dma_wait3A_57] : memref<32x4x80xi32, #tpu.memory_space<hbm>> -> memref<1x4x80xi32, #tpu.memory_space<hbm>>
      %dma_wait3A_59 = tpu.memref_squeeze %dma_wait3A_58 : memref<1x4x80xi32, #tpu.memory_space<hbm>> -> memref<4x80xi32, #tpu.memory_space<hbm>>
      %dma_wait3A_60 = arith.constant 0 : i32
      %dma_wait3A_61 = arith.constant 0 : i32
      %dma_wait3A_62 = tpu.memref_slice %arg3[%add3A, %dma_wait3A_60, %dma_wait3A_61] : memref<32x4x80xi32, #tpu.memory_space<hbm>> -> memref<1x4x80xi32, #tpu.memory_space<hbm>>
      %dma_wait3A_63 = tpu.memref_squeeze %dma_wait3A_62 : memref<1x4x80xi32, #tpu.memory_space<hbm>> -> memref<4x80xi32, #tpu.memory_space<hbm>>
      tpu.wait_dma2 semaphore(%run_scoped3A : memref<!tpu.dma_semaphore, #tpu.memory_space<semaphore_mem>>) src(%dma_wait3A_63 : memref<4x80xi32, #tpu.memory_space<hbm>>) dst(%arg7 : memref<4x80xi32, #tpu.memory_space<vmem>>)
      tpu.yield
    }) : () -> ()
    %barrier3A = arith.constant 0 : index
    tpu.barrier barrier_id(%barrier3A)
    %scan3A_28 = arith.constant 0 : i32
    %scan3A_29 = arith.constant 0 : i32
    %scan3A_30 = arith.constant 125 : i32
    %scan3A_31 = arith.addi %scan3A_29, %scan3A_30 : i32
    %scan3A_32 = arith.constant 1 : i32
    scf.for %scan3A_50 = %scan3A_29 to %scan3A_31 step %scan3A_32  : i32 {
      "tpu.region"() ({
        %run_scoped3A = tpu.sem_alloc : memref<!tpu.dma_semaphore, #tpu.memory_space<semaphore_mem>>
        %dma_start3A = arith.constant 0 : i32
        %dma_start3A_51 = tpu.memref_slice %arg6[%scan3A_50, %dma_start3A] : memref<125x80xi32, #tpu.memory_space<vmem>> -> memref<1x80xi32, #tpu.memory_space<vmem>>
        %dma_start3A_52 = tpu.memref_squeeze %dma_start3A_51 : memref<1x80xi32, #tpu.memory_space<vmem>> -> memref<80xi32, #tpu.memory_space<vmem>>
        %dma_start3A_53 = arith.constant 0 : i32
        %dma_start3A_54 = tpu.memref_slice %arg10[%dma_start3A_53] : memref<10240xf32, #tpu.memory_space<vmem_shared>> -> memref<10240xf32, #tpu.memory_space<vmem_shared>>
        tpu.enqueue_indirect_dma source(%arg9 : memref<80xf32, #tpu.memory_space<vmem>>) target(%dma_start3A_54 : memref<10240xf32, #tpu.memory_space<vmem_shared>>) offsets(%dma_start3A_52 : memref<80xi32, #tpu.memory_space<vmem>>) semaphore(%run_scoped3A : memref<!tpu.dma_semaphore, #tpu.memory_space<semaphore_mem>>) {add = true}
        %dma_wait3A = arith.constant 0 : i32
        %dma_wait3A_55 = tpu.memref_slice %arg6[%scan3A_50, %dma_wait3A] : memref<125x80xi32, #tpu.memory_space<vmem>> -> memref<1x80xi32, #tpu.memory_space<vmem>>
        %dma_wait3A_56 = tpu.memref_squeeze %dma_wait3A_55 : memref<1x80xi32, #tpu.memory_space<vmem>> -> memref<80xi32, #tpu.memory_space<vmem>>
        %dma_wait3A_57 = arith.constant 0 : i32
        %dma_wait3A_58 = tpu.memref_slice %arg10[%dma_wait3A_57] : memref<10240xf32, #tpu.memory_space<vmem_shared>> -> memref<10240xf32, #tpu.memory_space<vmem_shared>>
        tpu.wait_indirect_dma semaphore(%run_scoped3A : memref<!tpu.dma_semaphore, #tpu.memory_space<semaphore_mem>>) src(%arg9 : memref<80xf32, #tpu.memory_space<vmem>>) dst(%dma_wait3A_58 : memref<10240xf32, #tpu.memory_space<vmem_shared>>)
        tpu.yield
      }) : () -> ()
    }
    %scan3A_33 = arith.constant 125 : i32
    %scan3A_34 = arith.constant 0 : i32
    %scan3A_35 = arith.constant 0 : i32
    %scan3A_36 = arith.constant 4 : i32
    %scan3A_37 = arith.addi %scan3A_35, %scan3A_36 : i32
    %scan3A_38 = arith.constant 1 : i32
    scf.for %scan3A_50 = %scan3A_35 to %scan3A_37 step %scan3A_38  : i32 {
      "tpu.region"() ({
        %run_scoped3A = tpu.sem_alloc : memref<!tpu.dma_semaphore, #tpu.memory_space<semaphore_mem>>
        %dma_start3A = arith.constant 0 : i32
        %dma_start3A_51 = tpu.memref_slice %arg7[%scan3A_50, %dma_start3A] : memref<4x80xi32, #tpu.memory_space<vmem>> -> memref<1x80xi32, #tpu.memory_space<vmem>>
        %dma_start3A_52 = tpu.memref_squeeze %dma_start3A_51 : memref<1x80xi32, #tpu.memory_space<vmem>> -> memref<80xi32, #tpu.memory_space<vmem>>
        %dma_start3A_53 = arith.constant 0 : i32
        %dma_start3A_54 = tpu.memref_slice %arg11[%dma_start3A_53] : memref<136xf32, #tpu.memory_space<vmem_shared>> -> memref<136xf32, #tpu.memory_space<vmem_shared>>
        tpu.enqueue_indirect_dma source(%arg9 : memref<80xf32, #tpu.memory_space<vmem>>) target(%dma_start3A_54 : memref<136xf32, #tpu.memory_space<vmem_shared>>) offsets(%dma_start3A_52 : memref<80xi32, #tpu.memory_space<vmem>>) semaphore(%run_scoped3A : memref<!tpu.dma_semaphore, #tpu.memory_space<semaphore_mem>>) {add = true}
        %dma_wait3A = arith.constant 0 : i32
        %dma_wait3A_55 = tpu.memref_slice %arg7[%scan3A_50, %dma_wait3A] : memref<4x80xi32, #tpu.memory_space<vmem>> -> memref<1x80xi32, #tpu.memory_space<vmem>>
        %dma_wait3A_56 = tpu.memref_squeeze %dma_wait3A_55 : memref<1x80xi32, #tpu.memory_space<vmem>> -> memref<80xi32, #tpu.memory_space<vmem>>
        %dma_wait3A_57 = arith.constant 0 : i32
        %dma_wait3A_58 = tpu.memref_slice %arg11[%dma_wait3A_57] : memref<136xf32, #tpu.memory_space<vmem_shared>> -> memref<136xf32, #tpu.memory_space<vmem_shared>>
        tpu.wait_indirect_dma semaphore(%run_scoped3A : memref<!tpu.dma_semaphore, #tpu.memory_space<semaphore_mem>>) src(%arg9 : memref<80xf32, #tpu.memory_space<vmem>>) dst(%dma_wait3A_58 : memref<136xf32, #tpu.memory_space<vmem_shared>>)
        tpu.yield
      }) : () -> ()
    }
    %scan3A_39 = arith.constant 4 : i32
    %barrier3A_40 = arith.constant 0 : index
    tpu.barrier barrier_id(%barrier3A_40)
    %mul3A_41 = arith.constant 640 : i32
    %mul3A_42 = arith.muli %arg1, %mul3A_41 : i32
    %mul3A_43 = arith.constant 640 : i32
    %mul3A_44 = arith.muli %arg1, %mul3A_43 : i32
    "tpu.region"() ({
      %run_scoped3A = tpu.sem_alloc : memref<!tpu.dma_semaphore, #tpu.memory_space<semaphore_mem>>
      %dma_start3A = tpu.memref_slice %arg4[%arg0, %mul3A_44] : memref<2x10240xf32, #tpu.memory_space<hbm>> -> memref<1x640xf32, #tpu.memory_space<hbm>>
      %dma_start3A_50 = tpu.memref_squeeze %dma_start3A : memref<1x640xf32, #tpu.memory_space<hbm>> -> memref<640xf32, #tpu.memory_space<hbm>>
      %dma_start3A_51 = tpu.memref_slice %arg10[%mul3A_42] : memref<10240xf32, #tpu.memory_space<vmem_shared>> -> memref<640xf32, #tpu.memory_space<vmem_shared>>
      tpu.enqueue_dma source(%dma_start3A_51 : memref<640xf32, #tpu.memory_space<vmem_shared>>) target(%dma_start3A_50 : memref<640xf32, #tpu.memory_space<hbm>>) target_semaphore(%run_scoped3A : memref<!tpu.dma_semaphore, #tpu.memory_space<semaphore_mem>>)
      %dma_wait3A = tpu.memref_slice %arg4[%arg0, %mul3A_44] : memref<2x10240xf32, #tpu.memory_space<hbm>> -> memref<1x640xf32, #tpu.memory_space<hbm>>
      %dma_wait3A_52 = tpu.memref_squeeze %dma_wait3A : memref<1x640xf32, #tpu.memory_space<hbm>> -> memref<640xf32, #tpu.memory_space<hbm>>
      %dma_wait3A_53 = tpu.memref_slice %arg10[%mul3A_42] : memref<10240xf32, #tpu.memory_space<vmem_shared>> -> memref<640xf32, #tpu.memory_space<vmem_shared>>
      tpu.wait_dma2 semaphore(%run_scoped3A : memref<!tpu.dma_semaphore, #tpu.memory_space<semaphore_mem>>) src(%dma_wait3A_53 : memref<640xf32, #tpu.memory_space<vmem_shared>>) dst(%dma_wait3A_52 : memref<640xf32, #tpu.memory_space<hbm>>)
      tpu.yield
    }) : () -> ()
    %eq3A_45 = arith.constant 0 : i32
    %eq3A_46 = arith.cmpi eq, %arg1, %eq3A_45 : i32
    %convert_element_type3A_47 = arith.extui %eq3A_46 : i1 to i32
    %cond3A_48 = arith.constant 0 : i32
    %cond3A_49 = arith.cmpi ne, %convert_element_type3A_47, %cond3A_48 : i32
    scf.if %cond3A_49 {
      "tpu.region"() ({
        %run_scoped3A = tpu.sem_alloc : memref<!tpu.dma_semaphore, #tpu.memory_space<semaphore_mem>>
        %dma_start3A = arith.constant 0 : i32
        %dma_start3A_50 = tpu.memref_slice %arg5[%arg0, %dma_start3A] : memref<2x136xf32, #tpu.memory_space<hbm>> -> memref<1x136xf32, #tpu.memory_space<hbm>>
        %dma_start3A_51 = tpu.memref_squeeze %dma_start3A_50 : memref<1x136xf32, #tpu.memory_space<hbm>> -> memref<136xf32, #tpu.memory_space<hbm>>
        tpu.enqueue_dma source(%arg11 : memref<136xf32, #tpu.memory_space<vmem_shared>>) target(%dma_start3A_51 : memref<136xf32, #tpu.memory_space<hbm>>) target_semaphore(%run_scoped3A : memref<!tpu.dma_semaphore, #tpu.memory_space<semaphore_mem>>)
        %dma_wait3A = arith.constant 0 : i32
        %dma_wait3A_52 = tpu.memref_slice %arg5[%arg0, %dma_wait3A] : memref<2x136xf32, #tpu.memory_space<hbm>> -> memref<1x136xf32, #tpu.memory_space<hbm>>
        %dma_wait3A_53 = tpu.memref_squeeze %dma_wait3A_52 : memref<1x136xf32, #tpu.memory_space<hbm>> -> memref<136xf32, #tpu.memory_space<hbm>>
        tpu.wait_dma2 semaphore(%run_scoped3A : memref<!tpu.dma_semaphore, #tpu.memory_space<semaphore_mem>>) src(%arg11 : memref<136xf32, #tpu.memory_space<vmem_shared>>) dst(%dma_wait3A_53 : memref<136xf32, #tpu.memory_space<hbm>>)
        tpu.yield
      }) : () -> ()
    } else {
    }
    return
  }
}

module attributes {stable_mosaic.version = 14 : i64} {
  func.func @_tc1_body(%arg0: i32, %arg1: memref<1024x128xf32, #tpu.memory_space<vmem>>, %arg2: memref<128x128xf32, #tpu.memory_space<vmem>>, %arg3: memref<2x1024xf32, #tpu.memory_space<vmem>>, %arg4: memref<1024x128xf32, #tpu.memory_space<vmem>>, %arg5: memref<1x1024xf32, #tpu.memory_space<vmem>>) attributes {dimension_semantics = [#tpu.dimension_semantics<arbitrary>], iteration_bounds = array<i64: 10>, scalar_prefetch = 0 : i64, scratch_operands = 0 : i64, tpu.core_type = #tpu.core_type<tc>, window_params = [{transform_indices = @transform_0, window_bounds = array<i64: 1024, 128>}, {pipeline_mode = #tpu.pipeline_mode<synchronous>, transform_indices = @transform_1, window_bounds = array<i64: 128, 128>}, {transform_indices = @transform_2, window_bounds = array<i64: 2, 1024>}, {transform_indices = @transform_3, window_bounds = array<i64: 1024, 128>}, {transform_indices = @transform_4, window_bounds = array<i64: 1, 1024>}]} {
    %get3A = arith.constant 0 : index
    %get3A_0 = arith.constant 0 : index
    %get3A_1 = vector.load %arg3[%get3A, %get3A_0] : memref<2x1024xf32, #tpu.memory_space<vmem>>, vector<1x1024xf32>
    %get3A_2 = arith.constant 1 : index
    %get3A_3 = arith.constant 0 : index
    %get3A_4 = vector.load %arg3[%get3A_2, %get3A_3] : memref<2x1024xf32, #tpu.memory_space<vmem>>, vector<1x1024xf32>
    %add3A = arith.addf %get3A_1, %get3A_4 : vector<1x1024xf32>
    %gt3A = arith.constant 0.000000e+00 : f32
    %gt3A_5 = vector.broadcast %gt3A : f32 to vector<1x1024xf32>
    %gt3A_6 = arith.cmpf ogt, %add3A, %gt3A_5 : vector<1x1024xf32>
    %rsqrt3A = math.rsqrt %add3A : vector<1x1024xf32>
    %jit3A = arith.constant 0.000000e+00 : f32
    %broadcast_in_dim3A = vector.broadcast %jit3A : f32 to vector<1x1024xf32>
    %select_n3A = arith.select %gt3A_6, %rsqrt3A, %broadcast_in_dim3A : vector<1x1024xi1>, vector<1x1024xf32>
    %get3A_7 = arith.constant 0 : index
    %get3A_8 = arith.constant 0 : index
    %get3A_9 = vector.load %arg1[%get3A_7, %get3A_8] : memref<1024x128xf32, #tpu.memory_space<vmem>>, vector<1024x128xf32>
    %get3A_10 = arith.constant 0 : index
    %get3A_11 = arith.constant 0 : index
    %get3A_12 = vector.load %arg2[%get3A_10, %get3A_11] : memref<128x128xf32, #tpu.memory_space<vmem>>, vector<128x128xf32>
    %dot_general3A = arith.constant dense<0.000000e+00> : vector<1024x128xf32>
    %dot_general3A_13 = tpu.matmul %get3A_9, %get3A_12, %dot_general3A {dimension_numbers = #tpu.dot_dimension_numbers<[1], [0], [0], [1], [0, 0, 1, 1], [], []>, transpose_lhs_hint = false} : vector<1024x128xf32>, vector<128x128xf32>, vector<1024x128xf32> -> vector<1024x128xf32>
    %reshape3A = vector.shape_cast %select_n3A : vector<1x1024xf32> to vector<1024x1xf32>
    %mul3A = vector.broadcast %reshape3A : vector<1024x1xf32> to vector<1024x128xf32>
    %mul3A_14 = arith.mulf %dot_general3A_13, %mul3A : vector<1024x128xf32>
    %swap3A = arith.constant 0 : index
    %swap3A_15 = arith.constant 0 : index
    %swap3A_16 = vector.load %arg4[%swap3A, %swap3A_15] : memref<1024x128xf32, #tpu.memory_space<vmem>>, vector<1024x128xf32>
    tpu.vector_store %arg4[%swap3A, %swap3A_15], %mul3A_14 {strides = array<i32>} : memref<1024x128xf32, #tpu.memory_space<vmem>>, vector<1024x128xf32>,
    %swap3A_17 = arith.constant 0 : index
    %swap3A_18 = arith.constant 0 : index
    %swap3A_19 = vector.load %arg5[%swap3A_17, %swap3A_18] : memref<1x1024xf32, #tpu.memory_space<vmem>>, vector<1x1024xf32>
    tpu.vector_store %arg5[%swap3A_17, %swap3A_18], %select_n3A {strides = array<i32>} : memref<1x1024xf32, #tpu.memory_space<vmem>>, vector<1x1024xf32>,
    return
  }
  func.func @transform_0(%arg0: i32) -> (i32, i32) {
    %c0_i32 = arith.constant 0 : i32
    %c0_i32_0 = arith.constant 0 : i32
    return %arg0, %c0_i32 : i32, i32
  }
  func.func @transform_1(%arg0: i32) -> (i32, i32) {
    %c0_i32 = arith.constant 0 : i32
    %c0_i32_0 = arith.constant 0 : i32
    %c0_i32_1 = arith.constant 0 : i32
    return %c0_i32, %c0_i32_0 : i32, i32
  }
  func.func @transform_2(%arg0: i32) -> (i32, i32) {
    %c0_i32 = arith.constant 0 : i32
    %c0_i32_0 = arith.constant 0 : i32
    return %c0_i32, %arg0 : i32, i32
  }
  func.func @transform_3(%arg0: i32) -> (i32, i32) {
    %c0_i32 = arith.constant 0 : i32
    %c0_i32_0 = arith.constant 0 : i32
    return %arg0, %c0_i32 : i32, i32
  }
  func.func @transform_4(%arg0: i32) -> (i32, i32) {
    %c0_i32 = arith.constant 0 : i32
    %c0_i32_0 = arith.constant 0 : i32
    return %c0_i32, %arg0 : i32, i32
  }
}

module attributes {stable_mosaic.version = 14 : i64} {
  func.func @_tc2_body(%arg0: i32, %arg1: memref<2x1024x128xf32, #tpu.memory_space<vmem>>, %arg2: memref<1x1024xf32, #tpu.memory_space<vmem>>, %arg3: memref<2x128x1024xf32, #tpu.memory_space<vmem>>, %arg4: memref<2x136xf32, #tpu.memory_space<vmem>>, %arg5: memref<128x128xf32, #tpu.memory_space<vmem>>, %arg6: memref<128x64xf32, #tpu.memory_space<vmem>>, %arg7: memref<1x128xf32, #tpu.memory_space<vmem>>, %arg8: memref<1x128xf32, #tpu.memory_space<vmem>>, %arg9: memref<1x64xf32, #tpu.memory_space<vmem>>, %arg10: memref<128x64xf32, #tpu.memory_space<vmem>>, %arg11: memref<128x128xf32, #tpu.memory_space<vmem>>) attributes {dimension_semantics = [#tpu.dimension_semantics<arbitrary>], iteration_bounds = array<i64: 10>, scalar_prefetch = 0 : i64, scratch_operands = 1 : i64, tpu.core_type = #tpu.core_type<tc>, window_params = [{transform_indices = @transform_0, window_bounds = array<i64: 2, 1024, 128>}, {transform_indices = @transform_1, window_bounds = array<i64: 1, 1024>}, {transform_indices = @transform_2, window_bounds = array<i64: 2, 128, 1024>}, {pipeline_mode = #tpu.pipeline_mode<synchronous>, transform_indices = @transform_3, window_bounds = array<i64: 2, 136>}, {pipeline_mode = #tpu.pipeline_mode<synchronous>, transform_indices = @transform_4, window_bounds = array<i64: 128, 128>}, {pipeline_mode = #tpu.pipeline_mode<synchronous>, transform_indices = @transform_5, window_bounds = array<i64: 128, 64>}, {pipeline_mode = #tpu.pipeline_mode<synchronous>, transform_indices = @transform_6, window_bounds = array<i64: 1, 128>}, {pipeline_mode = #tpu.pipeline_mode<synchronous>, transform_indices = @transform_7, window_bounds = array<i64: 1, 128>}, {pipeline_mode = #tpu.pipeline_mode<synchronous>, transform_indices = @transform_8, window_bounds = array<i64: 1, 64>}, {pipeline_mode = #tpu.pipeline_mode<synchronous>, transform_indices = @transform_9, window_bounds = array<i64: 128, 64>}]} {
    %eq3A = arith.constant 0 : i32
    %eq3A_0 = arith.cmpi eq, %arg0, %eq3A : i32
    %convert_element_type3A = arith.extui %eq3A_0 : i1 to i32
    %cond3A = arith.constant 0 : i32
    %cond3A_1 = arith.cmpi ne, %convert_element_type3A, %cond3A : i32
    scf.if %cond3A_1 {
      %broadcast_in_dim3A = arith.constant 0.000000e+00 : f32
      %broadcast_in_dim3A_47 = vector.broadcast %broadcast_in_dim3A : f32 to vector<128x128xf32>
      %swap3A_48 = arith.constant 0 : index
      %swap3A_49 = arith.constant 0 : index
      %swap3A_50 = vector.load %arg11[%swap3A_48, %swap3A_49] : memref<128x128xf32, #tpu.memory_space<vmem>>, vector<128x128xf32>
      tpu.vector_store %arg11[%swap3A_48, %swap3A_49], %broadcast_in_dim3A_47 {strides = array<i32>} : memref<128x128xf32, #tpu.memory_space<vmem>>, vector<128x128xf32>,
    } else {
    }
    %get3A = arith.constant 0 : index
    %get3A_2 = arith.constant 0 : index
    %get3A_3 = arith.constant 0 : index
    %get3A_4 = vector.load %arg1[%get3A, %get3A_2, %get3A_3] : memref<2x1024x128xf32, #tpu.memory_space<vmem>>, vector<1x1024x128xf32>
    %get3A_5 = vector.shape_cast %get3A_4 : vector<1x1024x128xf32> to vector<1024x128xf32>
    %get3A_6 = arith.constant 1 : index
    %get3A_7 = arith.constant 0 : index
    %get3A_8 = arith.constant 0 : index
    %get3A_9 = vector.load %arg1[%get3A_6, %get3A_7, %get3A_8] : memref<2x1024x128xf32, #tpu.memory_space<vmem>>, vector<1x1024x128xf32>
    %get3A_10 = vector.shape_cast %get3A_9 : vector<1x1024x128xf32> to vector<1024x128xf32>
    %add3A = arith.addf %get3A_5, %get3A_10 : vector<1024x128xf32>
    %get3A_11 = arith.constant 0 : index
    %get3A_12 = arith.constant 0 : index
    %get3A_13 = vector.load %arg2[%get3A_11, %get3A_12] : memref<1x1024xf32, #tpu.memory_space<vmem>>, vector<1x1024xf32>
    %reshape3A = vector.shape_cast %get3A_13 : vector<1x1024xf32> to vector<1024x1xf32>
    %mul3A = vector.broadcast %reshape3A : vector<1024x1xf32> to vector<1024x128xf32>
    %mul3A_14 = arith.mulf %add3A, %mul3A : vector<1024x128xf32>
    %get3A_15 = arith.constant 0 : index
    %get3A_16 = arith.constant 0 : index
    %get3A_17 = vector.load %arg7[%get3A_15, %get3A_16] : memref<1x128xf32, #tpu.memory_space<vmem>>, vector<1x128xf32>
    %add3A_18 = vector.broadcast %get3A_17 : vector<1x128xf32> to vector<1024x128xf32>
    %add3A_19 = arith.addf %mul3A_14, %add3A_18 : vector<1024x128xf32>
    %max3A = arith.constant 0.000000e+00 : f32
    %max3A_20 = vector.broadcast %max3A : f32 to vector<1024x128xf32>
    %max3A_21 = arith.maximumf %add3A_19, %max3A_20 : vector<1024x128xf32>
    %mul3A_22 = vector.broadcast %reshape3A : vector<1024x1xf32> to vector<1024x128xf32>
    %mul3A_23 = arith.mulf %max3A_21, %mul3A_22 : vector<1024x128xf32>
    %get3A_24 = arith.constant 0 : index
    %get3A_25 = arith.constant 0 : index
    %get3A_26 = arith.constant 0 : index
    %get3A_27 = vector.load %arg3[%get3A_24, %get3A_25, %get3A_26] : memref<2x128x1024xf32, #tpu.memory_space<vmem>>, vector<1x128x1024xf32>
    %get3A_28 = vector.shape_cast %get3A_27 : vector<1x128x1024xf32> to vector<128x1024xf32>
    %get3A_29 = arith.constant 1 : index
    %get3A_30 = arith.constant 0 : index
    %get3A_31 = arith.constant 0 : index
    %get3A_32 = vector.load %arg3[%get3A_29, %get3A_30, %get3A_31] : memref<2x128x1024xf32, #tpu.memory_space<vmem>>, vector<1x128x1024xf32>
    %get3A_33 = vector.shape_cast %get3A_32 : vector<1x128x1024xf32> to vector<128x1024xf32>
    %add3A_34 = arith.addf %get3A_28, %get3A_33 : vector<128x1024xf32>
    %get3A_35 = arith.constant 0 : index
    %get3A_36 = arith.constant 0 : index
    %get3A_37 = vector.load %arg11[%get3A_35, %get3A_36] : memref<128x128xf32, #tpu.memory_space<vmem>>, vector<128x128xf32>
    %dot_general3A = arith.constant dense<0.000000e+00> : vector<128x128xf32>
    %dot_general3A_38 = tpu.matmul %add3A_34, %mul3A_23, %dot_general3A {dimension_numbers = #tpu.dot_dimension_numbers<[1], [0], [0], [1], [0, 0, 1, 1], [], []>, transpose_lhs_hint = false} : vector<128x1024xf32>, vector<1024x128xf32>, vector<128x128xf32> -> vector<128x128xf32>
    %add3A_39 = arith.addf %get3A_37, %dot_general3A_38 : vector<128x128xf32>
    %swap3A = arith.constant 0 : index
    %swap3A_40 = arith.constant 0 : index
    %swap3A_41 = vector.load %arg11[%swap3A, %swap3A_40] : memref<128x128xf32, #tpu.memory_space<vmem>>, vector<128x128xf32>
    tpu.vector_store %arg11[%swap3A, %swap3A_40], %add3A_39 {strides = array<i32>} : memref<128x128xf32, #tpu.memory_space<vmem>>, vector<128x128xf32>,
    %eq3A_42 = arith.constant 9 : i32
    %eq3A_43 = arith.cmpi eq, %arg0, %eq3A_42 : i32
    %convert_element_type3A_44 = arith.extui %eq3A_43 : i1 to i32
    %cond3A_45 = arith.constant 0 : i32
    %cond3A_46 = arith.cmpi ne, %convert_element_type3A_44, %cond3A_45 : i32
    scf.if %cond3A_46 {
      %get3A_47 = arith.constant 0 : index
      %get3A_48 = arith.constant 0 : index
      %get3A_49 = vector.load %arg5[%get3A_47, %get3A_48] : memref<128x128xf32, #tpu.memory_space<vmem>>, vector<128x128xf32>
      %get3A_50 = arith.constant 0 : index
      %get3A_51 = arith.constant 0 : index
      %get3A_52 = vector.load %arg6[%get3A_50, %get3A_51] : memref<128x64xf32, #tpu.memory_space<vmem>>, vector<128x64xf32>
      %dot_general3A_53 = arith.constant dense<0.000000e+00> : vector<128x64xf32>
      %dot_general3A_54 = tpu.matmul %get3A_49, %get3A_52, %dot_general3A_53 {dimension_numbers = #tpu.dot_dimension_numbers<[1], [0], [0], [1], [0, 0, 1, 1], [], []>, transpose_lhs_hint = false} : vector<128x128xf32>, vector<128x64xf32>, vector<128x64xf32> -> vector<128x64xf32>
      %get3A_55 = arith.constant 0 : index
      %get3A_56 = arith.constant 0 : index
      %get3A_57 = vector.load %arg4[%get3A_55, %get3A_56] : memref<2x136xf32, #tpu.memory_space<vmem>>, vector<1x128xf32>
      %get3A_58 = arith.constant 1 : index
      %get3A_59 = arith.constant 0 : index
      %get3A_60 = vector.load %arg4[%get3A_58, %get3A_59] : memref<2x136xf32, #tpu.memory_space<vmem>>, vector<1x128xf32>
      %add3A_61 = arith.addf %get3A_57, %get3A_60 : vector<1x128xf32>
      %reshape3A_62 = vector.shape_cast %add3A_61 : vector<1x128xf32> to vector<128x1xf32>
      %max3A_63 = arith.constant 1.000000e+00 : f32
      %max3A_64 = vector.broadcast %max3A_63 : f32 to vector<128x1xf32>
      %max3A_65 = arith.maximumf %reshape3A_62, %max3A_64 : vector<128x1xf32>
      %get3A_66 = arith.constant 0 : index
      %get3A_67 = arith.constant 0 : index
      %get3A_68 = vector.load %arg11[%get3A_66, %get3A_67] : memref<128x128xf32, #tpu.memory_space<vmem>>, vector<128x128xf32>
      %div3A = vector.broadcast %max3A_65 : vector<128x1xf32> to vector<128x128xf32>
      %div3A_69 = arith.divf %get3A_68, %div3A : vector<128x128xf32>
      %dot_general3A_70 = arith.constant dense<0.000000e+00> : vector<128x64xf32>
      %dot_general3A_71 = tpu.matmul %div3A_69, %dot_general3A_54, %dot_general3A_70 {dimension_numbers = #tpu.dot_dimension_numbers<[1], [0], [0], [1], [0, 0, 1, 1], [], []>, transpose_lhs_hint = false} : vector<128x128xf32>, vector<128x64xf32>, vector<128x64xf32> -> vector<128x64xf32>
      %get3A_72 = arith.constant 0 : index
      %get3A_73 = arith.constant 0 : index
      %get3A_74 = vector.load %arg8[%get3A_72, %get3A_73] : memref<1x128xf32, #tpu.memory_space<vmem>>, vector<1x128xf32>
      %get3A_75 = arith.constant 0 : index
      %get3A_76 = arith.constant 0 : index
      %get3A_77 = vector.load %arg6[%get3A_75, %get3A_76] : memref<128x64xf32, #tpu.memory_space<vmem>>, vector<128x64xf32>
      %dot_general3A_78 = arith.constant dense<0.000000e+00> : vector<1x64xf32>
      %dot_general3A_79 = tpu.matmul %get3A_74, %get3A_77, %dot_general3A_78 {dimension_numbers = #tpu.dot_dimension_numbers<[1], [0], [0], [1], [0, 0, 1, 1], [], []>, transpose_lhs_hint = false} : vector<1x128xf32>, vector<128x64xf32>, vector<1x64xf32> -> vector<1x64xf32>
      %add3A_80 = vector.broadcast %dot_general3A_79 : vector<1x64xf32> to vector<128x64xf32>
      %add3A_81 = arith.addf %dot_general3A_71, %add3A_80 : vector<128x64xf32>
      %get3A_82 = arith.constant 0 : index
      %get3A_83 = arith.constant 0 : index
      %get3A_84 = vector.load %arg9[%get3A_82, %get3A_83] : memref<1x64xf32, #tpu.memory_space<vmem>>, vector<1x64xf32>
      %add3A_85 = vector.broadcast %get3A_84 : vector<1x64xf32> to vector<128x64xf32>
      %add3A_86 = arith.addf %add3A_81, %add3A_85 : vector<128x64xf32>
      %swap3A_87 = arith.constant 0 : index
      %swap3A_88 = arith.constant 0 : index
      %swap3A_89 = vector.load %arg10[%swap3A_87, %swap3A_88] : memref<128x64xf32, #tpu.memory_space<vmem>>, vector<128x64xf32>
      tpu.vector_store %arg10[%swap3A_87, %swap3A_88], %add3A_86 {strides = array<i32>} : memref<128x64xf32, #tpu.memory_space<vmem>>, vector<128x64xf32>,
    } else {
    }
    return
  }
  func.func @transform_0(%arg0: i32) -> (i32, i32, i32) {
    %c0_i32 = arith.constant 0 : i32
    %c0_i32_0 = arith.constant 0 : i32
    %c0_i32_1 = arith.constant 0 : i32
    return %c0_i32, %arg0, %c0_i32_0 : i32, i32, i32
  }
  func.func @transform_1(%arg0: i32) -> (i32, i32) {
    %c0_i32 = arith.constant 0 : i32
    %c0_i32_0 = arith.constant 0 : i32
    return %c0_i32, %arg0 : i32, i32
  }
  func.func @transform_2(%arg0: i32) -> (i32, i32, i32) {
    %c0_i32 = arith.constant 0 : i32
    %c0_i32_0 = arith.constant 0 : i32
    %c0_i32_1 = arith.constant 0 : i32
    return %c0_i32, %c0_i32_0, %arg0 : i32, i32, i32
  }
  func.func @transform_3(%arg0: i32) -> (i32, i32) {
    %c0_i32 = arith.constant 0 : i32
    %c0_i32_0 = arith.constant 0 : i32
    %c0_i32_1 = arith.constant 0 : i32
    return %c0_i32, %c0_i32_0 : i32, i32
  }
  func.func @transform_4(%arg0: i32) -> (i32, i32) {
    %c0_i32 = arith.constant 0 : i32
    %c0_i32_0 = arith.constant 0 : i32
    %c0_i32_1 = arith.constant 0 : i32
    return %c0_i32, %c0_i32_0 : i32, i32
  }
  func.func @transform_5(%arg0: i32) -> (i32, i32) {
    %c0_i32 = arith.constant 0 : i32
    %c0_i32_0 = arith.constant 0 : i32
    %c0_i32_1 = arith.constant 0 : i32
    return %c0_i32, %c0_i32_0 : i32, i32
  }
  func.func @transform_6(%arg0: i32) -> (i32, i32) {
    %c0_i32 = arith.constant 0 : i32
    %c0_i32_0 = arith.constant 0 : i32
    %c0_i32_1 = arith.constant 0 : i32
    return %c0_i32, %c0_i32_0 : i32, i32
  }
  func.func @transform_7(%arg0: i32) -> (i32, i32) {
    %c0_i32 = arith.constant 0 : i32
    %c0_i32_0 = arith.constant 0 : i32
    %c0_i32_1 = arith.constant 0 : i32
    return %c0_i32, %c0_i32_0 : i32, i32
  }
  func.func @transform_8(%arg0: i32) -> (i32, i32) {
    %c0_i32 = arith.constant 0 : i32
    %c0_i32_0 = arith.constant 0 : i32
    %c0_i32_1 = arith.constant 0 : i32
    return %c0_i32, %c0_i32_0 : i32, i32
  }
  func.func @transform_9(%arg0: i32) -> (i32, i32) {
    %c0_i32 = arith.constant 0 : i32
    %c0_i32_0 = arith.constant 0 : i32
    %c0_i32_1 = arith.constant 0 : i32
    return %c0_i32, %c0_i32_0 : i32, i32
  }
}

</mosaic_0001>

<sc_bundles>
// kernel: kernel.10.cloned.1.call-start
scs
__scs_entry_jumppad:
0x0: {  	(pc) =	sbr.rel $0x88, $3  }
0x1: {  	(tag) =	ssettag $0x0;
	lr =	simm.s32 $0x1  }
0x2: {  	[smem:$0x3F98] =	sst lr;
	_ =	strace $0xD0000000  }
0x3: {  	_ = 	snop  }
0x4: {  	_ = 	snop  }
0x5: {  	_ = 	snop  }
0x6: {  	_ = 	snop  }
0x7: {  	_ = 	snop  }
__scs_overlays_trampoline_lowered:
0x8: {  	[smem:$0x3FA7] =	sst s0  }
0x9: {  	[smem:$0x3FA8] =	sst s1  }
0xa: {  	[smem:$0x3FA9] =	sst s2  }
0xb: {  	[smem:$0x3FAA] =	sst s3  }
0xc: {  	[smem:$0x3FAB] =	sst s4  }
0xd: {  	[smem:$0x3FAC] =	sst s5  }
0xe: {  	[smem:$0x3FAD] =	sst s6  }
0xf: {  	[smem:$0x3FAE] =	sst s7  }
0x10: {  	[smem:$0x3FAF] =	sst s8  }
0x11: {  	[smem:$0x3FB0] =	sst s9;
	s0 =	simm.s32 @!p0 $0x0  }
0x12: {  	s1 =	sld [smem:$0x3F96];
	s0 =	simm.s32 @p0 $0x1  }
0x13: {  	[smem:$0x3FB1] =	sst s0;
	s0 =	simm.s32 @!p1 $0x0  }
0x14: {  	s2 =	sld [smem:$0x3F95];
	s0 =	simm.s32 @p1 $0x1  }
0x15: {  	[smem:$0x3FB2] =	sst s0;
	s0 =	simm.s32 @!p2 $0x0  }
0x16: {  	s3 =	sld [smem:$0x3FDB];
	s0 =	simm.s32 @p2 $0x1  }
0x17: {  	s4 =	simm.s32 $0x1BF5;
	[smem:$0x3FB4] =	sst s0  }
0x18: {  	s0 =	sld [smem:$0x3F97];
	_ =	swait.ge [sflag:s4], $0x0  }
0x19: {  	s7 =	sld [smem:$0x3F98]  }
0x1a: {  	s8 =	sadd.s32 $0xFFFFE003, lr  }
0x1b: {  	s9 =	sadd.s32 $0xFFFFFEF7, lr;
	s5 =	simm.s32 $0xFFFFFFFF;
	p2 =	slt.u32 s8, $0xFFFFF086  }
0x1c: {  	p1 =	slt.u32 s9, $0xF7A;
	s5 =	simm.s32 @!p2 $0x0  }
0x1d: {  	s5 =	simm.s32 @p1 $0x1;
	p0 =	seq.s32 s7, s2  }
0x1e: {  	s7 =	smul.u32 @!p0 $0xF7A, s2;
	p2 =	seq.s32 @!p0 s5, $0x0  }
0x1f: {  	s9 =	smul.u32 $0xF7A, s1;
	s8 =	simm.s32 @!p0 $0x1BF5;
	p2 =	por !p2, p0  }
0x20: {  	[sflag:s8] =	ssyncset.s32 @!p0 $0xFFFFF086;
	s6 =	sadd.s32 @!p0 s3, s7;
	s7 =	simm.s32 @!p0 $0x108  }
0x21: {  	s3 =	sadd.s32 s3, s9;
	s6 =	sadd.s32 @!p0 $0x88, s6;
	s7 =	simm.s32 @p2 $0x1082  }
0x22: {  	[simem:s7], [sflag:s8] =	dma.local @!p0 [hbm:s6], $0xF7A  }
0x23: {  	s9 =	sor.u32 $0xD0000000, s2;
	s6 =	simm.s32 $0x108;
	_ =	swait.ge @!p0 [sflag:s8], $0x0  }
0x24: {  	s3 =	sadd.s32 $0x88, s3;
	s6 =	simm.s32 @!p1 $0x1082;
	[sflag:s4] =	ssyncset.s32 $0xFFFFF086  }
0x25: {  	[simem:s6], [sflag:s4] =	dma.local [hbm:s3], $0xF7A  }
0x26: {  	[smem:$0x3F98] =	sst s1;
	(tag) =	ssettag s2;
	_ =	strace s9  }
0x27: {  	s1 =	sld [smem:$0x3FA8]  }
0x28: {  	s2 =	sld [smem:$0x3FA9]  }
0x29: {  	s4 =	sld [smem:$0x3FAB]  }
0x2a: {  	p0 =	seq.s32 s5, $0x0;
	s5 =	sld [smem:$0x3FAC]  }
0x2b: {  	s6 =	sld [smem:$0x3FAD]  }
0x2c: {  	s7 =	sld [smem:$0x3FAE]  }
0x2d: {  	s3 =	simm.s32 $0x108;
	s8 =	sld [smem:$0x3FAF]  }
0x2e: {  	s3 =	simm.s32 @!p0 $0x1082;
	s9 =	sld [smem:$0x3FB0]  }
0x2f: {  	lr =	sadd.s32 s0, s3;
	s0 =	sld [smem:$0x3FA7]  }
0x30: {  	s3 =	sld [smem:$0x3FAA]  }
0x31: {  	[smem:$0x3FB3] =	sst s10  }
0x32: {  	s10 =	sld [smem:$0x3FB1];
	_ =	sdelay $0x3  }
0x33: {  	p0 =	seq.s32 s10, $0x1;
	s10 =	sld [smem:$0x3FB3];
	_ =	sdelay $0x3  }
0x34: {  	[smem:$0x3FB3] =	sst s10  }
0x35: {  	s10 =	sld [smem:$0x3FB2];
	_ =	sdelay $0x3  }
0x36: {  	p1 =	seq.s32 s10, $0x1;
	s10 =	sld [smem:$0x3FB3];
	_ =	sdelay $0x3  }
0x37: {  	[smem:$0x3FB3] =	sst s10  }
0x38: {  	s10 =	sld [smem:$0x3FB4]  }
0x39: {  	_ = 	snop;
	(pc) =	sbr.ind lr, $3  }
0x3a: {  	_ = 	snop  }
0x3b: {  	_ = 	snop  }
0x3c: {  	p2 =	seq.s32 s10, $0x1;
	s10 =	sld [smem:$0x3FB3]  }
0x3d: {  	_ =	shalt  }
0x3e: {  	_ =	shalt  }
0x3f: {  	_ =	shalt  }
0x40: {  	_ =	shalt  }
0x41: {  	_ =	shalt  }
0x42: {  	_ =	shalt  }
0x43: {  	_ =	shalt  }
0x44: {  	_ =	shalt  }
0x45: {  	_ =	shalt  }
0x46: {  	_ =	shalt  }
0x47: {  	_ =	shalt  }
0x48: {  	_ =	shalt  }
0x49: {  	_ =	shalt  }
0x4a: {  	_ =	shalt  }
0x4b: {  	_ =	shalt  }
0x4c: {  	_ =	shalt  }
0x4d: {  	_ =	shalt  }
0x4e: {  	_ =	shalt  }
0x4f: {  	_ =	shalt  }
0x50: {  	_ =	shalt  }
0x51: {  	_ =	shalt  }
0x52: {  	_ =	shalt  }
0x53: {  	_ =	shalt  }
0x54: {  	_ =	shalt  }
0x55: {  	_ =	shalt  }
0x56: {  	_ =	shalt  }
0x57: {  	_ =	shalt  }
0x58: {  	_ =	shalt  }
0x59: {  	_ =	shalt  }
0x5a: {  	_ =	shalt  }
0x5b: {  	_ =	shalt  }
0x5c: {  	_ =	shalt  }
0x5d: {  	_ =	shalt  }
0x5e: {  	_ =	shalt  }
0x5f: {  	_ =	shalt  }
0x60: {  	_ =	shalt  }
0x61: {  	_ =	shalt  }
0x62: {  	_ =	shalt  }
0x63: {  	_ =	shalt  }
0x64: {  	_ =	shalt  }
0x65: {  	_ =	shalt  }
0x66: {  	_ =	shalt  }
0x67: {  	_ =	shalt  }
0x68: {  	_ =	shalt  }
0x69: {  	_ =	shalt  }
0x6a: {  	_ =	shalt  }
0x6b: {  	_ =	shalt  }
0x6c: {  	_ =	shalt  }
0x6d: {  	_ =	shalt  }
0x6e: {  	_ =	shalt  }
0x6f: {  	_ =	shalt  }
0x70: {  	_ =	shalt  }
0x71: {  	_ =	shalt  }
0x72: {  	_ =	shalt  }
0x73: {  	_ =	shalt  }
0x74: {  	_ =	shalt  }
0x75: {  	_ =	shalt  }
0x76: {  	_ =	shalt  }
0x77: {  	_ =	shalt  }
0x78: {  	_ =	shalt  }
0x79: {  	_ =	shalt  }
0x7a: {  	_ =	shalt  }
0x7b: {  	_ =	shalt  }
0x7c: {  	_ =	shalt  }
0x7d: {  	_ =	shalt  }
0x7e: {  	_ =	shalt  }
0x7f: {  	_ =	shalt  }
0x80: {  	_ =	shalt  }
0x81: {  	_ =	shalt  }
0x82: {  	_ =	shalt  }
0x83: {  	_ =	shalt  }
0x84: {  	_ =	shalt  }
0x85: {  	_ =	shalt  }
0x86: {  	_ =	shalt  }
0x87: {  	_ =	shalt  }
.Lfunc_end0:
.L_simem_size_0:
called_computation.1_lowered:
.L_overlay_start_0:
0x88: {  	s2 =	sld [smem:$0x3FD9]  }
0x89: {  	s3 =	sld [smem:$0x3FFE];
	_ =	sdelay $0x1  }
0x8a: {  	s1 =	srdreg.scid  }
0x8b: {  	s0 =	sand.u32 $0x1, s1  }
0x8c: {  	s17 =	sshll.u32 s0, $0xA;
	s2 =	sadd.s32 s3, s2  }
0x8d: {  	s2 =	sadd.s32 s2, s17  }
0x8e: {  	[smem:$0x3FBF] =	sst s2  }
0x8f: {  	_ = 	snop  }
0x90: {  	(tm) =	ssettm $0x1  }
0x91: {  	s18 =	sld [smem:$0x3FFB];
	_ =	sdelay $0x3  }
0x92: {  	_ =	strace s18  }
0x93: {  	s2 =	sld [smem:$0x3FFC];
	_ =	sdelay $0x3  }
0x94: {  	_ =	strace s2  }
0x95: {  	s2 =	sld [smem:$0x3FFD];
	_ =	sdelay $0x3  }
0x96: {  	_ =	strace s2  }
0x97: {  	_ =	strace $0x8FFFFFFF  }
0x98: {  	s19 =	sld [smem:$0x3FDB];
	_ =	sdelay $0x1  }
0x99: {  	s20 =	simm.s32 $_scs_section_size  }
0x9a: {  	s4 =	simm.s32 $_size__tile_overlayer_lowered;
	s5 =	simm.s32 $_tile_overlayer_lowered  }
0x9b: {  	s6 =	simm.s32 $0x1BFF;
	s21 =	sshll.u32 s5, $0x1;
	s3 =	sadd.s32 s20, s19  }
0x9c: {  	s22 =	simm.s32 $0x0;
	s4 =	sshll.u32 s4, $0x1;
	s5 =	sadd.s32 s21, s3  }
0x9d: {  	[timem:s22], [sflag:s6] =	dma.local [hbm:s5], s4  }
0x9e: {  	_ =	swait.ge [sflag:s6], s4  }
0x9f: {  	s4 =	ssub.s32 $0x0, s4;
	[sflag:s6] =	ssyncset.done $0x0  }
0xa0: {  	[sflag:s6] =	ssyncadd.s32 s4;
	_ =	sdelay $0x1  }
0xa1: {  	s23 =	simm.s32 $0x1B8B  }
0xa2: {  	_ =	swait.ge [sflag:s23], $0x1  }
0xa3: {  	[sflag:s23] =	ssyncset.done $0x0  }
0xa4: {  	[sflag:s23] =	ssyncadd.s32 $0xFFFFFFFF  }
0xa5: {  	s4 =	sld [smem:$0x0]  }
0xa6: {  	s5 =	sand.u32 $0xFFFFFFFE, s1  }
0xa7: {  	p0 =	sne.s32 s1, s5  }
0xa8: {  	s5 =	sshll.u32 @p0 s5, $0xE  }
0xa9: {  	s5 =	sadd.s32 @p0 $0x11B8D, s5;
	s6 =	sshll.u32 @p0 s4, $0x11  }
0xaa: {  	s5 =	sor.u32 @p0 s6, s5  }
0xab: {  	[sflag:s5] =	ssyncadd.remote.s32 @p0 $0x1;
	_ =	sdelay $0x1  }
0xac: {  	s5 =	simm.s32 @p0 $0x1B8D  }
0xad: {  	_ =	swait.eq @p0 [sflag:s5], $0x1  }
0xae: {  	[sflag:s5] =	ssyncadd.s32 @p0 $0xFFFFFFFF  }
0xaf: {  	s6 =	sshll.u32 @!p0 s1, $0xE  }
0xb0: {  	s6 =	sor.u32 @!p0 $0x4000, s6;
	s5 =	simm.s32 @!p0 $0x1B8D  }
0xb1: {  	s4 =	sshll.u32 @!p0 s4, $0x11;
	s6 =	sadd.s32 @!p0 $0x11B8D, s6;
	_ =	swait.eq @!p0 [sflag:s5], $0x1  }
0xb2: {  	s4 =	sor.u32 @!p0 s4, s6;
	[sflag:s5] =	ssyncadd.s32 @!p0 $0xFFFFFFFF  }
0xb3: {  	s25 =	simm.s32 $0x1B8E;
	s24 =	sld [smem:$0x3FFE];
	[sflag:s4] =	ssyncadd.remote.s32 @!p0 $0x1  }
0xb4: {  	s26 =	simm.s32 $execute0_lowered;
	[smem:$0x3FD2] =	sst s25  }
0xb5: {  	s5 =	sshll.u32 s26, $0x1;
	_ =	strace $0x8000004C;
	[dreg:$0x1] =	wrdreg $0xFFFFFFFF  }
0xb6: {  	s28 =	simm.s32 $_size_execute0_lowered;
	s3 =	sadd.s32 s3, s5;
	[dreg:$0x0] =	wrdreg $0x0  }
0xb7: {  	s5 =	sshll.u32 s28, $0x1;
	[dreg:$0x2] =	wrdreg s3  }
0xb8: {  	[dreg:$0x3] =	wrdreg s5  }
0xb9: {  	[dreg:$0x4] =	wrdreg $0xC0  }
0xba: {  	_ =	task [dreg:s22], $0x5FFFF  }
0xbb: {  	[dreg:$0x1] =	wrdreg $0xFFFFFFFF  }
0xbc: {  	[dreg:$0x0] =	wrdreg $0x60  }
0xbd: {  	[dreg:$0x2] =	wrdreg s24  }
0xbe: {  	[dreg:$0x3] =	wrdreg $0xAE200  }
0xbf: {  	[dreg:$0x4] =	wrdreg $0x9  }
0xc0: {  	_ =	task.clear_ibuf [dreg:s22], $0x5FFFF;
	_ =	strace $0x9000004C  }
0xc1: {  	s29 =	simm.s32 $0x9;
	_ =	strace $0x8000004E  }
0xc2: {  	_ =	swait.ge [sflag:s29], $0x1  }
0xc3: {  	[sflag:s29] =	ssyncadd.s32 $0xFFFFFFFF  }
0xc4: {  	_ =	strace $0x9000004E  }
0xc5: {  	_ =	sfence  }
0xc6: {  	s30 =	sld [smem:$0x0];
	_ =	sdelay $0x2  }
0xc7: {  	s31 =	sshll.u32 s1, $0xD;
	s1 =	sshrl.u32 s1, $0x2  }
0xc8: {  	s4 =	sand.u32 $0x4000, s31;
	s1 =	sadd.s32 s1, s30  }
0xc9: {  	s0 =	sor.u32 s4, s0;
	s1 =	sshll.u32 s1, $0x11  }
0xca: {  	s0 =	sor.u32 s1, s0  }
0xcb: {  	s0 =	sadd.s32 $0x8F2B, s0  }
0xcc: {  	[sflag:s0] =	ssyncadd.remote.s32 $0x1  }
0xcd: {  	_ =	sfence.sel $0xFFFF  }
0xce: {  	[dreg:$0x0] =	wrdreg $0xFFFFFFFF;
	(pc) =	sbr.abs _section_cstart, $3  }
0xcf: {  	[dreg:$0x1] =	wrdreg $0xFFFFFFFF  }
0xd0: {  	_ =	task.clear_ibuf [dreg:s22], $0x2FFFF;
	_ =	strace $0x9FFFFFFF  }
0xd1: {  	(tm) =	ssettm $0x7FFFFFFF  }
tec
execute0_lowered:
.L_overlay_start_1:
0x0: {  	(tag) =	ssettag $0x1  }
0x1: {  	s0 =	srdreg.scid  }
0x2: {  	s8 =	stileid.u32;
	s1 =	rddreg [dreg:$0x0]  }
0x3: {  	s0 =	sand.u32 $0x1, s0;
	s3 =	sshll.u32 s8, $0x1;
	s6 =	smul.u32 $0x50000, s8  }
0x4: {  	s2 =	rddreg [dreg:$0x1];
	s8 =	smul.u32 $0x14000, s8;
	s4 =	sor.u32 s0, s3  }
0x5: {  	s3 =	simm.s32 $0x0;
	s14 =	ssub.s32 $0x2, s0;
	s0 =	smul.u32 $0x140000, s0  }
0x6: {  	s5 =	smul.u32 $0x4E2, s4;
	[smem:$0x7FF] =	sst s3;
	s4 =	sadd.s32 $0x16A00, s1  }
0x7: {  	s6 =	sshrl.u32 s6, $0x2;
	s9 =	sshrl.u32 s14, $0x1;
	s11 =	sadd.s32 $0x4000, s8  }
0x8: {  	s20 =	sadd.s32 $0x8000, s8;
	_ =	strace $0x8000004D;
	s6 =	sadd.s32 s6, s2  }
0x9: {  	s10 =	ssub.s32 s14, s9;
	s9 =	sadd.s32 s11, s2;
	s13 =	sadd.s32 s20, s2  }
0xa: {  	s21 =	sadd.s32 s8, s0;
	s11 =	sadd.s32 s0, s11;
	s22 =	sadd.s32 s0, s20  }
0xb: {  	s7 =	sadd.s32 s5, s1;
	s1 =	sadd.s32 $0x8EA00, s1;
	s15 =	sadd.s32 $0x1000, s6  }
0xc: {  	s5 =	sadd.s32 s8, s2;
	s16 =	sadd.s32 $0x2000, s6;
	[dreg:$0x3] =	wrdreg s15  }
0xd: {  	s17 =	sadd.s32 $0x3000, s6;
	s12 =	sadd.s32 $0x5000, s6;
	[dreg:$0x4] =	wrdreg s16  }
0xe: {  	s18 =	sadd.s32 $0x6000, s6;
	s19 =	sadd.s32 $0x7000, s6;
	[dreg:$0x5] =	wrdreg s17  }
0xf: {  	s14 =	sadd.s32 $0x9000, s6;
	s11 =	sshrl.u32 s11, $0x3;
	[dreg:$0x6] =	wrdreg s12  }
0x10: {  	s25 =	sadd.s32 $0xA000, s6;
	s26 =	sadd.s32 $0xB000, s6;
	[dreg:$0x7] =	wrdreg s18  }
0x11: {  	s28 =	sadd.s32 $0x11000, s6;
	s29 =	sadd.s32 $0x12000, s6;
	[dreg:$0x8] =	wrdreg s19  }
0x12: {  	s30 =	sadd.s32 $0x13000, s6;
	[dreg:$0x9] =	wrdreg s14;
	s15 =	sadd.s32 $0xC000, s8  }
0x13: {  	s14 =	sshrl.u32 s21, $0x3;
	s8 =	sadd.s32 $0x10000, s8;
	[dreg:$0xf] =	wrdreg s25  }
0x14: {  	s11 =	sadd.s32 s1, s11;
	[dreg:$0x10] =	wrdreg s26;
	s25 =	sadd.s32 $0xE000, s6  }
0x15: {  	s26 =	sadd.s32 $0xF000, s6;
	s31 =	sadd.s32 $0x2200, s7;
	s14 =	sadd.s32 s1, s14  }
0x16: {  	[dreg:$0xb] =	wrdreg s11;
	s23 =	sadd.s32 s0, s15;
	s11 =	sshrl.u32 s22, $0x3  }
0x17: {  	s0 =	sadd.s32 s0, s8;
	s21 =	sadd.s32 s15, s2;
	s22 =	sadd.s32 s8, s2  }
0x18: {  	s8 =	simm.s32 $0x4E20;
	[dreg:$0xa] =	wrdreg s14;
	s11 =	sadd.s32 s1, s11  }
0x19: {  	s12 =	sshrl.u32 s23, $0x3;
	s0 =	sshrl.u32 s0, $0x3;
	[dreg:$0xc] =	wrdreg s11  }
0x1a: {  	s24 =	sadd.s32 s1, s12;
	s0 =	sadd.s32 s1, s0;
	s1 =	sadd.s32 $0xC000, s7  }
0x1b: {  	s7 =	simm.s32 $0x3;
	s11 =	simm.s32 $0x1;
	[dreg:$0xd] =	wrdreg s24  }
0x1c: {  	s12 =	simm.s32 $0x0;
	[dreg:$0xe] =	wrdreg s0;
	s24 =	sadd.s32 $0xD000, s6  }
0x1d: {  	v0 =	vimm.f32 $0.0e+00;
	s0 =	smax.u32 s10, $0x1;
	s6 =	simm.s32 $0x9E20;
	s10 =	simm.s32 $0x50  }
.LBB2_1:
0x1e: {  	s14 =	sand.u32 $0x3E00, s3  }
0x1f: {  	s15 =	sand.u32 $0x70, s3;
	s16 =	sshrl.u32 s14, $0x2  }
0x20: {  	s14 =	simm.s32 $0x40;
	s16 =	sor.u32 s15, s16;
	s15 =	simm.s32 $0x0  }
.LBB2_2:
0x21: {  	p0 =	sne.s32 s14, $0x3FC0  }
0x22: {  	[tilespmem:s16+$0x9E20] =	vst v0;
	s15 =	sadd.s32 $0x10, s15;
	s16 =	smov.u32 s14;
	s14 =	sadd.s32 $0x40, s14  }
.Ltmp0:
0x23: {  	(pc) =	sbr.rel @p0 .LBB2_2-.Ltmp0, $4  }
0x24: {  	_ = 	snop  }
0x25: {  	s16 =	sand.u32 $0x3E00, s16  }
0x26: {  	s17 =	sand.u32 $0x70, s15;
	s16 =	sshrl.u32 s16, $0x2  }
0x27: {  	s16 =	sor.u32 s17, s16  }
0x28: {  	[tilespmem:s16+$0x9E20] =	vst v0  }
0x29: {  	[spmem:s5] =	stream.linear.scatter [tilespmem:s6], [sflag:$0x3], $0x1000, $0x38;
	[tilespmem:$0x1EE20] =	vst v63  }
0x2a: {  	_ =	swait.ge [sflag:s7], $0x1000  }
0x2b: {  	[sflag:s7] =	ssyncset.done $0x0  }
0x2c: {  	s14 =	rddreg [dreg:$0x3];
	[sflag:s7] =	ssyncadd.s32 $0xFFFFF000  }
0x2d: {  	[spmem:s14] =	stream.linear.scatter [tilespmem:s6], [sflag:$0x3], $0x1000, $0x38;
	[tilespmem:$0x1EE20] =	vst v63  }
0x2e: {  	_ =	swait.ge [sflag:s7], $0x1000  }
0x2f: {  	[sflag:s7] =	ssyncset.done $0x0  }
0x30: {  	s19 =	rddreg [dreg:$0x4];
	[sflag:s7] =	ssyncadd.s32 $0xFFFFF000  }
0x31: {  	[spmem:s19] =	stream.linear.scatter [tilespmem:s6], [sflag:$0x3], $0x1000, $0x38;
	[tilespmem:$0x1EE20] =	vst v63  }
0x32: {  	_ =	swait.ge [sflag:s7], $0x1000  }
0x33: {  	[sflag:s7] =	ssyncset.done $0x0  }
0x34: {  	s20 =	rddreg [dreg:$0x5];
	[sflag:s7] =	ssyncadd.s32 $0xFFFFF000  }
0x35: {  	[spmem:s20] =	stream.linear.scatter [tilespmem:s6], [sflag:$0x3], $0x1000, $0x38;
	[tilespmem:$0x1EE20] =	vst v63  }
0x36: {  	_ =	swait.ge [sflag:s7], $0x1000  }
0x37: {  	[sflag:s7] =	ssyncset.done $0x0  }
0x38: {  	[sflag:s7] =	ssyncadd.s32 $0xFFFFF000  }
0x39: {  	[spmem:s9] =	stream.linear.scatter [tilespmem:s6], [sflag:$0x3], $0x1000, $0x38;
	[tilespmem:$0x1EE20] =	vst v63  }
0x3a: {  	_ =	swait.ge [sflag:s7], $0x1000  }
0x3b: {  	[sflag:s7] =	ssyncset.done $0x0  }
0x3c: {  	s23 =	rddreg [dreg:$0x6];
	[sflag:s7] =	ssyncadd.s32 $0xFFFFF000  }
0x3d: {  	[spmem:s23] =	stream.linear.scatter [tilespmem:s6], [sflag:$0x3], $0x1000, $0x38;
	[tilespmem:$0x1EE20] =	vst v63  }
0x3e: {  	_ =	swait.ge [sflag:s7], $0x1000  }
0x3f: {  	[sflag:s7] =	ssyncset.done $0x0  }
0x40: {  	s15 =	rddreg [dreg:$0x7];
	[sflag:s7] =	ssyncadd.s32 $0xFFFFF000  }
0x41: {  	[spmem:s15] =	stream.linear.scatter [tilespmem:s6], [sflag:$0x3], $0x1000, $0x38;
	[tilespmem:$0x1EE20] =	vst v63  }
0x42: {  	_ =	swait.ge [sflag:s7], $0x1000  }
0x43: {  	[sflag:s7] =	ssyncset.done $0x0  }
0x44: {  	s16 =	rddreg [dreg:$0x8];
	[sflag:s7] =	ssyncadd.s32 $0xFFFFF000  }
0x45: {  	[spmem:s16] =	stream.linear.scatter [tilespmem:s6], [sflag:$0x3], $0x1000, $0x38;
	[tilespmem:$0x1EE20] =	vst v63  }
0x46: {  	_ =	swait.ge [sflag:s7], $0x1000  }
0x47: {  	[sflag:s7] =	ssyncset.done $0x0  }
0x48: {  	[sflag:s7] =	ssyncadd.s32 $0xFFFFF000  }
0x49: {  	[spmem:s13] =	stream.linear.scatter [tilespmem:s6], [sflag:$0x3], $0x1000, $0x38;
	[tilespmem:$0x1EE20] =	vst v63  }
0x4a: {  	_ =	swait.ge [sflag:s7], $0x1000  }
0x4b: {  	[sflag:s7] =	ssyncset.done $0x0  }
0x4c: {  	s17 =	rddreg [dreg:$0x9];
	[sflag:s7] =	ssyncadd.s32 $0xFFFFF000  }
0x4d: {  	[spmem:s17] =	stream.linear.scatter [tilespmem:s6], [sflag:$0x3], $0x1000, $0x38;
	[tilespmem:$0x1EE20] =	vst v63  }
0x4e: {  	_ =	swait.ge [sflag:s7], $0x1000  }
0x4f: {  	[sflag:s7] =	ssyncset.done $0x0  }
0x50: {  	s18 =	rddreg [dreg:$0xf];
	[sflag:s7] =	ssyncadd.s32 $0xFFFFF000  }
0x51: {  	[spmem:s18] =	stream.linear.scatter [tilespmem:s6], [sflag:$0x3], $0x1000, $0x38;
	[tilespmem:$0x1EE20] =	vst v63  }
0x52: {  	_ =	swait.ge [sflag:s7], $0x1000  }
0x53: {  	[sflag:s7] =	ssyncset.done $0x0  }
0x54: {  	s19 =	rddreg [dreg:$0x10];
	[sflag:s7] =	ssyncadd.s32 $0xFFFFF000  }
0x55: {  	[spmem:s19] =	stream.linear.scatter [tilespmem:s6], [sflag:$0x3], $0x1000, $0x38;
	[tilespmem:$0x1EE20] =	vst v63  }
0x56: {  	_ =	swait.ge [sflag:s7], $0x1000  }
0x57: {  	[sflag:s7] =	ssyncset.done $0x0  }
0x58: {  	[sflag:s7] =	ssyncadd.s32 $0xFFFFF000  }
0x59: {  	[spmem:s21] =	stream.linear.scatter [tilespmem:s6], [sflag:$0x3], $0x1000, $0x38;
	[tilespmem:$0x1EE20] =	vst v63  }
0x5a: {  	_ =	swait.ge [sflag:s7], $0x1000  }
0x5b: {  	[sflag:s7] =	ssyncset.done $0x0  }
0x5c: {  	[sflag:s7] =	ssyncadd.s32 $0xFFFFF000  }
0x5d: {  	[spmem:s24] =	stream.linear.scatter [tilespmem:s6], [sflag:$0x3], $0x1000, $0x38;
	[tilespmem:$0x1EE20] =	vst v63  }
0x5e: {  	_ =	swait.ge [sflag:s7], $0x1000  }
0x5f: {  	[sflag:s7] =	ssyncset.done $0x0  }
0x60: {  	[sflag:s7] =	ssyncadd.s32 $0xFFFFF000  }
0x61: {  	[spmem:s25] =	stream.linear.scatter [tilespmem:s6], [sflag:$0x3], $0x1000, $0x38;
	[tilespmem:$0x1EE20] =	vst v63  }
0x62: {  	_ =	swait.ge [sflag:s7], $0x1000  }
0x63: {  	[sflag:s7] =	ssyncset.done $0x0  }
0x64: {  	[sflag:s7] =	ssyncadd.s32 $0xFFFFF000  }
0x65: {  	[spmem:s26] =	stream.linear.scatter [tilespmem:s6], [sflag:$0x3], $0x1000, $0x38;
	[tilespmem:$0x1EE20] =	vst v63  }
0x66: {  	_ =	swait.ge [sflag:s7], $0x1000  }
0x67: {  	[sflag:s7] =	ssyncset.done $0x0  }
0x68: {  	[sflag:s7] =	ssyncadd.s32 $0xFFFFF000  }
0x69: {  	[spmem:s22] =	stream.linear.scatter [tilespmem:s6], [sflag:$0x3], $0x1000, $0x38;
	[tilespmem:$0x1EE20] =	vst v63  }
0x6a: {  	_ =	swait.ge [sflag:s7], $0x1000  }
0x6b: {  	[sflag:s7] =	ssyncset.done $0x0  }
0x6c: {  	[sflag:s7] =	ssyncadd.s32 $0xFFFFF000  }
0x6d: {  	[spmem:s28] =	stream.linear.scatter [tilespmem:s6], [sflag:$0x3], $0x1000, $0x38;
	[tilespmem:$0x1EE20] =	vst v63  }
0x6e: {  	_ =	swait.ge [sflag:s7], $0x1000  }
0x6f: {  	[sflag:s7] =	ssyncset.done $0x0  }
0x70: {  	[sflag:s7] =	ssyncadd.s32 $0xFFFFF000  }
0x71: {  	[spmem:s29] =	stream.linear.scatter [tilespmem:s6], [sflag:$0x3], $0x1000, $0x38;
	[tilespmem:$0x1EE20] =	vst v63  }
0x72: {  	_ =	swait.ge [sflag:s7], $0x1000  }
0x73: {  	[sflag:s7] =	ssyncset.done $0x0  }
0x74: {  	[sflag:s7] =	ssyncadd.s32 $0xFFFFF000  }
0x75: {  	[spmem:s30] =	stream.linear.scatter [tilespmem:s6], [sflag:$0x3], $0x1000, $0x38;
	[tilespmem:$0x1EE20] =	vst v63  }
0x76: {  	_ =	swait.ge [sflag:s7], $0x1000  }
0x77: {  	[sflag:s7] =	ssyncset.done $0x0  }
0x78: {  	[sflag:s7] =	ssyncadd.s32 $0xFFFFF000  }
0x79: {  	[tilespmem:s3], [sflag:$0x3] =	stream.linear.gather [hbm4b:s31+s3], $0x2710, $0x38;
	[tilespmem:$0x1EE20] =	vst v63  }
0x7a: {  	_ =	swait.ge [sflag:s7], $0x2710  }
0x7b: {  	[sflag:s7] =	ssyncset.done $0x0  }
0x7c: {  	s14 =	simm.s32 $0x2710;
	s15 =	simm.s32 $0x1;
	[sflag:s7] =	ssyncadd.s32 $0xFFFFD8F0  }
0x7d: {  	[tilespmem:s14], [sflag:$0x3] =	stream.linear.gather [hbm4b:s1+s3], $0x2710, $0x38;
	[tilespmem:$0x1EE20] =	vst v63  }
0x7e: {  	s15 =	sand.u32 $0x1, s15;
	_ =	swait.ge [sflag:s7], $0x2710  }
0x7f: {  	s20 =	simm.s32 $0x50;
	s17 =	smul.u32 $0xA000, s15;
	[sflag:s7] =	ssyncset.done $0x0  }
0x80: {  	s15 =	sadd.s32 $0x1, s15;
	s18 =	simm.s32 $0x0;
	[sflag:s7] =	ssyncadd.s32 $0xFFFFD8F0  }
0x81: {  	s17 =	sshrl.u32 s17, $0x2;
	s18 =	sand.u32 $0x1, s18;
	[bflag:$0x0] =	sbarrier.arrive $0xFFFF  }
0x82: {  	[tilespmem:s8], [sflag:$0x1] =	stream.indirect.gather [hbm4b:s4+s20], $0x80, s3, s20, $0xb8;
	[tilespmem:$0x1EE20] =	vst v63  }
0x83: {  	s17 =	sadd.s32 $0x4E20, s17;
	s19 =	sadd.s32 $0x1, s18;
	s18 =	smul.u32 $0xA000, s18  }
0x84: {  	[tilespmem:s17], [sflag:s15] =	stream.indirect.gather [hbm4b:s4+s10], $0x80, s20, s10, $0xb8;
	[tilespmem:$0x1EE20] =	vst v63  }
0x85: {  	s23 =	sshrl.u32 s18, $0x2;
	_ =	swait.ge [sflag:s19], $0x2800  }
0x86: {  	s18 =	simm.s32 $0x3;
	s17 =	simm.s32 $0x2;
	[sflag:s19] =	ssyncset.done $0x0  }
0x87: {  	s15 =	sadd.s32 $0x4E20, s23;
	s16 =	sand.u32 $0x1, s17;
	[sflag:s19] =	ssyncadd.s32 $0xFFFFD800  }
0x88: {  	[spmem:s2] =	stream.indirect.scatter.add.f32 [tilespmem:s15], [sflag:$0x3], $0x80, s14, s10, $0xb8;
	[tilespmem:$0x1EE20] =	vst v63  }
0x89: {  	s19 =	smul.u32 $0xA000, s16;
	s15 =	simm.s32 $0xA0;
	_ =	swait.ge [sflag:s7], $0x2800  }
.LBB2_4:
0x8a: {  	[sflag:s7] =	ssyncset.done $0x0  }
0x8b: {  	s14 =	sadd.s32 $0x50, s14;
	s20 =	smov.u32 s18;
	s23 =	sadd.s32 $0x1, s18  }
0x8c: {  	s17 =	sadd.s32 $0xFFFFFFFF, s17;
	s19 =	sshrl.u32 s19, $0x2;
	[sflag:s7] =	ssyncadd.s32 $0xFFFFD800  }
0x8d: {  	s16 =	sadd.s32 $0x1, s16;
	s17 =	sand.u32 $0x1, s17;
	s19 =	sadd.s32 $0x4E20, s19  }
0x8e: {  	p0 =	sne.s32 s18, $0x7C;
	s18 =	sadd.s32 $0x1, s17;
	s17 =	smul.u32 $0xA000, s17  }
0x8f: {  	[tilespmem:s19], [sflag:s16] =	stream.indirect.gather [hbm4b:s4+s10], $0x80, s15, s10, $0xb8;
	[tilespmem:$0x1EE20] =	vst v63  }
.Ltmp1:
0x90: {  	s16 =	sshrl.u32 s17, $0x2;
	_ =	swait.ge [sflag:s18], $0x2800;
	(pc) =	sbr.rel @p0 .LBB2_4-.Ltmp1, $4  }
0x91: {  	s17 =	smov.u32 s20;
	s19 =	sadd.s32 $0x4E20, s16;
	[sflag:s18] =	ssyncset.done $0x0  }
0x92: {  	s15 =	sadd.s32 $0x50, s15;
	s16 =	sand.u32 $0x1, s17;
	[sflag:s18] =	ssyncadd.s32 $0xFFFFD800  }
0x93: {  	[spmem:s2] =	stream.indirect.scatter.add.f32 [tilespmem:s19], [sflag:$0x3], $0x80, s14, s10, $0xb8;
	[tilespmem:$0x1EE20] =	vst v63  }
0x94: {  	s18 =	smov.u32 s23;
	s19 =	smul.u32 $0xA000, s16;
	_ =	swait.ge [sflag:s7], $0x2800  }
0x95: {  	[sflag:s7] =	ssyncset.done $0x0;
	s17 =	sadd.s32 $0xFFFFFFFF, s17;
	s16 =	sadd.s32 $0x1, s16  }
0x96: {  	s18 =	sshrl.u32 s19, $0x2;
	[sflag:s7] =	ssyncadd.s32 $0xFFFFD800;
	s17 =	sand.u32 $0x1, s17  }
0x97: {  	s18 =	sadd.s32 $0x4E20, s18;
	s20 =	sadd.s32 $0x1, s17;
	s17 =	smul.u32 $0xA000, s17  }
0x98: {  	[tilespmem:s18], [sflag:s16] =	stream.indirect.gather [hbm4b:s4+s10], $0x80, s15, s10, $0xb8;
	[tilespmem:$0x1EE20] =	vst v63  }
0x99: {  	_ =	swait.ge [sflag:s20], $0x2800  }
0x9a: {  	s23 =	sshrl.u32 s17, $0x2;
	[sflag:s20] =	ssyncset.done $0x0  }
0x9b: {  	s14 =	sadd.s32 $0x50, s14;
	s15 =	sadd.s32 $0x4E20, s23;
	[sflag:s20] =	ssyncadd.s32 $0xFFFFD800  }
0x9c: {  	[spmem:s2] =	stream.indirect.scatter.add.f32 [tilespmem:s15], [sflag:$0x3], $0x80, s14, s10, $0xb8;
	[tilespmem:$0x1EE20] =	vst v63  }
0x9d: {  	_ =	swait.ge [sflag:s7], $0x2800  }
0x9e: {  	[sflag:s7] =	ssyncset.done $0x0  }
0x9f: {  	[sflag:s7] =	ssyncadd.s32 $0xFFFFD800  }
0xa0: {  	_ =	swait.ge [sflag:s11], $0x2800  }
0xa1: {  	[sflag:s11] =	ssyncset.done $0x0  }
0xa2: {  	s16 =	simm.s32 $0x4DD0;
	[sflag:s11] =	ssyncadd.s32 $0xFFFFD800  }
0xa3: {  	[spmem:s2] =	stream.indirect.scatter.add.f32 [tilespmem:s8], [sflag:$0x3], $0x80, s16, s10, $0xb8;
	[tilespmem:$0x1EE20] =	vst v63  }
0xa4: {  	_ =	swait.ge [sflag:s7], $0x2800  }
0xa5: {  	[sflag:s7] =	ssyncset.done $0x0  }
0xa6: {  	s17 =	stileid.u32;
	[sflag:s7] =	ssyncadd.s32 $0xFFFFD800  }
0xa7: {  	s14 =	sshll.u32 s17, $0x6;
	[bflag:$0x0] =	sbarrier.arrive $0xFFFF  }
0xa8: {  	s18 =	sshrl.u32 s5, $0x3;
	s14 =	sor.u32 $0x1C03, s14;
	s19 =	rddreg [dreg:$0xa]  }
0xa9: {  	[hbm:s19], [sflag:s14] =	dma.local [spmem:s18], $0x800  }
0xaa: {  	_ =	swait.ge [sflag:s7], $0x800  }
0xab: {  	[sflag:s7] =	ssyncset.done $0x0  }
0xac: {  	s20 =	sshrl.u32 s9, $0x3;
	s23 =	rddreg [dreg:$0xb];
	[sflag:s7] =	ssyncadd.s32 $0xFFFFF800  }
0xad: {  	[hbm:s23], [sflag:s14] =	dma.local [spmem:s20], $0x800  }
0xae: {  	_ =	swait.ge [sflag:s7], $0x800  }
0xaf: {  	[sflag:s7] =	ssyncset.done $0x0  }
0xb0: {  	s16 =	sshrl.u32 s13, $0x3;
	s17 =	rddreg [dreg:$0xc];
	[sflag:s7] =	ssyncadd.s32 $0xFFFFF800  }
0xb1: {  	[hbm:s17], [sflag:s14] =	dma.local [spmem:s16], $0x800  }
0xb2: {  	_ =	swait.ge [sflag:s7], $0x800  }
0xb3: {  	[sflag:s7] =	ssyncset.done $0x0  }
0xb4: {  	s18 =	sshrl.u32 s21, $0x3;
	s19 =	rddreg [dreg:$0xd];
	[sflag:s7] =	ssyncadd.s32 $0xFFFFF800  }
0xb5: {  	[hbm:s19], [sflag:s14] =	dma.local [spmem:s18], $0x800  }
0xb6: {  	s12 =	sadd.s32 $0x1, s12;
	_ =	swait.ge [sflag:s7], $0x800  }
0xb7: {  	p0 =	sne.s32 s12, s0;
	s20 =	sshrl.u32 s22, $0x3;
	[sflag:s7] =	ssyncset.done $0x0  }
.Ltmp2:
0xb8: {  	s23 =	rddreg [dreg:$0xe];
	[sflag:s7] =	ssyncadd.s32 $0xFFFFF800;
	(pc) =	sbr.rel @p0 .LBB2_1-.Ltmp2, $4  }
0xb9: {  	[hbm:s23], [sflag:s14] =	dma.local [spmem:s20], $0x800  }
0xba: {  	_ =	swait.ge [sflag:s7], $0x800  }
0xbb: {  	[sflag:s7] =	ssyncset.done $0x0  }
0xbc: {  	[sflag:s7] =	ssyncadd.s32 $0xFFFFF800  }
0xbd: {  	_ =	sfence.sel $0x180000  }
0xbe: {  	[bflag:$0x0] =	sbarrier.arrive $0xFFFF  }
0xbf: {  	_ =	strace $0x9000004D  }
0xc0: {  	s0 =	stileid.u32;
	[bflag:$0x2] =	sbarrier.arrive $0xFFFF  }
0xc1: {  	p0 =	sne.s32 s0, $0x0;
	s0 =	rddreg [dreg:$0x2]  }
0xc2: {  	s0 =	sadd.s32 @!p0 $0x100000, s0  }
0xc3: {  	[sflag:s0] =	ssyncadd.tile.s32 @!p0 $0x1;
	_ =	shalt  }
.Lfunc_end2:
_tile_overlayer_lowered:
.L_overlay_start_2:
0xc4: {  	(tag) =	ssettag $0x2  }
0xc5: {  	s0 =	rddreg [dreg:$0x0];
	s2 =	stileid.u32  }
0xc6: {  	s1 =	rddreg [dreg:$0x1];
	p0 =	sne.s32 s2, $0x0  }
0xc7: {  	s3 =	rddreg [dreg:$0x2];
	[bflag:$0x3] =	sbarrier.arrive $0xFFFF;
	s2 =	simm.s32 @!p0 $0x1C03  }
0xc8: {  	[timem:s3], [sflag:s2] =	dma.local @!p0 [hbm:s0], s1  }
0xc9: {  	s0 =	simm.s32 @!p0 $0x3  }
0xca: {  	_ =	swait.ge @!p0 [sflag:s0], s1  }
0xcb: {  	s1 =	ssub.s32 @!p0 $0x0, s1;
	[sflag:s0] =	ssyncset.done @!p0 $0x0  }
0xcc: {  	[sflag:s0] =	ssyncadd.s32 @!p0 s1  }
0xcd: {  	[bflag:$0x3] =	sbarrier.arrive $0xFFFF  }
0xce: {  	_ =	shalt  }

// kernel: kernel.13.cloned.1.call-start
scs
__scs_entry_jumppad:
0x0: {  	(pc) =	sbr.rel $0x88, $3  }
0x1: {  	(tag) =	ssettag $0x0;
	lr =	simm.s32 $0x1  }
0x2: {  	[smem:$0x3F98] =	sst lr;
	_ =	strace $0xD0000000  }
0x3: {  	_ = 	snop  }
0x4: {  	_ = 	snop  }
0x5: {  	_ = 	snop  }
0x6: {  	_ = 	snop  }
0x7: {  	_ = 	snop  }
__scs_overlays_trampoline_lowered:
0x8: {  	[smem:$0x3FA7] =	sst s0  }
0x9: {  	[smem:$0x3FA8] =	sst s1  }
0xa: {  	[smem:$0x3FA9] =	sst s2  }
0xb: {  	[smem:$0x3FAA] =	sst s3  }
0xc: {  	[smem:$0x3FAB] =	sst s4  }
0xd: {  	[smem:$0x3FAC] =	sst s5  }
0xe: {  	[smem:$0x3FAD] =	sst s6  }
0xf: {  	[smem:$0x3FAE] =	sst s7  }
0x10: {  	[smem:$0x3FAF] =	sst s8  }
0x11: {  	[smem:$0x3FB0] =	sst s9;
	s0 =	simm.s32 @!p0 $0x0  }
0x12: {  	s1 =	sld [smem:$0x3F96];
	s0 =	simm.s32 @p0 $0x1  }
0x13: {  	[smem:$0x3FB1] =	sst s0;
	s0 =	simm.s32 @!p1 $0x0  }
0x14: {  	s2 =	sld [smem:$0x3F95];
	s0 =	simm.s32 @p1 $0x1  }
0x15: {  	[smem:$0x3FB2] =	sst s0;
	s0 =	simm.s32 @!p2 $0x0  }
0x16: {  	s3 =	sld [smem:$0x3FDB];
	s0 =	simm.s32 @p2 $0x1  }
0x17: {  	s4 =	simm.s32 $0x1BF5;
	[smem:$0x3FB4] =	sst s0  }
0x18: {  	s0 =	sld [smem:$0x3F97];
	_ =	swait.ge [sflag:s4], $0x0  }
0x19: {  	s7 =	sld [smem:$0x3F98]  }
0x1a: {  	s8 =	sadd.s32 $0xFFFFE003, lr  }
0x1b: {  	s9 =	sadd.s32 $0xFFFFFEF7, lr;
	s5 =	simm.s32 $0xFFFFFFFF;
	p2 =	slt.u32 s8, $0xFFFFF086  }
0x1c: {  	p1 =	slt.u32 s9, $0xF7A;
	s5 =	simm.s32 @!p2 $0x0  }
0x1d: {  	s5 =	simm.s32 @p1 $0x1;
	p0 =	seq.s32 s7, s2  }
0x1e: {  	s7 =	smul.u32 @!p0 $0xF7A, s2;
	p2 =	seq.s32 @!p0 s5, $0x0  }
0x1f: {  	s9 =	smul.u32 $0xF7A, s1;
	s8 =	simm.s32 @!p0 $0x1BF5;
	p2 =	por !p2, p0  }
0x20: {  	[sflag:s8] =	ssyncset.s32 @!p0 $0xFFFFF086;
	s6 =	sadd.s32 @!p0 s3, s7;
	s7 =	simm.s32 @!p0 $0x108  }
0x21: {  	s3 =	sadd.s32 s3, s9;
	s6 =	sadd.s32 @!p0 $0x88, s6;
	s7 =	simm.s32 @p2 $0x1082  }
0x22: {  	[simem:s7], [sflag:s8] =	dma.local @!p0 [hbm:s6], $0xF7A  }
0x23: {  	s9 =	sor.u32 $0xD0000000, s2;
	s6 =	simm.s32 $0x108;
	_ =	swait.ge @!p0 [sflag:s8], $0x0  }
0x24: {  	s3 =	sadd.s32 $0x88, s3;
	s6 =	simm.s32 @!p1 $0x1082;
	[sflag:s4] =	ssyncset.s32 $0xFFFFF086  }
0x25: {  	[simem:s6], [sflag:s4] =	dma.local [hbm:s3], $0xF7A  }
0x26: {  	[smem:$0x3F98] =	sst s1;
	(tag) =	ssettag s2;
	_ =	strace s9  }
0x27: {  	s1 =	sld [smem:$0x3FA8]  }
0x28: {  	s2 =	sld [smem:$0x3FA9]  }
0x29: {  	s4 =	sld [smem:$0x3FAB]  }
0x2a: {  	p0 =	seq.s32 s5, $0x0;
	s5 =	sld [smem:$0x3FAC]  }
0x2b: {  	s6 =	sld [smem:$0x3FAD]  }
0x2c: {  	s7 =	sld [smem:$0x3FAE]  }
0x2d: {  	s3 =	simm.s32 $0x108;
	s8 =	sld [smem:$0x3FAF]  }
0x2e: {  	s3 =	simm.s32 @!p0 $0x1082;
	s9 =	sld [smem:$0x3FB0]  }
0x2f: {  	lr =	sadd.s32 s0, s3;
	s0 =	sld [smem:$0x3FA7]  }
0x30: {  	s3 =	sld [smem:$0x3FAA]  }
0x31: {  	[smem:$0x3FB3] =	sst s10  }
0x32: {  	s10 =	sld [smem:$0x3FB1];
	_ =	sdelay $0x3  }
0x33: {  	p0 =	seq.s32 s10, $0x1;
	s10 =	sld [smem:$0x3FB3];
	_ =	sdelay $0x3  }
0x34: {  	[smem:$0x3FB3] =	sst s10  }
0x35: {  	s10 =	sld [smem:$0x3FB2];
	_ =	sdelay $0x3  }
0x36: {  	p1 =	seq.s32 s10, $0x1;
	s10 =	sld [smem:$0x3FB3];
	_ =	sdelay $0x3  }
0x37: {  	[smem:$0x3FB3] =	sst s10  }
0x38: {  	s10 =	sld [smem:$0x3FB4]  }
0x39: {  	_ = 	snop;
	(pc) =	sbr.ind lr, $3  }
0x3a: {  	_ = 	snop  }
0x3b: {  	_ = 	snop  }
0x3c: {  	p2 =	seq.s32 s10, $0x1;
	s10 =	sld [smem:$0x3FB3]  }
0x3d: {  	_ =	shalt  }
0x3e: {  	_ =	shalt  }
0x3f: {  	_ =	shalt  }
0x40: {  	_ =	shalt  }
0x41: {  	_ =	shalt  }
0x42: {  	_ =	shalt  }
0x43: {  	_ =	shalt  }
0x44: {  	_ =	shalt  }
0x45: {  	_ =	shalt  }
0x46: {  	_ =	shalt  }
0x47: {  	_ =	shalt  }
0x48: {  	_ =	shalt  }
0x49: {  	_ =	shalt  }
0x4a: {  	_ =	shalt  }
0x4b: {  	_ =	shalt  }
0x4c: {  	_ =	shalt  }
0x4d: {  	_ =	shalt  }
0x4e: {  	_ =	shalt  }
0x4f: {  	_ =	shalt  }
0x50: {  	_ =	shalt  }
0x51: {  	_ =	shalt  }
0x52: {  	_ =	shalt  }
0x53: {  	_ =	shalt  }
0x54: {  	_ =	shalt  }
0x55: {  	_ =	shalt  }
0x56: {  	_ =	shalt  }
0x57: {  	_ =	shalt  }
0x58: {  	_ =	shalt  }
0x59: {  	_ =	shalt  }
0x5a: {  	_ =	shalt  }
0x5b: {  	_ =	shalt  }
0x5c: {  	_ =	shalt  }
0x5d: {  	_ =	shalt  }
0x5e: {  	_ =	shalt  }
0x5f: {  	_ =	shalt  }
0x60: {  	_ =	shalt  }
0x61: {  	_ =	shalt  }
0x62: {  	_ =	shalt  }
0x63: {  	_ =	shalt  }
0x64: {  	_ =	shalt  }
0x65: {  	_ =	shalt  }
0x66: {  	_ =	shalt  }
0x67: {  	_ =	shalt  }
0x68: {  	_ =	shalt  }
0x69: {  	_ =	shalt  }
0x6a: {  	_ =	shalt  }
0x6b: {  	_ =	shalt  }
0x6c: {  	_ =	shalt  }
0x6d: {  	_ =	shalt  }
0x6e: {  	_ =	shalt  }
0x6f: {  	_ =	shalt  }
0x70: {  	_ =	shalt  }
0x71: {  	_ =	shalt  }
0x72: {  	_ =	shalt  }
0x73: {  	_ =	shalt  }
0x74: {  	_ =	shalt  }
0x75: {  	_ =	shalt  }
0x76: {  	_ =	shalt  }
0x77: {  	_ =	shalt  }
0x78: {  	_ =	shalt  }
0x79: {  	_ =	shalt  }
0x7a: {  	_ =	shalt  }
0x7b: {  	_ =	shalt  }
0x7c: {  	_ =	shalt  }
0x7d: {  	_ =	shalt  }
0x7e: {  	_ =	shalt  }
0x7f: {  	_ =	shalt  }
0x80: {  	_ =	shalt  }
0x81: {  	_ =	shalt  }
0x82: {  	_ =	shalt  }
0x83: {  	_ =	shalt  }
0x84: {  	_ =	shalt  }
0x85: {  	_ =	shalt  }
0x86: {  	_ =	shalt  }
0x87: {  	_ =	shalt  }
.Lfunc_end0:
.L_simem_size_0:
called_computation.2_lowered:
.L_overlay_start_0:
0x88: {  	s2 =	sld [smem:$0x3FD9]  }
0x89: {  	s3 =	sld [smem:$0x3FFE];
	_ =	sdelay $0x1  }
0x8a: {  	s1 =	srdreg.scid  }
0x8b: {  	s0 =	sand.u32 $0x1, s1  }
0x8c: {  	s16 =	sshll.u32 s0, $0xA;
	s2 =	sadd.s32 s3, s2  }
0x8d: {  	s2 =	sadd.s32 s2, s16  }
0x8e: {  	[smem:$0x3FBF] =	sst s2  }
0x8f: {  	_ = 	snop  }
0x90: {  	(tm) =	ssettm $0x1  }
0x91: {  	s17 =	sld [smem:$0x3FFB];
	_ =	sdelay $0x3  }
0x92: {  	_ =	strace s17  }
0x93: {  	s2 =	sld [smem:$0x3FFC];
	_ =	sdelay $0x3  }
0x94: {  	_ =	strace s2  }
0x95: {  	s2 =	sld [smem:$0x3FFD];
	_ =	sdelay $0x3  }
0x96: {  	_ =	strace s2  }
0x97: {  	_ =	strace $0x8FFFFFFF  }
0x98: {  	s18 =	sld [smem:$0x3FDB];
	_ =	sdelay $0x1  }
0x99: {  	s19 =	simm.s32 $_scs_section_size  }
0x9a: {  	s4 =	simm.s32 $_size__tile_overlayer_lowered;
	s5 =	simm.s32 $_tile_overlayer_lowered  }
0x9b: {  	s22 =	simm.s32 $0x1BFF;
	s21 =	sshll.u32 s5, $0x1;
	s2 =	sadd.s32 s19, s18  }
0x9c: {  	s6 =	simm.s32 $0x0;
	s20 =	sshll.u32 s4, $0x1;
	s4 =	sadd.s32 s21, s2  }
0x9d: {  	[timem:s6], [sflag:s22] =	dma.local [hbm:s4], s20  }
0x9e: {  	_ =	swait.ge [sflag:s22], s20  }
0x9f: {  	s3 =	ssub.s32 $0x0, s20;
	[sflag:s22] =	ssyncset.done $0x0  }
0xa0: {  	[sflag:s22] =	ssyncadd.s32 s3;
	_ =	sdelay $0x1  }
0xa1: {  	s23 =	simm.s32 $0x1B8B  }
0xa2: {  	_ =	swait.ge [sflag:s23], $0x1  }
0xa3: {  	[sflag:s23] =	ssyncset.done $0x0  }
0xa4: {  	s25 =	simm.s32 $0x1B8E;
	s24 =	sld [smem:$0x3FFE];
	[sflag:s23] =	ssyncadd.s32 $0xFFFFFFFF  }
0xa5: {  	s26 =	simm.s32 $execute0_lowered;
	[smem:$0x3FD2] =	sst s25  }
0xa6: {  	s4 =	sshll.u32 s26, $0x1;
	_ =	strace $0x80000049;
	[dreg:$0x1] =	wrdreg $0xFFFFFFFF  }
0xa7: {  	s28 =	simm.s32 $_size_execute0_lowered;
	s2 =	sadd.s32 s2, s4;
	[dreg:$0x0] =	wrdreg $0x0  }
0xa8: {  	s4 =	sshll.u32 s28, $0x1;
	[dreg:$0x2] =	wrdreg s2  }
0xa9: {  	[dreg:$0x3] =	wrdreg s4  }
0xaa: {  	[dreg:$0x4] =	wrdreg $0xC0  }
0xab: {  	_ =	task [dreg:s6], $0x5FFFF  }
0xac: {  	[dreg:$0x1] =	wrdreg $0xFFFFFFFF  }
0xad: {  	[dreg:$0x0] =	wrdreg $0x60  }
0xae: {  	[dreg:$0x2] =	wrdreg s24  }
0xaf: {  	[dreg:$0x3] =	wrdreg $0xAF600  }
0xb0: {  	[dreg:$0x4] =	wrdreg $0xA  }
0xb1: {  	_ =	task.clear_ibuf [dreg:s6], $0x5FFFF;
	_ =	strace $0x90000049  }
0xb2: {  	s29 =	simm.s32 $0xA;
	_ =	strace $0x8000004B  }
0xb3: {  	_ =	swait.ge [sflag:s29], $0x1  }
0xb4: {  	[sflag:s29] =	ssyncadd.s32 $0xFFFFFFFF  }
0xb5: {  	_ =	strace $0x9000004B  }
0xb6: {  	_ =	sfence  }
0xb7: {  	s30 =	sld [smem:$0x0];
	_ =	sdelay $0x2  }
0xb8: {  	s31 =	sshll.u32 s1, $0xD;
	s1 =	sshrl.u32 s1, $0x2  }
0xb9: {  	s3 =	sand.u32 $0x4000, s31;
	s1 =	sadd.s32 s1, s30  }
0xba: {  	s0 =	sor.u32 s3, s0;
	s1 =	sshll.u32 s1, $0x11  }
0xbb: {  	s0 =	sor.u32 s1, s0  }
0xbc: {  	s0 =	sadd.s32 $0x8F2B, s0  }
0xbd: {  	[sflag:s0] =	ssyncadd.remote.s32 $0x1  }
0xbe: {  	_ =	sfence.sel $0xFFFF  }
0xbf: {  	[dreg:$0x0] =	wrdreg $0xFFFFFFFF;
	(pc) =	sbr.abs _section_cstart, $3  }
0xc0: {  	[dreg:$0x1] =	wrdreg $0xFFFFFFFF  }
0xc1: {  	_ =	task.clear_ibuf [dreg:s6], $0x2FFFF;
	_ =	strace $0x9FFFFFFF  }
0xc2: {  	(tm) =	ssettm $0x7FFFFFFF  }
0xc3: {  	_ =	shalt  }
tec
execute0_lowered:
.L_overlay_start_1:
0x0: {  	(tag) =	ssettag $0x1  }
0x1: {  	s0 =	rddreg [dreg:$0x0];
	s2 =	srdreg.scid  }
0x2: {  	s1 =	simm.s32 $0x0;
	s6 =	stileid.u32;
	s9 =	sand.u32 $0x1, s2  }
0x3: {  	[smem:$0x7FF] =	sst s1;
	s14 =	sshll.u32 s6, $0x1;
	s2 =	smul.u32 $0x14000, s6  }
0x4: {  	s3 =	ssub.s32 $0x2, s9;
	s4 =	sor.u32 s9, s14;
	s14 =	smul.u32 $0x140000, s9  }
0x5: {  	s13 =	sadd.s32 $0x3EA00, s0;
	s5 =	sshrl.u32 s3, $0x1;
	s26 =	smul.u32 $0x4E2, s4  }
0x6: {  	s4 =	sor.u32 $0x2000, s2;
	s30 =	sor.u32 $0x3000, s2;
	s6 =	sadd.s32 $0x4000, s2  }
0x7: {  	s7 =	sadd.s32 $0x5000, s2;
	s9 =	sadd.s32 $0x6000, s2;
	s10 =	sadd.s32 $0x7000, s2  }
0x8: {  	s11 =	sadd.s32 $0x8000, s2;
	s12 =	sadd.s32 $0x9000, s2;
	s31 =	ssub.s32 s3, s5  }
0x9: {  	s3 =	sor.u32 $0x1000, s2;
	s16 =	sadd.s32 s2, s14;
	s18 =	sadd.s32 s14, s4  }
0xa: {  	s19 =	sadd.s32 s14, s30;
	s20 =	sadd.s32 s14, s6;
	s21 =	sadd.s32 s14, s7  }
0xb: {  	s5 =	sadd.s32 s14, s9;
	s8 =	sadd.s32 s14, s10;
	s16 =	sshrl.u32 s16, $0x3  }
0xc: {  	s17 =	sadd.s32 s14, s3;
	s24 =	sshrl.u32 s21, $0x3;
	s15 =	sadd.s32 s13, s16  }
0xd: {  	s17 =	sshrl.u32 s17, $0x3;
	s25 =	sadd.s32 s13, s24;
	[dreg:$0x3] =	wrdreg s15  }
0xe: {  	s31 =	smax.u32 s31, $0x1;
	s16 =	sadd.s32 s13, s17;
	[dreg:$0x8] =	wrdreg s25  }
0xf: {  	s17 =	sshrl.u32 s18, $0x3;
	s15 =	sadd.s32 s14, s11;
	[dreg:$0x4] =	wrdreg s16  }
0x10: {  	s18 =	sadd.s32 s13, s17;
	s16 =	sshrl.u32 s19, $0x3;
	s17 =	sshrl.u32 s20, $0x3  }
0x11: {  	s20 =	sshrl.u32 s15, $0x3;
	[dreg:$0x5] =	wrdreg s18;
	s22 =	sadd.s32 s13, s16  }
0x12: {  	s23 =	sadd.s32 s13, s17;
	s16 =	sshrl.u32 s5, $0x3;
	[dreg:$0x6] =	wrdreg s22  }
0x13: {  	s17 =	sshrl.u32 s8, $0x3;
	s21 =	sadd.s32 s13, s20;
	[dreg:$0x7] =	wrdreg s23  }
0x14: {  	s5 =	sadd.s32 $0xA000, s2;
	s16 =	sadd.s32 s13, s16;
	[dreg:$0xb] =	wrdreg s21  }
0x15: {  	s18 =	sadd.s32 $0xB000, s2;
	s19 =	sadd.s32 s13, s17;
	[dreg:$0x9] =	wrdreg s16  }
0x16: {  	s22 =	sadd.s32 s14, s12;
	s24 =	sadd.s32 s14, s18;
	[dreg:$0xa] =	wrdreg s19  }
0x17: {  	s17 =	sshrl.u32 s22, $0x3;
	s19 =	sadd.s32 s14, s5;
	s22 =	sadd.s32 $0xE000, s2  }
0x18: {  	s8 =	sadd.s32 s13, s17;
	s23 =	sshrl.u32 s19, $0x3;
	s19 =	sadd.s32 $0xC000, s2  }
0x19: {  	s17 =	sadd.s32 s14, s22;
	[dreg:$0xc] =	wrdreg s8;
	s8 =	sshrl.u32 s24, $0x3  }
0x1a: {  	s25 =	sadd.s32 s13, s23;
	s15 =	sadd.s32 s13, s8;
	s8 =	sadd.s32 $0xD000, s2  }
0x1b: {  	s20 =	sadd.s32 s14, s19;
	s24 =	sshrl.u32 s17, $0x3;
	s21 =	sadd.s32 s14, s8  }
0x1c: {  	[dreg:$0xd] =	wrdreg s25;
	s20 =	sshrl.u32 s20, $0x3;
	s16 =	sshrl.u32 s21, $0x3  }
0x1d: {  	s25 =	sadd.s32 s13, s24;
	[dreg:$0xe] =	wrdreg s15;
	s23 =	sadd.s32 s13, s16  }
0x1e: {  	s24 =	sadd.s32 $0x10000, s2;
	[dreg:$0x10] =	wrdreg s23;
	s23 =	sadd.s32 $0xF000, s2  }
0x1f: {  	s15 =	sadd.s32 s13, s20;
	[dreg:$0x11] =	wrdreg s25;
	s16 =	sadd.s32 s14, s23  }
0x20: {  	s25 =	sadd.s32 $0x11000, s2;
	s17 =	sadd.s32 s14, s24;
	s20 =	sshrl.u32 s16, $0x3  }
0x21: {  	[dreg:$0xf] =	wrdreg s15;
	s16 =	sshrl.u32 s17, $0x3;
	s20 =	sadd.s32 s13, s20  }
0x22: {  	s17 =	sadd.s32 s14, s25;
	[dreg:$0x12] =	wrdreg s20;
	s20 =	sadd.s32 s13, s16  }
0x23: {  	s16 =	sshrl.u32 s17, $0x3;
	s17 =	sadd.s32 $0x12000, s2;
	[dreg:$0x13] =	wrdreg s20  }
0x24: {  	s21 =	sadd.s32 s13, s16;
	s16 =	sadd.s32 $0x13000, s2;
	s15 =	sadd.s32 s14, s17  }
0x25: {  	[dreg:$0x14] =	wrdreg s21;
	s20 =	sshrl.u32 s15, $0x3;
	s14 =	sadd.s32 s14, s16  }
0x26: {  	s21 =	rddreg [dreg:$0x1];
	s15 =	sadd.s32 s26, s0;
	s26 =	sadd.s32 $0x16400, s0  }
0x27: {  	s0 =	sadd.s32 $0x15E00, s0;
	s20 =	sadd.s32 s13, s20;
	s14 =	sshrl.u32 s14, $0x3  }
0x28: {  	s28 =	sadd.s32 s3, s21;
	s29 =	sadd.s32 s4, s21;
	s3 =	sadd.s32 s11, s21  }
0x29: {  	s4 =	sadd.s32 s12, s21;
	s5 =	sadd.s32 s5, s21;
	s8 =	sadd.s32 s8, s21  }
0x2a: {  	s11 =	sadd.s32 s24, s21;
	s12 =	sadd.s32 s25, s21;
	s24 =	simm.s32 $0x50  }
0x2b: {  	[dreg:$0x15] =	wrdreg s20;
	s13 =	sadd.s32 s13, s14;
	s14 =	sadd.s32 s6, s21  }
0x2c: {  	s20 =	sadd.s32 s7, s21;
	s6 =	sadd.s32 s18, s21;
	[dreg:$0x16] =	wrdreg s13  }
0x2d: {  	s7 =	sadd.s32 s19, s21;
	_ =	strace $0x8000004A;
	[dreg:$0x17] =	wrdreg s26  }
0x2e: {  	s18 =	simm.s32 $0x9F60;
	s13 =	sadd.s32 s30, s21;
	[dreg:$0x18] =	wrdreg s0  }
0x2f: {  	s19 =	simm.s32 $0x3;
	s30 =	sadd.s32 $0x2200, s15;
	[dreg:$0x19] =	wrdreg s13  }
0x30: {  	s15 =	sadd.s32 $0xC000, s15;
	s26 =	sadd.s32 s2, s21;
	[dreg:$0x1a] =	wrdreg s14  }
0x31: {  	[dreg:$0x1b] =	wrdreg s20;
	s0 =	sadd.s32 s9, s21;
	s2 =	sadd.s32 s10, s21  }
0x32: {  	s9 =	sadd.s32 s22, s21;
	s10 =	sadd.s32 s23, s21;
	[dreg:$0x1c] =	wrdreg s30  }
0x33: {  	s13 =	sadd.s32 s17, s21;
	s14 =	sadd.s32 s16, s21;
	[dreg:$0x1d] =	wrdreg s15  }
0x34: {  	v0 =	vimm.f32 $0.0e+00;
	[dreg:$0x1e] =	wrdreg s31;
	s22 =	simm.s32 $0x4E20;
	s23 =	simm.s32 $0x7620  }
.LBB2_1:
0x35: {  	s16 =	simm.s32 $0x40;
	s17 =	simm.s32 $0x0  }
.LBB2_2:
0x36: {  	p0 =	sne.s32 s16, $0x3FC0;
	[tilespmem:s17+$0x9F60] =	vst v0;
	s17 =	smov.u32 s16;
	s16 =	sadd.s32 $0x40, s16  }
.Ltmp0:
0x37: {  	(pc) =	sbr.rel @p0 .LBB2_2-.Ltmp0, $2  }
0x38: {  	_ =	sdelay $0x2  }
0x39: {  	s17 =	sshra.s32 s17, $0x2  }
0x3a: {  	[tilespmem:s17+$0x9F60] =	vst v0  }
0x3b: {  	[spmem:s26] =	stream.linear.scatter [tilespmem:s18], [sflag:$0x3], $0x1000, $0x38;
	[tilespmem:$0x1EF60] =	vst v63  }
0x3c: {  	_ =	swait.ge [sflag:s19], $0x1000  }
0x3d: {  	[sflag:s19] =	ssyncset.done $0x0  }
0x3e: {  	[sflag:s19] =	ssyncadd.s32 $0xFFFFF000  }
0x3f: {  	[spmem:s28] =	stream.linear.scatter [tilespmem:s18], [sflag:$0x3], $0x1000, $0x38;
	[tilespmem:$0x1EF60] =	vst v63  }
0x40: {  	_ =	swait.ge [sflag:s19], $0x1000  }
0x41: {  	[sflag:s19] =	ssyncset.done $0x0  }
0x42: {  	[sflag:s19] =	ssyncadd.s32 $0xFFFFF000  }
0x43: {  	[spmem:s29] =	stream.linear.scatter [tilespmem:s18], [sflag:$0x3], $0x1000, $0x38;
	[tilespmem:$0x1EF60] =	vst v63  }
0x44: {  	_ =	swait.ge [sflag:s19], $0x1000  }
0x45: {  	[sflag:s19] =	ssyncset.done $0x0  }
0x46: {  	s15 =	rddreg [dreg:$0x19];
	[sflag:s19] =	ssyncadd.s32 $0xFFFFF000  }
0x47: {  	[spmem:s15] =	stream.linear.scatter [tilespmem:s18], [sflag:$0x3], $0x1000, $0x38;
	[tilespmem:$0x1EF60] =	vst v63  }
0x48: {  	_ =	swait.ge [sflag:s19], $0x1000  }
0x49: {  	[sflag:s19] =	ssyncset.done $0x0  }
0x4a: {  	s20 =	smov.u32 s29;
	s29 =	rddreg [dreg:$0x1a];
	[sflag:s19] =	ssyncadd.s32 $0xFFFFF000  }
0x4b: {  	[spmem:s29] =	stream.linear.scatter [tilespmem:s18], [sflag:$0x3], $0x1000, $0x38;
	[tilespmem:$0x1EF60] =	vst v63  }
0x4c: {  	_ =	swait.ge [sflag:s19], $0x1000  }
0x4d: {  	[sflag:s19] =	ssyncset.done $0x0  }
0x4e: {  	s16 =	rddreg [dreg:$0x1b];
	[sflag:s19] =	ssyncadd.s32 $0xFFFFF000  }
0x4f: {  	[spmem:s16] =	stream.linear.scatter [tilespmem:s18], [sflag:$0x3], $0x1000, $0x38;
	[tilespmem:$0x1EF60] =	vst v63  }
0x50: {  	_ =	swait.ge [sflag:s19], $0x1000  }
0x51: {  	[sflag:s19] =	ssyncset.done $0x0  }
0x52: {  	[sflag:s19] =	ssyncadd.s32 $0xFFFFF000  }
0x53: {  	[spmem:s0] =	stream.linear.scatter [tilespmem:s18], [sflag:$0x3], $0x1000, $0x38;
	[tilespmem:$0x1EF60] =	vst v63  }
0x54: {  	_ =	swait.ge [sflag:s19], $0x1000  }
0x55: {  	[sflag:s19] =	ssyncset.done $0x0  }
0x56: {  	[sflag:s19] =	ssyncadd.s32 $0xFFFFF000  }
0x57: {  	[spmem:s2] =	stream.linear.scatter [tilespmem:s18], [sflag:$0x3], $0x1000, $0x38;
	[tilespmem:$0x1EF60] =	vst v63  }
0x58: {  	_ =	swait.ge [sflag:s19], $0x1000  }
0x59: {  	[sflag:s19] =	ssyncset.done $0x0  }
0x5a: {  	[sflag:s19] =	ssyncadd.s32 $0xFFFFF000  }
0x5b: {  	[spmem:s3] =	stream.linear.scatter [tilespmem:s18], [sflag:$0x3], $0x1000, $0x38;
	[tilespmem:$0x1EF60] =	vst v63  }
0x5c: {  	_ =	swait.ge [sflag:s19], $0x1000  }
0x5d: {  	[sflag:s19] =	ssyncset.done $0x0  }
0x5e: {  	[sflag:s19] =	ssyncadd.s32 $0xFFFFF000  }
0x5f: {  	[spmem:s4] =	stream.linear.scatter [tilespmem:s18], [sflag:$0x3], $0x1000, $0x38;
	[tilespmem:$0x1EF60] =	vst v63  }
0x60: {  	_ =	swait.ge [sflag:s19], $0x1000  }
0x61: {  	[sflag:s19] =	ssyncset.done $0x0  }
0x62: {  	[sflag:s19] =	ssyncadd.s32 $0xFFFFF000  }
0x63: {  	[spmem:s5] =	stream.linear.scatter [tilespmem:s18], [sflag:$0x3], $0x1000, $0x38;
	[tilespmem:$0x1EF60] =	vst v63  }
0x64: {  	_ =	swait.ge [sflag:s19], $0x1000  }
0x65: {  	[sflag:s19] =	ssyncset.done $0x0  }
0x66: {  	[sflag:s19] =	ssyncadd.s32 $0xFFFFF000  }
0x67: {  	[spmem:s6] =	stream.linear.scatter [tilespmem:s18], [sflag:$0x3], $0x1000, $0x38;
	[tilespmem:$0x1EF60] =	vst v63  }
0x68: {  	_ =	swait.ge [sflag:s19], $0x1000  }
0x69: {  	[sflag:s19] =	ssyncset.done $0x0  }
0x6a: {  	[sflag:s19] =	ssyncadd.s32 $0xFFFFF000  }
0x6b: {  	[spmem:s7] =	stream.linear.scatter [tilespmem:s18], [sflag:$0x3], $0x1000, $0x38;
	[tilespmem:$0x1EF60] =	vst v63  }
0x6c: {  	_ =	swait.ge [sflag:s19], $0x1000  }
0x6d: {  	[sflag:s19] =	ssyncset.done $0x0  }
0x6e: {  	[sflag:s19] =	ssyncadd.s32 $0xFFFFF000  }
0x6f: {  	[spmem:s8] =	stream.linear.scatter [tilespmem:s18], [sflag:$0x3], $0x1000, $0x38;
	[tilespmem:$0x1EF60] =	vst v63  }
0x70: {  	_ =	swait.ge [sflag:s19], $0x1000  }
0x71: {  	[sflag:s19] =	ssyncset.done $0x0  }
0x72: {  	[sflag:s19] =	ssyncadd.s32 $0xFFFFF000  }
0x73: {  	[spmem:s9] =	stream.linear.scatter [tilespmem:s18], [sflag:$0x3], $0x1000, $0x38;
	[tilespmem:$0x1EF60] =	vst v63  }
0x74: {  	_ =	swait.ge [sflag:s19], $0x1000  }
0x75: {  	[sflag:s19] =	ssyncset.done $0x0  }
0x76: {  	[sflag:s19] =	ssyncadd.s32 $0xFFFFF000  }
0x77: {  	[spmem:s10] =	stream.linear.scatter [tilespmem:s18], [sflag:$0x3], $0x1000, $0x38;
	[tilespmem:$0x1EF60] =	vst v63  }
0x78: {  	_ =	swait.ge [sflag:s19], $0x1000  }
0x79: {  	[sflag:s19] =	ssyncset.done $0x0  }
0x7a: {  	[sflag:s19] =	ssyncadd.s32 $0xFFFFF000  }
0x7b: {  	[spmem:s11] =	stream.linear.scatter [tilespmem:s18], [sflag:$0x3], $0x1000, $0x38;
	[tilespmem:$0x1EF60] =	vst v63  }
0x7c: {  	_ =	swait.ge [sflag:s19], $0x1000  }
0x7d: {  	[sflag:s19] =	ssyncset.done $0x0  }
0x7e: {  	[sflag:s19] =	ssyncadd.s32 $0xFFFFF000  }
0x7f: {  	[spmem:s12] =	stream.linear.scatter [tilespmem:s18], [sflag:$0x3], $0x1000, $0x38;
	[tilespmem:$0x1EF60] =	vst v63  }
0x80: {  	_ =	swait.ge [sflag:s19], $0x1000  }
0x81: {  	[sflag:s19] =	ssyncset.done $0x0  }
0x82: {  	[sflag:s19] =	ssyncadd.s32 $0xFFFFF000  }
0x83: {  	[spmem:s13] =	stream.linear.scatter [tilespmem:s18], [sflag:$0x3], $0x1000, $0x38;
	[tilespmem:$0x1EF60] =	vst v63  }
0x84: {  	_ =	swait.ge [sflag:s19], $0x1000  }
0x85: {  	[sflag:s19] =	ssyncset.done $0x0  }
0x86: {  	[sflag:s19] =	ssyncadd.s32 $0xFFFFF000  }
0x87: {  	[spmem:s14] =	stream.linear.scatter [tilespmem:s18], [sflag:$0x3], $0x1000, $0x38;
	[tilespmem:$0x1EF60] =	vst v63  }
0x88: {  	_ =	swait.ge [sflag:s19], $0x1000  }
0x89: {  	[sflag:s19] =	ssyncset.done $0x0  }
0x8a: {  	s16 =	simm.s32 $0x0;
	s17 =	rddreg [dreg:$0x1c];
	[sflag:s19] =	ssyncadd.s32 $0xFFFFF000  }
0x8b: {  	[tilespmem:s16], [sflag:$0x3] =	stream.linear.gather [hbm4b:s17+s16], $0x2710, $0x38;
	[tilespmem:$0x1EF60] =	vst v63  }
0x8c: {  	_ =	swait.ge [sflag:s19], $0x2710  }
0x8d: {  	s30 =	smov.u32 s26;
	[sflag:s19] =	ssyncset.done $0x0  }
0x8e: {  	s26 =	simm.s32 $0x2710;
	s25 =	rddreg [dreg:$0x1d];
	[sflag:s19] =	ssyncadd.s32 $0xFFFFD8F0  }
0x8f: {  	[tilespmem:s26], [sflag:$0x3] =	stream.linear.gather [hbm4b:s25+s16], $0x2710, $0x38;
	[tilespmem:$0x1EF60] =	vst v63  }
0x90: {  	_ =	swait.ge [sflag:s19], $0x2710  }
0x91: {  	[sflag:s19] =	ssyncset.done $0x0  }
0x92: {  	s31 =	smov.u32 s28;
	s28 =	rddreg [dreg:$0x17];
	[sflag:s19] =	ssyncadd.s32 $0xFFFFD8F0  }
0x93: {  	[tilespmem:s22], [sflag:$0x3] =	stream.linear.gather [hbm4b:s28+s16], $0x2800, $0x38;
	[tilespmem:$0x1EF60] =	vst v63  }
0x94: {  	_ =	swait.ge [sflag:s19], $0x2800  }
0x95: {  	[sflag:s19] =	ssyncset.done $0x0  }
0x96: {  	s29 =	rddreg [dreg:$0x18];
	[sflag:s19] =	ssyncadd.s32 $0xFFFFD800  }
0x97: {  	[tilespmem:s23], [sflag:$0x3] =	stream.linear.gather [hbm4b:s29+s16], $0x2800, $0x38;
	[tilespmem:$0x1EF60] =	vst v63  }
0x98: {  	_ =	swait.ge [sflag:s19], $0x2800  }
0x99: {  	[sflag:s19] =	ssyncset.done $0x0  }
0x9a: {  	[sflag:s19] =	ssyncadd.s32 $0xFFFFD800  }
0x9b: {  	s17 =	simm.s32 $0x2730;
	s25 =	simm.s32 $0x20;
	[bflag:$0x0] =	sbarrier.arrive $0xFFFF  }
.LBB2_4:
0x9c: {  	s15 =	sand.u32 $0x1, s16;
	p0 =	slt.u32 s16, $0x2  }
0x9d: {  	s26 =	sadd.s32 @!p0 $0x1, s15  }
0x9e: {  	_ =	swait.ge @!p0 [sflag:s26], $0x50  }
0x9f: {  	[sflag:s26] =	ssyncset.done @!p0 $0x0  }
0xa0: {  	[sflag:s26] =	ssyncadd.s32 @!p0 $0xFFFFFFB0  }
0xa1: {  	v1 =	vld [tilespmem:s17+$0xFFFFFFE0];
	_ =	sdelay $0x7  }
0xa2: {  	v2 =	vld.idx.msk [tilespmem:v1+s23+$0x0], $0xffff  }
0xa3: {  	v3 =	vld [tilespmem:s25+$0xFFFFFFE0]  }
0xa4: {  	v1 =	vld.idx.msk [tilespmem:v1+s22+$0x0], $0xffff;
	_ =	sdelay $0x2  }
0xa5: {  	s26 =	smul.u32 $0x50, s15;
	v2 =	vmul.u32 $0x2800, v2;
	_ =	sdelay $0x1  }
0xa6: {  	[tilespmem:s26+$0x9EC0] =	vst v1;
	v2 =	vadd.s32 v3, v2  }
0xa7: {  	[tilespmem:s26+$0x9E20] =	vst v2  }
0xa8: {  	v1 =	vld [tilespmem:s17+$0xFFFFFFF0];
	_ =	sdelay $0x7  }
0xa9: {  	v2 =	vld.idx.msk [tilespmem:v1+s23+$0x0], $0xffff  }
0xaa: {  	v3 =	vld [tilespmem:s25+$0xFFFFFFF0]  }
0xab: {  	v1 =	vld.idx.msk [tilespmem:v1+s22+$0x0], $0xffff;
	_ =	sdelay $0x2  }
0xac: {  	v2 =	vmul.u32 $0x2800, v2;
	_ =	sdelay $0x1  }
0xad: {  	[tilespmem:s26+$0x9ED0] =	vst v1;
	v2 =	vadd.s32 v3, v2  }
0xae: {  	[tilespmem:s26+$0x9E30] =	vst v2  }
0xaf: {  	v1 =	vld [tilespmem:s17+$0x0];
	_ =	sdelay $0x7  }
0xb0: {  	v2 =	vld.idx.msk [tilespmem:v1+s23+$0x0], $0xffff  }
0xb1: {  	v3 =	vld [tilespmem:s25+$0x0]  }
0xb2: {  	v1 =	vld.idx.msk [tilespmem:v1+s22+$0x0], $0xffff;
	_ =	sdelay $0x2  }
0xb3: {  	v2 =	vmul.u32 $0x2800, v2;
	_ =	sdelay $0x1  }
0xb4: {  	[tilespmem:s26+$0x9EE0] =	vst v1;
	v2 =	vadd.s32 v3, v2  }
0xb5: {  	[tilespmem:s26+$0x9E40] =	vst v2  }
0xb6: {  	v1 =	vld [tilespmem:s17+$0x10];
	_ =	sdelay $0x7  }
0xb7: {  	v2 =	vld.idx.msk [tilespmem:v1+s23+$0x0], $0xffff  }
0xb8: {  	v3 =	vld [tilespmem:s25+$0x10]  }
0xb9: {  	v1 =	vld.idx.msk [tilespmem:v1+s22+$0x0], $0xffff;
	_ =	sdelay $0x2  }
0xba: {  	v2 =	vmul.u32 $0x2800, v2;
	_ =	sdelay $0x1  }
0xbb: {  	[tilespmem:s26+$0x9EF0] =	vst v1;
	v2 =	vadd.s32 v3, v2  }
0xbc: {  	[tilespmem:s26+$0x9E50] =	vst v2  }
0xbd: {  	v1 =	vld [tilespmem:s17+$0x20];
	_ =	sdelay $0x7  }
0xbe: {  	v2 =	vld.idx.msk [tilespmem:v1+s23+$0x0], $0xffff  }
0xbf: {  	v3 =	vld [tilespmem:s25+$0x20]  }
0xc0: {  	v1 =	vld.idx.msk [tilespmem:v1+s22+$0x0], $0xffff  }
0xc1: {  	s16 =	sadd.s32 $0x1, s16  }
0xc2: {  	p0 =	sne.s32 s16, $0x7D  }
.Ltmp1:
0xc3: {  	v2 =	vmul.u32 $0x2800, v2;
	(pc) =	sbr.rel @p0 .LBB2_4-.Ltmp1, $4  }
0xc4: {  	_ = 	snop  }
0xc5: {  	s15 =	sadd.s32 $0x1, s15;
	s28 =	sadd.s32 $0x9E20, s26;
	[tilespmem:s26+$0x9F00] =	vst v1;
	v2 =	vadd.s32 v3, v2  }
0xc6: {  	s29 =	sadd.s32 $0x9EC0, s26;
	s17 =	sadd.s32 $0x50, s17;
	s25 =	sadd.s32 $0x50, s25;
	[tilespmem:s26+$0x9E60] =	vst v2  }
0xc7: {  	[spmem:s21] =	stream.indirect.scatter.add.f32 [tilespmem:s29], [sflag:s15], $0x1, s28, s24, $0xb8;
	[tilespmem:$0x1EF60] =	vst v63  }
0xc8: {  	s15 =	simm.s32 $0x1  }
0xc9: {  	_ =	swait.ge [sflag:s15], $0x50  }
0xca: {  	[sflag:s15] =	ssyncset.done $0x0  }
0xcb: {  	s16 =	simm.s32 $0x2;
	[sflag:s15] =	ssyncadd.s32 $0xFFFFFFB0  }
0xcc: {  	_ =	swait.ge [sflag:s16], $0x50  }
0xcd: {  	[sflag:s16] =	ssyncset.done $0x0  }
0xce: {  	s17 =	stileid.u32;
	[sflag:s16] =	ssyncadd.s32 $0xFFFFFFB0  }
0xcf: {  	s15 =	sshll.u32 s17, $0x6;
	[bflag:$0x0] =	sbarrier.arrive $0xFFFF  }
0xd0: {  	s25 =	sshrl.u32 s30, $0x3;
	s16 =	sor.u32 $0x1C03, s15;
	s17 =	rddreg [dreg:$0x3]  }
0xd1: {  	[hbm:s17], [sflag:s16] =	dma.local [spmem:s25], $0x200  }
0xd2: {  	_ =	swait.ge [sflag:s19], $0x200  }
0xd3: {  	s26 =	smov.u32 s30;
	s28 =	smov.u32 s31;
	[sflag:s19] =	ssyncset.done $0x0  }
0xd4: {  	s30 =	sshrl.u32 s31, $0x3;
	s31 =	rddreg [dreg:$0x4];
	[sflag:s19] =	ssyncadd.s32 $0xFFFFFE00  }
0xd5: {  	[hbm:s31], [sflag:s16] =	dma.local [spmem:s30], $0x200  }
0xd6: {  	_ =	swait.ge [sflag:s19], $0x200  }
0xd7: {  	s29 =	smov.u32 s20;
	[sflag:s19] =	ssyncset.done $0x0  }
0xd8: {  	s20 =	sshrl.u32 s20, $0x3;
	s25 =	rddreg [dreg:$0x5];
	[sflag:s19] =	ssyncadd.s32 $0xFFFFFE00  }
0xd9: {  	[hbm:s25], [sflag:s16] =	dma.local [spmem:s20], $0x200  }
0xda: {  	_ =	swait.ge [sflag:s19], $0x200  }
0xdb: {  	[sflag:s19] =	ssyncset.done $0x0;
	s30 =	rddreg [dreg:$0x19]  }
0xdc: {  	s31 =	rddreg [dreg:$0x6];
	[sflag:s19] =	ssyncadd.s32 $0xFFFFFE00;
	s15 =	sshrl.u32 s30, $0x3  }
0xdd: {  	[hbm:s31], [sflag:s16] =	dma.local [spmem:s15], $0x200  }
0xde: {  	_ =	swait.ge [sflag:s19], $0x200  }
0xdf: {  	[sflag:s19] =	ssyncset.done $0x0;
	s20 =	rddreg [dreg:$0x1a]  }
0xe0: {  	s25 =	rddreg [dreg:$0x7];
	[sflag:s19] =	ssyncadd.s32 $0xFFFFFE00;
	s15 =	sshrl.u32 s20, $0x3  }
0xe1: {  	[hbm:s25], [sflag:s16] =	dma.local [spmem:s15], $0x200  }
0xe2: {  	_ =	swait.ge [sflag:s19], $0x200  }
0xe3: {  	[sflag:s19] =	ssyncset.done $0x0;
	s30 =	rddreg [dreg:$0x1b]  }
0xe4: {  	s31 =	rddreg [dreg:$0x8];
	[sflag:s19] =	ssyncadd.s32 $0xFFFFFE00;
	s15 =	sshrl.u32 s30, $0x3  }
0xe5: {  	[hbm:s31], [sflag:s16] =	dma.local [spmem:s15], $0x200  }
0xe6: {  	_ =	swait.ge [sflag:s19], $0x200  }
0xe7: {  	[sflag:s19] =	ssyncset.done $0x0  }
0xe8: {  	s20 =	sshrl.u32 s0, $0x3;
	s25 =	rddreg [dreg:$0x9];
	[sflag:s19] =	ssyncadd.s32 $0xFFFFFE00  }
0xe9: {  	[hbm:s25], [sflag:s16] =	dma.local [spmem:s20], $0x200  }
0xea: {  	_ =	swait.ge [sflag:s19], $0x200  }
0xeb: {  	[sflag:s19] =	ssyncset.done $0x0  }
0xec: {  	s30 =	sshrl.u32 s2, $0x3;
	s31 =	rddreg [dreg:$0xa];
	[sflag:s19] =	ssyncadd.s32 $0xFFFFFE00  }
0xed: {  	[hbm:s31], [sflag:s16] =	dma.local [spmem:s30], $0x200  }
0xee: {  	_ =	swait.ge [sflag:s19], $0x200  }
0xef: {  	[sflag:s19] =	ssyncset.done $0x0  }
0xf0: {  	s20 =	sshrl.u32 s3, $0x3;
	s25 =	rddreg [dreg:$0xb];
	[sflag:s19] =	ssyncadd.s32 $0xFFFFFE00  }
0xf1: {  	[hbm:s25], [sflag:s16] =	dma.local [spmem:s20], $0x200  }
0xf2: {  	_ =	swait.ge [sflag:s19], $0x200  }
0xf3: {  	[sflag:s19] =	ssyncset.done $0x0  }
0xf4: {  	s30 =	sshrl.u32 s4, $0x3;
	s31 =	rddreg [dreg:$0xc];
	[sflag:s19] =	ssyncadd.s32 $0xFFFFFE00  }
0xf5: {  	[hbm:s31], [sflag:s16] =	dma.local [spmem:s30], $0x200  }
0xf6: {  	_ =	swait.ge [sflag:s19], $0x200  }
0xf7: {  	[sflag:s19] =	ssyncset.done $0x0  }
0xf8: {  	s20 =	sshrl.u32 s5, $0x3;
	s25 =	rddreg [dreg:$0xd];
	[sflag:s19] =	ssyncadd.s32 $0xFFFFFE00  }
0xf9: {  	[hbm:s25], [sflag:s16] =	dma.local [spmem:s20], $0x200  }
0xfa: {  	_ =	swait.ge [sflag:s19], $0x200  }
0xfb: {  	[sflag:s19] =	ssyncset.done $0x0  }
0xfc: {  	s30 =	sshrl.u32 s6, $0x3;
	s31 =	rddreg [dreg:$0xe];
	[sflag:s19] =	ssyncadd.s32 $0xFFFFFE00  }
0xfd: {  	[hbm:s31], [sflag:s16] =	dma.local [spmem:s30], $0x200  }
0xfe: {  	_ =	swait.ge [sflag:s19], $0x200  }
0xff: {  	[sflag:s19] =	ssyncset.done $0x0  }
0x100: {  	s20 =	sshrl.u32 s7, $0x3;
	s25 =	rddreg [dreg:$0xf];
	[sflag:s19] =	ssyncadd.s32 $0xFFFFFE00  }
0x101: {  	[hbm:s25], [sflag:s16] =	dma.local [spmem:s20], $0x200  }
0x102: {  	_ =	swait.ge [sflag:s19], $0x200  }
0x103: {  	[sflag:s19] =	ssyncset.done $0x0  }
0x104: {  	s30 =	sshrl.u32 s8, $0x3;
	s31 =	rddreg [dreg:$0x10];
	[sflag:s19] =	ssyncadd.s32 $0xFFFFFE00  }
0x105: {  	[hbm:s31], [sflag:s16] =	dma.local [spmem:s30], $0x200  }
0x106: {  	_ =	swait.ge [sflag:s19], $0x200  }
0x107: {  	[sflag:s19] =	ssyncset.done $0x0  }
0x108: {  	s20 =	sshrl.u32 s9, $0x3;
	s25 =	rddreg [dreg:$0x11];
	[sflag:s19] =	ssyncadd.s32 $0xFFFFFE00  }
0x109: {  	[hbm:s25], [sflag:s16] =	dma.local [spmem:s20], $0x200  }
0x10a: {  	_ =	swait.ge [sflag:s19], $0x200  }
0x10b: {  	[sflag:s19] =	ssyncset.done $0x0  }
0x10c: {  	s30 =	sshrl.u32 s10, $0x3;
	s31 =	rddreg [dreg:$0x12];
	[sflag:s19] =	ssyncadd.s32 $0xFFFFFE00  }
0x10d: {  	[hbm:s31], [sflag:s16] =	dma.local [spmem:s30], $0x200  }
0x10e: {  	_ =	swait.ge [sflag:s19], $0x200  }
0x10f: {  	[sflag:s19] =	ssyncset.done $0x0  }
0x110: {  	s20 =	sshrl.u32 s11, $0x3;
	s25 =	rddreg [dreg:$0x13];
	[sflag:s19] =	ssyncadd.s32 $0xFFFFFE00  }
0x111: {  	[hbm:s25], [sflag:s16] =	dma.local [spmem:s20], $0x200  }
0x112: {  	_ =	swait.ge [sflag:s19], $0x200  }
0x113: {  	[sflag:s19] =	ssyncset.done $0x0  }
0x114: {  	s30 =	sshrl.u32 s12, $0x3;
	s31 =	rddreg [dreg:$0x14];
	[sflag:s19] =	ssyncadd.s32 $0xFFFFFE00  }
0x115: {  	[hbm:s31], [sflag:s16] =	dma.local [spmem:s30], $0x200  }
0x116: {  	_ =	swait.ge [sflag:s19], $0x200  }
0x117: {  	[sflag:s19] =	ssyncset.done $0x0  }
0x118: {  	s17 =	sshrl.u32 s13, $0x3;
	s20 =	rddreg [dreg:$0x15];
	[sflag:s19] =	ssyncadd.s32 $0xFFFFFE00  }
0x119: {  	[hbm:s20], [sflag:s16] =	dma.local [spmem:s17], $0x200  }
0x11a: {  	_ =	swait.ge [sflag:s19], $0x200  }
0x11b: {  	[sflag:s19] =	ssyncset.done $0x0  }
0x11c: {  	s25 =	sshrl.u32 s14, $0x3;
	s30 =	rddreg [dreg:$0x16];
	[sflag:s19] =	ssyncadd.s32 $0xFFFFFE00  }
0x11d: {  	[hbm:s30], [sflag:s16] =	dma.local [spmem:s25], $0x200  }
0x11e: {  	_ =	swait.ge [sflag:s19], $0x200  }
0x11f: {  	s1 =	sadd.s32 $0x1, s1;
	s31 =	rddreg [dreg:$0x1e]  }
0x120: {  	p0 =	sne.s32 s1, s31  }
.Ltmp2:
0x121: {  	_ = 	snop;
	(pc) =	sbr.rel @p0 .LBB2_1-.Ltmp2, $3  }
0x122: {  	_ =	sdelay $0x1  }
0x123: {  	[sflag:s19] =	ssyncset.done $0x0  }
0x124: {  	[sflag:s19] =	ssyncadd.s32 $0xFFFFFE00  }
0x125: {  	_ =	sfence.sel $0x180000  }
0x126: {  	[bflag:$0x0] =	sbarrier.arrive $0xFFFF  }
0x127: {  	_ =	strace $0x9000004A  }
0x128: {  	s0 =	stileid.u32;
	[bflag:$0x2] =	sbarrier.arrive $0xFFFF  }
0x129: {  	p0 =	sne.s32 s0, $0x0;
	s0 =	rddreg [dreg:$0x2]  }
0x12a: {  	s0 =	sadd.s32 @!p0 $0x100000, s0  }
0x12b: {  	[sflag:s0] =	ssyncadd.tile.s32 @!p0 $0x1;
	_ =	shalt  }
.Lfunc_end2:
_tile_overlayer_lowered:
.L_overlay_start_2:
0x12c: {  	(tag) =	ssettag $0x2  }
0x12d: {  	s0 =	rddreg [dreg:$0x0];
	s2 =	stileid.u32  }
0x12e: {  	s1 =	rddreg [dreg:$0x1];
	p0 =	sne.s32 s2, $0x0  }
0x12f: {  	s3 =	rddreg [dreg:$0x2];
	[bflag:$0x3] =	sbarrier.arrive $0xFFFF;
	s2 =	simm.s32 @!p0 $0x1C03  }
0x130: {  	[timem:s3], [sflag:s2] =	dma.local @!p0 [hbm:s0], s1  }
0x131: {  	s0 =	simm.s32 @!p0 $0x3  }
0x132: {  	_ =	swait.ge @!p0 [sflag:s0], s1  }
0x133: {  	s1 =	ssub.s32 @!p0 $0x0, s1;
	[sflag:s0] =	ssyncset.done @!p0 $0x0  }
0x134: {  	[sflag:s0] =	ssyncadd.s32 @!p0 s1  }
0x135: {  	[bflag:$0x3] =	sbarrier.arrive $0xFFFF  }
0x136: {  	_ =	shalt  }

// kernel: kernel.7.cloned.1.call-start
scs
__scs_entry_jumppad:
0x0: {  	(pc) =	sbr.rel $0x88, $3  }
0x1: {  	(tag) =	ssettag $0x0;
	lr =	simm.s32 $0x1  }
0x2: {  	[smem:$0x3F98] =	sst lr;
	_ =	strace $0xD0000000  }
0x3: {  	_ = 	snop  }
0x4: {  	_ = 	snop  }
0x5: {  	_ = 	snop  }
0x6: {  	_ = 	snop  }
0x7: {  	_ = 	snop  }
__scs_overlays_trampoline_lowered:
0x8: {  	[smem:$0x3FA7] =	sst s0  }
0x9: {  	[smem:$0x3FA8] =	sst s1  }
0xa: {  	[smem:$0x3FA9] =	sst s2  }
0xb: {  	[smem:$0x3FAA] =	sst s3  }
0xc: {  	[smem:$0x3FAB] =	sst s4  }
0xd: {  	[smem:$0x3FAC] =	sst s5  }
0xe: {  	[smem:$0x3FAD] =	sst s6  }
0xf: {  	[smem:$0x3FAE] =	sst s7  }
0x10: {  	[smem:$0x3FAF] =	sst s8  }
0x11: {  	[smem:$0x3FB0] =	sst s9;
	s0 =	simm.s32 @!p0 $0x0  }
0x12: {  	s1 =	sld [smem:$0x3F96];
	s0 =	simm.s32 @p0 $0x1  }
0x13: {  	[smem:$0x3FB1] =	sst s0;
	s0 =	simm.s32 @!p1 $0x0  }
0x14: {  	s2 =	sld [smem:$0x3F95];
	s0 =	simm.s32 @p1 $0x1  }
0x15: {  	[smem:$0x3FB2] =	sst s0;
	s0 =	simm.s32 @!p2 $0x0  }
0x16: {  	s3 =	sld [smem:$0x3FDB];
	s0 =	simm.s32 @p2 $0x1  }
0x17: {  	s4 =	simm.s32 $0x1BF5;
	[smem:$0x3FB4] =	sst s0  }
0x18: {  	s0 =	sld [smem:$0x3F97];
	_ =	swait.ge [sflag:s4], $0x0  }
0x19: {  	s7 =	sld [smem:$0x3F98]  }
0x1a: {  	s8 =	sadd.s32 $0xFFFFE003, lr  }
0x1b: {  	s9 =	sadd.s32 $0xFFFFFEF7, lr;
	s5 =	simm.s32 $0xFFFFFFFF;
	p2 =	slt.u32 s8, $0xFFFFF086  }
0x1c: {  	p1 =	slt.u32 s9, $0xF7A;
	s5 =	simm.s32 @!p2 $0x0  }
0x1d: {  	s5 =	simm.s32 @p1 $0x1;
	p0 =	seq.s32 s7, s2  }
0x1e: {  	s7 =	smul.u32 @!p0 $0xF7A, s2;
	p2 =	seq.s32 @!p0 s5, $0x0  }
0x1f: {  	s9 =	smul.u32 $0xF7A, s1;
	s8 =	simm.s32 @!p0 $0x1BF5;
	p2 =	por !p2, p0  }
0x20: {  	[sflag:s8] =	ssyncset.s32 @!p0 $0xFFFFF086;
	s6 =	sadd.s32 @!p0 s3, s7;
	s7 =	simm.s32 @!p0 $0x108  }
0x21: {  	s3 =	sadd.s32 s3, s9;
	s6 =	sadd.s32 @!p0 $0x88, s6;
	s7 =	simm.s32 @p2 $0x1082  }
0x22: {  	[simem:s7], [sflag:s8] =	dma.local @!p0 [hbm:s6], $0xF7A  }
0x23: {  	s9 =	sor.u32 $0xD0000000, s2;
	s6 =	simm.s32 $0x108;
	_ =	swait.ge @!p0 [sflag:s8], $0x0  }
0x24: {  	s3 =	sadd.s32 $0x88, s3;
	s6 =	simm.s32 @!p1 $0x1082;
	[sflag:s4] =	ssyncset.s32 $0xFFFFF086  }
0x25: {  	[simem:s6], [sflag:s4] =	dma.local [hbm:s3], $0xF7A  }
0x26: {  	[smem:$0x3F98] =	sst s1;
	(tag) =	ssettag s2;
	_ =	strace s9  }
0x27: {  	s1 =	sld [smem:$0x3FA8]  }
0x28: {  	s2 =	sld [smem:$0x3FA9]  }
0x29: {  	s4 =	sld [smem:$0x3FAB]  }
0x2a: {  	p0 =	seq.s32 s5, $0x0;
	s5 =	sld [smem:$0x3FAC]  }
0x2b: {  	s6 =	sld [smem:$0x3FAD]  }
0x2c: {  	s7 =	sld [smem:$0x3FAE]  }
0x2d: {  	s3 =	simm.s32 $0x108;
	s8 =	sld [smem:$0x3FAF]  }
0x2e: {  	s3 =	simm.s32 @!p0 $0x1082;
	s9 =	sld [smem:$0x3FB0]  }
0x2f: {  	lr =	sadd.s32 s0, s3;
	s0 =	sld [smem:$0x3FA7]  }
0x30: {  	s3 =	sld [smem:$0x3FAA]  }
0x31: {  	[smem:$0x3FB3] =	sst s10  }
0x32: {  	s10 =	sld [smem:$0x3FB1];
	_ =	sdelay $0x3  }
0x33: {  	p0 =	seq.s32 s10, $0x1;
	s10 =	sld [smem:$0x3FB3];
	_ =	sdelay $0x3  }
0x34: {  	[smem:$0x3FB3] =	sst s10  }
0x35: {  	s10 =	sld [smem:$0x3FB2];
	_ =	sdelay $0x3  }
0x36: {  	p1 =	seq.s32 s10, $0x1;
	s10 =	sld [smem:$0x3FB3];
	_ =	sdelay $0x3  }
0x37: {  	[smem:$0x3FB3] =	sst s10  }
0x38: {  	s10 =	sld [smem:$0x3FB4]  }
0x39: {  	_ = 	snop;
	(pc) =	sbr.ind lr, $3  }
0x3a: {  	_ = 	snop  }
0x3b: {  	_ = 	snop  }
0x3c: {  	p2 =	seq.s32 s10, $0x1;
	s10 =	sld [smem:$0x3FB3]  }
0x3d: {  	_ =	shalt  }
0x3e: {  	_ =	shalt  }
0x3f: {  	_ =	shalt  }
0x40: {  	_ =	shalt  }
0x41: {  	_ =	shalt  }
0x42: {  	_ =	shalt  }
0x43: {  	_ =	shalt  }
0x44: {  	_ =	shalt  }
0x45: {  	_ =	shalt  }
0x46: {  	_ =	shalt  }
0x47: {  	_ =	shalt  }
0x48: {  	_ =	shalt  }
0x49: {  	_ =	shalt  }
0x4a: {  	_ =	shalt  }
0x4b: {  	_ =	shalt  }
0x4c: {  	_ =	shalt  }
0x4d: {  	_ =	shalt  }
0x4e: {  	_ =	shalt  }
0x4f: {  	_ =	shalt  }
0x50: {  	_ =	shalt  }
0x51: {  	_ =	shalt  }
0x52: {  	_ =	shalt  }
0x53: {  	_ =	shalt  }
0x54: {  	_ =	shalt  }
0x55: {  	_ =	shalt  }
0x56: {  	_ =	shalt  }
0x57: {  	_ =	shalt  }
0x58: {  	_ =	shalt  }
0x59: {  	_ =	shalt  }
0x5a: {  	_ =	shalt  }
0x5b: {  	_ =	shalt  }
0x5c: {  	_ =	shalt  }
0x5d: {  	_ =	shalt  }
0x5e: {  	_ =	shalt  }
0x5f: {  	_ =	shalt  }
0x60: {  	_ =	shalt  }
0x61: {  	_ =	shalt  }
0x62: {  	_ =	shalt  }
0x63: {  	_ =	shalt  }
0x64: {  	_ =	shalt  }
0x65: {  	_ =	shalt  }
0x66: {  	_ =	shalt  }
0x67: {  	_ =	shalt  }
0x68: {  	_ =	shalt  }
0x69: {  	_ =	shalt  }
0x6a: {  	_ =	shalt  }
0x6b: {  	_ =	shalt  }
0x6c: {  	_ =	shalt  }
0x6d: {  	_ =	shalt  }
0x6e: {  	_ =	shalt  }
0x6f: {  	_ =	shalt  }
0x70: {  	_ =	shalt  }
0x71: {  	_ =	shalt  }
0x72: {  	_ =	shalt  }
0x73: {  	_ =	shalt  }
0x74: {  	_ =	shalt  }
0x75: {  	_ =	shalt  }
0x76: {  	_ =	shalt  }
0x77: {  	_ =	shalt  }
0x78: {  	_ =	shalt  }
0x79: {  	_ =	shalt  }
0x7a: {  	_ =	shalt  }
0x7b: {  	_ =	shalt  }
0x7c: {  	_ =	shalt  }
0x7d: {  	_ =	shalt  }
0x7e: {  	_ =	shalt  }
0x7f: {  	_ =	shalt  }
0x80: {  	_ =	shalt  }
0x81: {  	_ =	shalt  }
0x82: {  	_ =	shalt  }
0x83: {  	_ =	shalt  }
0x84: {  	_ =	shalt  }
0x85: {  	_ =	shalt  }
0x86: {  	_ =	shalt  }
0x87: {  	_ =	shalt  }
.Lfunc_end0:
.L_simem_size_0:
called_computation_lowered:
.L_overlay_start_0:
0x88: {  	s2 =	sld [smem:$0x3FD9]  }
0x89: {  	s3 =	sld [smem:$0x3FFE];
	_ =	sdelay $0x1  }
0x8a: {  	s1 =	srdreg.scid  }
0x8b: {  	s0 =	sand.u32 $0x1, s1  }
0x8c: {  	s17 =	sshll.u32 s0, $0xA;
	s2 =	sadd.s32 s3, s2  }
0x8d: {  	s2 =	sadd.s32 s2, s17  }
0x8e: {  	[smem:$0x3FBF] =	sst s2  }
0x8f: {  	_ = 	snop  }
0x90: {  	s2 =	sld [smem:$0x3FD0];
	(tm) =	ssettm $0x1  }
0x91: {  	s18 =	sld [smem:$0x3FFB];
	_ =	sdelay $0x3  }
0x92: {  	_ =	strace s18  }
0x93: {  	s3 =	sld [smem:$0x3FFC];
	_ =	sdelay $0x3  }
0x94: {  	_ =	strace s3  }
0x95: {  	s3 =	sld [smem:$0x3FFD];
	_ =	sdelay $0x3  }
0x96: {  	_ =	strace s3  }
0x97: {  	_ =	strace $0x8FFFFFFF  }
0x98: {  	s19 =	sld [smem:$0x3FDB];
	_ =	sdelay $0x1  }
0x99: {  	s4 =	simm.s32 $_scs_section_size  }
0x9a: {  	s5 =	simm.s32 $_size__tile_overlayer_lowered;
	s6 =	simm.s32 $_tile_overlayer_lowered  }
0x9b: {  	s22 =	simm.s32 $0x1BFF;
	s21 =	sshll.u32 s6, $0x1;
	s3 =	sadd.s32 s4, s19  }
0x9c: {  	s7 =	simm.s32 $0x0;
	s20 =	sshll.u32 s5, $0x1;
	s5 =	sadd.s32 s21, s3  }
0x9d: {  	[timem:s7], [sflag:s22] =	dma.local [hbm:s5], s20  }
0x9e: {  	_ =	swait.ge [sflag:s22], s20  }
0x9f: {  	s4 =	ssub.s32 $0x0, s20;
	[sflag:s22] =	ssyncset.done $0x0  }
0xa0: {  	[sflag:s22] =	ssyncadd.s32 s4;
	_ =	sdelay $0x1  }
0xa1: {  	s23 =	simm.s32 $0x1B8B  }
0xa2: {  	_ =	swait.ge [sflag:s23], $0x1  }
0xa3: {  	[sflag:s23] =	ssyncset.done $0x0  }
0xa4: {  	s25 =	simm.s32 $0x1B8E;
	s24 =	sld [smem:$0x3FFE];
	[sflag:s23] =	ssyncadd.s32 $0xFFFFFFFF  }
0xa5: {  	s26 =	simm.s32 $execute0_lowered;
	[smem:$0x3FD2] =	sst s25  }
0xa6: {  	s5 =	sshll.u32 s26, $0x1;
	_ =	strace $0x80000046;
	[dreg:$0x1] =	wrdreg $0xFFFFFFFF  }
0xa7: {  	s28 =	simm.s32 $_size_execute0_lowered;
	s3 =	sadd.s32 s3, s5;
	[dreg:$0x0] =	wrdreg $0x0  }
0xa8: {  	s5 =	sshll.u32 s28, $0x1;
	[dreg:$0x2] =	wrdreg s3  }
0xa9: {  	[dreg:$0x3] =	wrdreg s5  }
0xaa: {  	[dreg:$0x4] =	wrdreg $0xC0  }
0xab: {  	_ =	task [dreg:s7], $0x5FFFF  }
0xac: {  	[dreg:$0x1] =	wrdreg $0xFFFFFFFF  }
0xad: {  	[dreg:$0x0] =	wrdreg $0x60  }
0xae: {  	[dreg:$0x2] =	wrdreg s24  }
0xaf: {  	[dreg:$0x3] =	wrdreg s2  }
0xb0: {  	[dreg:$0x4] =	wrdreg $0x2B200  }
0xb1: {  	[dreg:$0x5] =	wrdreg $0x2DA00  }
0xb2: {  	[dreg:$0x6] =	wrdreg $0x9  }
0xb3: {  	_ =	task.clear_ibuf [dreg:s7], $0x7FFFF;
	_ =	strace $0x90000046  }
0xb4: {  	s29 =	simm.s32 $0x9;
	_ =	strace $0x80000048  }
0xb5: {  	_ =	swait.ge [sflag:s29], $0x1  }
0xb6: {  	[sflag:s29] =	ssyncadd.s32 $0xFFFFFFFF  }
0xb7: {  	_ =	strace $0x90000048  }
0xb8: {  	_ =	sfence  }
0xb9: {  	s30 =	sld [smem:$0x0];
	_ =	sdelay $0x2  }
0xba: {  	s31 =	sshll.u32 s1, $0xD;
	s1 =	sshrl.u32 s1, $0x2  }
0xbb: {  	s3 =	sand.u32 $0x4000, s31;
	s1 =	sadd.s32 s1, s30  }
0xbc: {  	s0 =	sor.u32 s3, s0;
	s1 =	sshll.u32 s1, $0x11  }
0xbd: {  	s0 =	sor.u32 s1, s0  }
0xbe: {  	s0 =	sadd.s32 $0x8F2B, s0  }
0xbf: {  	[sflag:s0] =	ssyncadd.remote.s32 $0x1  }
0xc0: {  	_ =	sfence.sel $0xFFFF  }
0xc1: {  	[dreg:$0x0] =	wrdreg $0xFFFFFFFF;
	(pc) =	sbr.abs _section_cstart, $3  }
0xc2: {  	[dreg:$0x1] =	wrdreg $0xFFFFFFFF  }
0xc3: {  	_ =	task.clear_ibuf [dreg:s7], $0x2FFFF;
	_ =	strace $0x9FFFFFFF  }
0xc4: {  	(tm) =	ssettm $0x7FFFFFFF  }
0xc5: {  	_ =	shalt  }
tec
execute0_lowered:
.L_overlay_start_1:
0x0: {  	(tag) =	ssettag $0x1  }
0x1: {  	s4 =	rddreg [dreg:$0x0]  }
0x2: {  	s8 =	rddreg [dreg:$0x1]  }
0x3: {  	s0 =	srdreg.scid;
	s1 =	rddreg [dreg:$0x2]  }
0x4: {  	s16 =	stileid.u32;
	s2 =	rddreg [dreg:$0x3];
	s3 =	simm.s32 $0x0  }
0x5: {  	s13 =	simm.s32 $0x50;
	s14 =	simm.s32 $0x2AD0;
	s15 =	simm.s32 $0x2760  }
0x6: {  	s17 =	simm.s32 $0x2800;
	s21 =	simm.s32 $0x0;
	s5 =	sand.u32 $0x1, s0  }
0x7: {  	s30 =	sshll.u32 s16, $0x1;
	s9 =	smul.u32 $0x280, s16;
	s0 =	rddreg [dreg:$0x4]  }
0x8: {  	[smem:$0x7FF] =	sst s3;
	p0 =	sne.s32 s16, $0x0;
	s18 =	sshll.u32 s16, $0x6  }
0x9: {  	s16 =	simm.s32 $0x27B0;
	s6 =	sor.u32 s5, s30;
	s10 =	smul.u32 $0x2800, s5  }
0xa: {  	_ =	strace $0x80000047;
	s11 =	ssub.s32 $0x2, s5;
	s12 =	smul.u32 $0x11, s5  }
0xb: {  	s18 =	sor.u32 $0x1C01, s18;
	s20 =	sshrl.u32 @!p0 s2, $0x3;
	s7 =	smul.u32 $0x4E2, s6  }
0xc: {  	s6 =	smul.u32 $0x28, s6;
	s31 =	sshrl.u32 s11, $0x1;
	s10 =	sadd.s32 s9, s10  }
0xd: {  	s11 =	ssub.s32 s11, s31;
	s8 =	sadd.s32 s8, s12;
	s12 =	simm.s32 $0x2710  }
0xe: {  	s7 =	sadd.s32 s7, s4;
	s6 =	sadd.s32 s6, s4;
	s10 =	sshrl.u32 s10, $0x3  }
0xf: {  	s10 =	sadd.s32 s10, s4;
	s4 =	sadd.s32 s9, s1;
	s5 =	sadd.s32 $0xC000, s7  }
0x10: {  	s6 =	sadd.s32 $0x15E00, s6;
	s9 =	smax.u32 s11, $0x1;
	s11 =	simm.s32 $0x1  }
0x11: {  	v0 =	vimm.f32 $0.0e+00;
	v1 =	vimm.f32 $1.000000000e+00;
	s7 =	sadd.s32 $0x16400, s10;
	s10 =	simm.s32 $0x2850;
	s19 =	sshrl.u32 s4, $0x3  }
.LBB2_1:
0x12: {  	[tilespmem:$0x2850] =	vst v0  }
0x13: {  	[tilespmem:$0x2860] =	vst v0  }
0x14: {  	[tilespmem:$0x2870] =	vst v0  }
0x15: {  	[tilespmem:$0x2880] =	vst v0  }
0x16: {  	[tilespmem:$0x2890] =	vst v0  }
0x17: {  	[tilespmem:$0x28A0] =	vst v0  }
0x18: {  	[tilespmem:$0x28B0] =	vst v0  }
0x19: {  	[tilespmem:$0x28C0] =	vst v0  }
0x1a: {  	[tilespmem:$0x28D0] =	vst v0  }
0x1b: {  	[tilespmem:$0x28E0] =	vst v0  }
0x1c: {  	[tilespmem:$0x28F0] =	vst v0  }
0x1d: {  	[tilespmem:$0x2900] =	vst v0  }
0x1e: {  	[tilespmem:$0x2910] =	vst v0  }
0x1f: {  	[tilespmem:$0x2920] =	vst v0  }
0x20: {  	[tilespmem:$0x2930] =	vst v0  }
0x21: {  	[tilespmem:$0x2940] =	vst v0  }
0x22: {  	[tilespmem:$0x2950] =	vst v0  }
0x23: {  	[tilespmem:$0x2960] =	vst v0  }
0x24: {  	[tilespmem:$0x2970] =	vst v0  }
0x25: {  	[tilespmem:$0x2980] =	vst v0  }
0x26: {  	[tilespmem:$0x2990] =	vst v0  }
0x27: {  	[tilespmem:$0x29A0] =	vst v0  }
0x28: {  	[tilespmem:$0x29B0] =	vst v0  }
0x29: {  	[tilespmem:$0x29C0] =	vst v0  }
0x2a: {  	[tilespmem:$0x29D0] =	vst v0  }
0x2b: {  	[tilespmem:$0x29E0] =	vst v0  }
0x2c: {  	[tilespmem:$0x29F0] =	vst v0  }
0x2d: {  	[tilespmem:$0x2A00] =	vst v0  }
0x2e: {  	[tilespmem:$0x2A10] =	vst v0  }
0x2f: {  	[tilespmem:$0x2A20] =	vst v0  }
0x30: {  	[tilespmem:$0x2A30] =	vst v0  }
0x31: {  	[tilespmem:$0x2A40] =	vst v0  }
0x32: {  	[tilespmem:$0x2A50] =	vst v0  }
0x33: {  	[tilespmem:$0x2A60] =	vst v0  }
0x34: {  	[tilespmem:$0x2A70] =	vst v0  }
0x35: {  	[tilespmem:$0x2A80] =	vst v0  }
0x36: {  	[tilespmem:$0x2A90] =	vst v0  }
0x37: {  	[tilespmem:$0x2AA0] =	vst v0  }
0x38: {  	[tilespmem:$0x2AB0] =	vst v0  }
0x39: {  	[tilespmem:$0x2AC0] =	vst v0  }
0x3a: {  	[tilespmem:$0x2AD0] =	vst v1  }
0x3b: {  	[tilespmem:$0x2AE0] =	vst v1  }
0x3c: {  	[tilespmem:$0x2AF0] =	vst v1  }
0x3d: {  	[tilespmem:$0x2B00] =	vst v1  }
0x3e: {  	[tilespmem:$0x2B10] =	vst v1  }
0x3f: {  	[spmem:s4] =	stream.linear.scatter [tilespmem:s10], [sflag:$0x1], $0x280, $0x38;
	[tilespmem:$0x2DB0] =	vst v63  }
0x40: {  	_ =	swait.ge [sflag:s11], $0x280  }
0x41: {  	[sflag:s11] =	ssyncset.done $0x0  }
0x42: {  	s22 =	simm.s32 @!p0 $0x2850;
	[sflag:s11] =	ssyncadd.s32 $0xFFFFFD80  }
0x43: {  	[spmem:s2] =	stream.linear.scatter @!p0 [tilespmem:s22], [sflag:$0x1], $0x88, $0x38;
	[tilespmem:$0x2DB0] =	vst v63  }
0x44: {  	s22 =	simm.s32 @!p0 $0x1  }
0x45: {  	_ =	swait.ge @!p0 [sflag:s22], $0x88  }
0x46: {  	[sflag:s22] =	ssyncset.done @!p0 $0x0  }
0x47: {  	[sflag:s22] =	ssyncadd.s32 @!p0 $0xFFFFFF78  }
0x48: {  	[tilespmem:s3], [sflag:$0x1] =	stream.linear.gather [hbm4b:s5+s3], $0x2710, $0x38;
	[tilespmem:$0x2DB0] =	vst v63  }
0x49: {  	_ =	swait.ge [sflag:s11], $0x2710  }
0x4a: {  	[sflag:s11] =	ssyncset.done $0x0  }
0x4b: {  	[sflag:s11] =	ssyncadd.s32 $0xFFFFD8F0  }
0x4c: {  	[tilespmem:s12], [sflag:$0x1] =	stream.linear.gather [hbm4b:s6+s3], $0x140, $0x38;
	[tilespmem:$0x2DB0] =	vst v63  }
0x4d: {  	_ =	swait.ge [sflag:s11], $0x140  }
0x4e: {  	[sflag:s11] =	ssyncset.done $0x0  }
0x4f: {  	[sflag:s11] =	ssyncadd.s32 $0xFFFFFEC0  }
0x50: {  	s31 =	simm.s32 $0x0;
	[bflag:$0x0] =	sbarrier.arrive $0xFFFF  }
0x51: {  	[spmem:s1] =	stream.indirect.scatter.add.f32 [tilespmem:s14], [sflag:$0x1], $0x1, s31, s13, $0xb8;
	[tilespmem:$0x2DB0] =	vst v63  }
0x52: {  	_ =	swait.ge [sflag:s11], $0x50  }
0x53: {  	s22 =	simm.s32 $0x140;
	[sflag:s11] =	ssyncset.done $0x0  }
.LBB2_2:
0x54: {  	s23 =	sshra.s32 s22, $0x2;
	[sflag:s11] =	ssyncadd.s32 $0xFFFFFFB0;
	p1 =	sne.s32 s22, $0x9B00  }
0x55: {  	[spmem:s1] =	stream.indirect.scatter.add.f32 [tilespmem:s14], [sflag:$0x1], $0x1, s23, s13, $0xb8;
	[tilespmem:$0x2DB0] =	vst v63  }
.Ltmp0:
0x56: {  	_ = 	snop;
	(pc) =	sbr.rel @p1 .LBB2_2-.Ltmp0, $4  }
0x57: {  	_ = 	snop  }
0x58: {  	s22 =	sadd.s32 $0x140, s22  }
0x59: {  	_ =	swait.ge [sflag:s11], $0x50  }
0x5a: {  	[sflag:s11] =	ssyncset.done $0x0  }
0x5b: {  	[sflag:s11] =	ssyncadd.s32 $0xFFFFFFB0  }
0x5c: {  	[spmem:s2] =	stream.indirect.scatter.add.f32 [tilespmem:s14], [sflag:$0x1], $0x1, s12, s13, $0xb8;
	[tilespmem:$0x2DB0] =	vst v63  }
0x5d: {  	_ =	swait.ge [sflag:s11], $0x50  }
0x5e: {  	[sflag:s11] =	ssyncset.done $0x0  }
0x5f: {  	[sflag:s11] =	ssyncadd.s32 $0xFFFFFFB0  }
0x60: {  	[spmem:s2] =	stream.indirect.scatter.add.f32 [tilespmem:s14], [sflag:$0x1], $0x1, s15, s13, $0xb8;
	[tilespmem:$0x2DB0] =	vst v63  }
0x61: {  	_ =	swait.ge [sflag:s11], $0x50  }
0x62: {  	[sflag:s11] =	ssyncset.done $0x0  }
0x63: {  	[sflag:s11] =	ssyncadd.s32 $0xFFFFFFB0  }
0x64: {  	[spmem:s2] =	stream.indirect.scatter.add.f32 [tilespmem:s14], [sflag:$0x1], $0x1, s16, s13, $0xb8;
	[tilespmem:$0x2DB0] =	vst v63  }
0x65: {  	_ =	swait.ge [sflag:s11], $0x50  }
0x66: {  	[sflag:s11] =	ssyncset.done $0x0  }
0x67: {  	[sflag:s11] =	ssyncadd.s32 $0xFFFFFFB0  }
0x68: {  	[spmem:s2] =	stream.indirect.scatter.add.f32 [tilespmem:s14], [sflag:$0x1], $0x1, s17, s13, $0xb8;
	[tilespmem:$0x2DB0] =	vst v63  }
0x69: {  	_ =	swait.ge [sflag:s11], $0x50  }
0x6a: {  	[sflag:s11] =	ssyncset.done $0x0  }
0x6b: {  	[sflag:s11] =	ssyncadd.s32 $0xFFFFFFB0  }
0x6c: {  	[bflag:$0x0] =	sbarrier.arrive $0xFFFF  }
0x6d: {  	[hbm:s7], [sflag:s18] =	dma.local [spmem:s19], $0x50  }
0x6e: {  	s21 =	sadd.s32 $0x1, s21;
	_ =	swait.ge [sflag:s11], $0x50  }
0x6f: {  	p1 =	sne.s32 s21, s9;
	[sflag:s11] =	ssyncset.done $0x0  }
.Ltmp1:
0x70: {  	s22 =	simm.s32 @!p0 $0x1;
	[sflag:s11] =	ssyncadd.s32 $0xFFFFFFB0;
	(pc) =	sbr.rel @p1 .LBB2_1-.Ltmp1, $4  }
0x71: {  	[hbm:s8], [sflag:s18] =	dma.local @!p0 [spmem:s20], $0x11  }
0x72: {  	_ =	swait.ge @!p0 [sflag:s22], $0x11  }
0x73: {  	[sflag:s22] =	ssyncset.done @!p0 $0x0  }
0x74: {  	[sflag:s22] =	ssyncadd.s32 @!p0 $0xFFFFFFEF  }
0x75: {  	_ =	sfence.sel $0x180000  }
0x76: {  	[bflag:$0x0] =	sbarrier.arrive $0xFFFF  }
0x77: {  	_ =	strace $0x90000047  }
0x78: {  	s0 =	sadd.s32 @!p0 $0x100000, s0;
	[bflag:$0x2] =	sbarrier.arrive $0xFFFF  }
0x79: {  	[sflag:s0] =	ssyncadd.tile.s32 @!p0 $0x1;
	_ =	shalt  }
.Lfunc_end2:
_tile_overlayer_lowered:
.L_overlay_start_2:
0x7a: {  	(tag) =	ssettag $0x2  }
0x7b: {  	s0 =	rddreg [dreg:$0x0];
	s2 =	stileid.u32  }
0x7c: {  	s1 =	rddreg [dreg:$0x1];
	p0 =	sne.s32 s2, $0x0  }
0x7d: {  	s3 =	rddreg [dreg:$0x2];
	[bflag:$0x3] =	sbarrier.arrive $0xFFFF;
	s2 =	simm.s32 @!p0 $0x1C01  }
0x7e: {  	[timem:s3], [sflag:s2] =	dma.local @!p0 [hbm:s0], s1  }
0x7f: {  	s0 =	simm.s32 @!p0 $0x1  }
0x80: {  	_ =	swait.ge @!p0 [sflag:s0], s1  }
0x81: {  	s1 =	ssub.s32 @!p0 $0x0, s1;
	[sflag:s0] =	ssyncset.done @!p0 $0x0  }
0x82: {  	[sflag:s0] =	ssyncadd.s32 @!p0 s1  }
0x83: {  	[bflag:$0x3] =	sbarrier.arrive $0xFFFF  }
0x84: {  	_ =	shalt  }

</sc_bundles>
